<compile_context>
chip_gen: v7x
topology: tpu7x:2x2x1
jax: 0.10.2.dev20260603
libtpu: 0.0.44.dev20260713+nightly
codegen_flags: <defaults>
</compile_context>

<pallas_src>
import jax
import jax.numpy as jnp
from jax import lax
from jax.experimental import pallas as pl
from jax.experimental.pallas import tpu as pltpu
from jax.experimental.pallas import tpu_sc as plsc

N = 4096
D = 1024
H = 2048
E = 8
S = 2
T = 256
NT = 40
NPAD = NT * T

TSH = 512
TCB = 512

SC_CORES = 2
SC_SUBCORES = 16
NW = SC_CORES * SC_SUBCORES
TPW = N // NW
CH = 16
NCH = TPW // CH


def _route_body(e1_ref, e2_ref, v1_ref, v2_ref, p1_ref, p2_ref, g1_ref,
                g2_ref, meta_ref):
    iota_e = lax.broadcasted_iota(jnp.int32, (E, N), 0)
    e1 = e1_ref[...]
    e2 = e2_ref[...]
    v1 = v1_ref[...]
    v2 = v2_ref[...]

    ex = jnp.exp(v2 - v1)
    den = 1.0 + ex
    g1_ref[...] = 1.0 / den
    g2_ref[...] = ex / den

    sel = (jnp.logical_or(iota_e == e1, iota_e == e2)).astype(jnp.int32)
    cum = sel
    k = 1
    while k < N:
        cum = cum + jnp.concatenate(
            [jnp.zeros((E, k), jnp.int32), cum[:, :N - k]], axis=1)
        k *= 2
    counts = cum[:, N - 1:N]
    pc = (counts + (T - 1)) // T
    incl = pc
    k = 1
    while k < E:
        incl = incl + jnp.concatenate(
            [jnp.zeros((k, 1), jnp.int32), incl[:E - k, :]], axis=0)
        k *= 2
    texcl = incl - pc
    pos = texcl * T + cum - 1
    p1_ref[...] = jnp.sum(jnp.where(iota_e == e1, pos, 0), axis=0,
                          keepdims=True)
    p2_ref[...] = jnp.sum(jnp.where(iota_e == e2, pos, 0), axis=0,
                          keepdims=True)

    total = incl[E - 1:E, :]
    iota_t = lax.broadcasted_iota(jnp.int32, (1, NT), 1)
    te = jnp.sum((iota_t >= texcl).astype(jnp.int32), axis=0,
                 keepdims=True) - 1
    tvalid = (iota_t < total).astype(jnp.int32)
    meta_ref[...] = jnp.concatenate([te, tvalid], axis=0)


def _route(e1, e2, v1, v2):
    return pl.pallas_call(
        _route_body,
        out_shape=[
            jax.ShapeDtypeStruct((1, N), jnp.int32),
            jax.ShapeDtypeStruct((1, N), jnp.int32),
            jax.ShapeDtypeStruct((1, N), jnp.float32),
            jax.ShapeDtypeStruct((1, N), jnp.float32),
            jax.ShapeDtypeStruct((2, NT), jnp.int32),
        ],
    )(e1, e2, v1, v2)


def _dispatch_body(x_hbm, p1_hbm, p2_hbm, xs_hbm, idx1_v, idx2_v, rows_a,
                   rows_b, semr, sems):
    wid = lax.axis_index("s") * SC_CORES + lax.axis_index("c")
    pltpu.sync_copy(p1_hbm.at[pl.ds(wid * NCH, NCH)], idx1_v)
    pltpu.sync_copy(p2_hbm.at[pl.ds(wid * NCH, NCH)], idx2_v)
    rows = (rows_a, rows_b)
    c_load = pltpu.async_copy(x_hbm.at[pl.ds(wid * TPW, CH)], rows_a, semr)
    prev = None
    for j in range(NCH):
        cur = rows[j % 2]
        c_load.wait()
        if prev is not None:
            prev[0].wait()
            prev[1].wait()
        if j + 1 < NCH:
            c_load = pltpu.async_copy(
                x_hbm.at[pl.ds(wid * TPW + (j + 1) * CH, CH)],
                rows[(j + 1) % 2], semr)
        s1 = pltpu.async_copy(cur, xs_hbm.at[idx1_v.at[j]], sems)
        s2 = pltpu.async_copy(cur, xs_hbm.at[idx2_v.at[j]], sems)
        prev = (s1, s2)
    prev[0].wait()
    prev[1].wait()


def _dispatch(xf, pos1, pos2):
    mesh = plsc.VectorSubcoreMesh(core_axis_name="c", subcore_axis_name="s")
    return pl.kernel(
        _dispatch_body,
        out_type=jax.ShapeDtypeStruct((NPAD, D), jnp.float32),
        mesh=mesh,
        scratch_types=[
            pltpu.VMEM((NCH, CH), jnp.int32),
            pltpu.VMEM((NCH, CH), jnp.int32),
            pltpu.VMEM((CH, D), jnp.float32),
            pltpu.VMEM((CH, D), jnp.float32),
            pltpu.SemaphoreType.DMA,
            pltpu.SemaphoreType.DMA,
        ],
    )(xf, pos1, pos2)


def _shared_body(x_ref, w1_ref, w3_ref, w2_ref, o_ref):
    j = pl.program_id(1)
    xb = x_ref[...]
    h1 = jnp.dot(xb, w1_ref[0], preferred_element_type=jnp.float32)
    h3 = jnp.dot(xb, w3_ref[0], preferred_element_type=jnp.float32)
    h = h1 * jax.nn.sigmoid(h1) * h3
    yt = jnp.dot(h, w2_ref[0], preferred_element_type=jnp.float32)

    @pl.when(j == 0)
    def _():
        o_ref[...] = yt

    @pl.when(j != 0)
    def _():
        o_ref[...] = o_ref[...] + yt


def _shared(xf, sw1b, sw3b, sw2b):
    return pl.pallas_call(
        _shared_body,
        grid=(N // TSH, S),
        in_specs=[
            pl.BlockSpec((TSH, D), lambda i, j: (i, 0)),
            pl.BlockSpec((1, D, H), lambda i, j: (j, 0, 0)),
            pl.BlockSpec((1, D, H), lambda i, j: (j, 0, 0)),
            pl.BlockSpec((1, H, D), lambda i, j: (j, 0, 0)),
        ],
        out_specs=pl.BlockSpec((TSH, D), lambda i, j: (i, 0)),
        out_shape=jax.ShapeDtypeStruct((N, D), jnp.float32),
        compiler_params=pltpu.CompilerParams(
            dimension_semantics=("parallel", "arbitrary"),
            vmem_limit_bytes=67108864),
    )(xf, sw1b, sw3b, sw2b)


def _ffn_body(meta_ref, xs_ref, w1_ref, w3_ref, w2_ref, y_ref):
    i = pl.program_id(0)

    @pl.when(meta_ref[1, i] == 1)
    def _():
        xb = xs_ref[...]
        h1 = jnp.dot(xb, w1_ref[0], preferred_element_type=jnp.float32)
        h3 = jnp.dot(xb, w3_ref[0], preferred_element_type=jnp.float32)
        h = h1 * jax.nn.sigmoid(h1) * h3
        y_ref[...] = jnp.dot(h, w2_ref[0], preferred_element_type=jnp.float32)


def _ffn(meta, xs, rw1b, rw3b, rw2b):
    grid_spec = pltpu.PrefetchScalarGridSpec(
        num_scalar_prefetch=1,
        grid=(NT,),
        in_specs=[
            pl.BlockSpec((T, D), lambda i, m: (i, 0)),
            pl.BlockSpec((1, D, H), lambda i, m: (m[0, i], 0, 0)),
            pl.BlockSpec((1, D, H), lambda i, m: (m[0, i], 0, 0)),
            pl.BlockSpec((1, H, D), lambda i, m: (m[0, i], 0, 0)),
        ],
        out_specs=pl.BlockSpec((T, D), lambda i, m: (i, 0)),
    )
    return pl.pallas_call(
        _ffn_body,
        grid_spec=grid_spec,
        out_shape=jax.ShapeDtypeStruct((NPAD, D), jnp.float32),
        compiler_params=pltpu.CompilerParams(
            dimension_semantics=("parallel",),
            vmem_limit_bytes=67108864),
    )(meta, xs, rw1b, rw3b, rw2b)


def _gather_body(y_hbm, p1_hbm, p2_hbm, o1_hbm, o2_hbm, idx1_v, idx2_v,
                 r1_a, r1_b, r2_a, r2_b, semg, semw):
    wid = lax.axis_index("s") * SC_CORES + lax.axis_index("c")
    pltpu.sync_copy(p1_hbm.at[pl.ds(wid * NCH, NCH)], idx1_v)
    pltpu.sync_copy(p2_hbm.at[pl.ds(wid * NCH, NCH)], idx2_v)
    r1 = (r1_a, r1_b)
    r2 = (r2_a, r2_b)
    g1 = pltpu.async_copy(y_hbm.at[idx1_v.at[0]], r1_a, semg)
    g2 = pltpu.async_copy(y_hbm.at[idx2_v.at[0]], r2_a, semg)
    prev = None
    for j in range(NCH):
        base = wid * TPW + j * CH
        g1.wait()
        g2.wait()
        if prev is not None:
            prev[0].wait()
            prev[1].wait()
        if j + 1 < NCH:
            g1 = pltpu.async_copy(y_hbm.at[idx1_v.at[j + 1]],
                                  r1[(j + 1) % 2], semg)
            g2 = pltpu.async_copy(y_hbm.at[idx2_v.at[j + 1]],
                                  r2[(j + 1) % 2], semg)
        w1 = pltpu.async_copy(r1[j % 2], o1_hbm.at[pl.ds(base, CH)], semw)
        w2 = pltpu.async_copy(r2[j % 2], o2_hbm.at[pl.ds(base, CH)], semw)
        prev = (w1, w2)
    prev[0].wait()
    prev[1].wait()


def _gather(y, pos1, pos2):
    mesh = plsc.VectorSubcoreMesh(core_axis_name="c", subcore_axis_name="s")
    return pl.kernel(
        _gather_body,
        out_type=[
            jax.ShapeDtypeStruct((N, D), jnp.float32),
            jax.ShapeDtypeStruct((N, D), jnp.float32),
        ],
        mesh=mesh,
        scratch_types=[
            pltpu.VMEM((NCH, CH), jnp.int32),
            pltpu.VMEM((NCH, CH), jnp.int32),
            pltpu.VMEM((CH, D), jnp.float32),
            pltpu.VMEM((CH, D), jnp.float32),
            pltpu.VMEM((CH, D), jnp.float32),
            pltpu.VMEM((CH, D), jnp.float32),
            pltpu.SemaphoreType.DMA,
            pltpu.SemaphoreType.DMA,
        ],
    )(y, pos1, pos2)


def _combine_body(sh_ref, y1_ref, y2_ref, g1_ref, g2_ref, o_ref):
    o_ref[...] = (sh_ref[...] + y1_ref[...] * g1_ref[...]
                  + y2_ref[...] * g2_ref[...])


def _combine(shared, y1, y2, g1c, g2c):
    return pl.pallas_call(
        _combine_body,
        grid=(N // TCB,),
        in_specs=[
            pl.BlockSpec((TCB, D), lambda i: (i, 0)),
            pl.BlockSpec((TCB, D), lambda i: (i, 0)),
            pl.BlockSpec((TCB, D), lambda i: (i, 0)),
            pl.BlockSpec((TCB, 1), lambda i: (i, 0)),
            pl.BlockSpec((TCB, 1), lambda i: (i, 0)),
        ],
        out_specs=pl.BlockSpec((TCB, D), lambda i: (i, 0)),
        out_shape=jax.ShapeDtypeStruct((N, D), jnp.float32),
        compiler_params=pltpu.CompilerParams(
            dimension_semantics=("parallel",)),
    )(shared, y1, y2, g1c, g2c)


@jax.jit
def kernel(x, Wg, bg, Wn, bn, sw1, sw2, sw3, rw1, rw2, rw3):
    b, s, d = x.shape
    xf = x.reshape(N, D)
    logits = xf @ Wg.T + bg
    topv, idxs = jax.lax.top_k(logits, 2)
    pos1, pos2, g1, g2, meta = _route(
        idxs[:, 0].reshape(1, N), idxs[:, 1].reshape(1, N),
        topv[:, 0].reshape(1, N), topv[:, 1].reshape(1, N))
    p1c = pos1.reshape(NW * NCH, CH)
    p2c = pos2.reshape(NW * NCH, CH)
    xs = _dispatch(xf, p1c, p2c)
    shared = _shared(xf, sw1, sw3, sw2)
    y = _ffn(meta, xs, rw1, rw3, rw2)
    y1, y2 = _gather(y, p1c, p2c)
    out = _combine(shared, y1, y2, g1.reshape(N, 1), g2.reshape(N, 1))
    return out.reshape(b, s, d)

# --- scband reference (transcript-rebuilt; emitter-appended) ---
"""Pipeline reference for scband-deepseek-mo-e-73753178407351 (READ-ONLY COPY).

The authoritative reference and input builder live on the scoring server;
editing this copy changes nothing except your own understanding.
"""

import jax, jax.numpy as jnp
import numpy as np

EMB = 1024
HID = 2048
E = 8
K = 2
S = 2
B = 2
SEQ = 2048


def setup_inputs(seed: int = 0) -> dict:
    key = jax.random.key(seed)
    ks = jax.random.split(key, 10)
    x = jax.random.normal(ks[0], (B, SEQ, EMB), dtype=jnp.float32)
    Wg = jax.random.normal(ks[1], (E, EMB), dtype=jnp.float32) * 0.02
    bg = jnp.zeros((E,), dtype=jnp.float32)
    Wn = jax.random.normal(ks[2], (E, EMB), dtype=jnp.float32) * 0.02
    bn = jnp.zeros((E,), dtype=jnp.float32)
    sw1 = jax.random.normal(ks[3], (S, EMB, HID), dtype=jnp.float32) * 0.02
    sw2 = jax.random.normal(ks[4], (S, HID, EMB), dtype=jnp.float32) * 0.02
    sw3 = jax.random.normal(ks[5], (S, EMB, HID), dtype=jnp.float32) * 0.02
    rw1 = jax.random.normal(ks[6], (E, EMB, HID), dtype=jnp.float32) * 0.02
    rw2 = jax.random.normal(ks[7], (E, HID, EMB), dtype=jnp.float32) * 0.02
    rw3 = jax.random.normal(ks[8], (E, EMB, HID), dtype=jnp.float32) * 0.02
    return {"x": x, "Wg": Wg, "bg": bg, "Wn": Wn, "bn": bn,
            "sw1": sw1, "sw2": sw2, "sw3": sw3,
            "rw1": rw1, "rw2": rw2, "rw3": rw3}


def reference(x, Wg, bg, Wn, bn, sw1, sw2, sw3, rw1, rw2, rw3):
    b, s, d = x.shape
    xf = x.reshape(-1, d)
    # shared experts (always applied)
    shared = jnp.zeros_like(xf)
    for i in range(sw1.shape[0]):
        h = jax.nn.silu(xf @ sw1[i]) * (xf @ sw3[i])
        shared = shared + h @ sw2[i]
    # NoiseBestKRouter (eval mode: noise not added)
    logits = x @ Wg.T + bg
    noise_logits = x @ Wn.T + bn  # computed as in torch forward, unused in eval
    topv, idxs = jax.lax.top_k(logits, K)
    sel = jnp.sum(jax.nn.one_hot(idxs, E, dtype=logits.dtype), axis=-2) > 0
    sparse = jnp.where(sel, logits, -jnp.inf)
    gating = jax.nn.softmax(sparse, axis=-1)
    gf = gating.reshape(-1, E)
    # routed experts: dense form; gating is exactly 0 on non-selected experts,
    # so this matches the masked-gather torch implementation.
    final = jnp.zeros_like(xf)
    for i in range(E):
        h = jax.nn.silu(xf @ rw1[i]) * (xf @ rw3[i])
        final = final + (h @ rw2[i]) * gf[:, i:i + 1]
    return (final + shared).reshape(b, s, d)

if __name__ == "__main__":
    import jax
    _d = setup_inputs()
    print(jax.jit(kernel)(*tuple(_d.values())))

</pallas_src>

<mosaic_0001>
#map = affine_map<(d0, d1) -> (0, 0)>
module attributes {stable_mosaic.version = 14 : i64} {
  func.func @_dispatch_body(%arg0: i32, %arg1: i32, %arg2: memref<4096x1024xf32, #tpu.memory_space<hbm>>, %arg3: memref<256x16xi32, #tpu.memory_space<hbm>>, %arg4: memref<256x16xi32, #tpu.memory_space<hbm>>, %arg5: memref<10240x1024xf32, #tpu.memory_space<hbm>>, %arg6: memref<8x16xi32, #tpu.memory_space<vmem>>, %arg7: memref<8x16xi32, #tpu.memory_space<vmem>>, %arg8: memref<16x1024xf32, #tpu.memory_space<vmem>>, %arg9: memref<16x1024xf32, #tpu.memory_space<vmem>>, %arg10: memref<!tpu.dma_semaphore, #tpu.memory_space<semaphore_mem>>, %arg11: memref<!tpu.dma_semaphore, #tpu.memory_space<semaphore_mem>>) attributes {dimension_semantics = [#tpu.dimension_semantics<core_parallel>, #tpu.dimension_semantics<subcore_parallel>], iteration_bounds = array<i64: 2, 16>, scalar_prefetch = 0 : i64, scratch_operands = 6 : i64, tpu.core_type = #tpu.core_type<sc_vector_subcore>, window_params = [{transform_indices = #map}, {transform_indices = #map}, {transform_indices = #map}, {transform_indices = #map}]} {
    %mul3A = arith.constant 2 : i32
    %mul3A_0 = arith.muli %arg1, %mul3A : i32
    %add3A = arith.addi %mul3A_0, %arg0 : i32
    %mul3A_1 = arith.constant 8 : i32
    %mul3A_2 = arith.muli %add3A, %mul3A_1 : i32
    "tpu.region"() ({
      %run_scoped3A = tpu.sem_alloc : memref<!tpu.dma_semaphore, #tpu.memory_space<semaphore_mem>>
      %dma_start3A_321 = arith.constant 0 : i32
      %dma_start3A_322 = tpu.memref_slice %arg3[%mul3A_2, %dma_start3A_321] : memref<256x16xi32, #tpu.memory_space<hbm>> -> memref<8x16xi32, #tpu.memory_space<hbm>>
      %dma_start3A_323 = arith.constant 0 : i32
      %dma_start3A_324 = tpu.memref_slice %arg3[%mul3A_2, %dma_start3A_323] : memref<256x16xi32, #tpu.memory_space<hbm>> -> memref<8x16xi32, #tpu.memory_space<hbm>>
      tpu.enqueue_dma source(%dma_start3A_324 : memref<8x16xi32, #tpu.memory_space<hbm>>) target(%arg6 : memref<8x16xi32, #tpu.memory_space<vmem>>) target_semaphore(%run_scoped3A : memref<!tpu.dma_semaphore, #tpu.memory_space<semaphore_mem>>)
      %dma_wait3A_325 = arith.constant 0 : i32
      %dma_wait3A_326 = tpu.memref_slice %arg3[%mul3A_2, %dma_wait3A_325] : memref<256x16xi32, #tpu.memory_space<hbm>> -> memref<8x16xi32, #tpu.memory_space<hbm>>
      %dma_wait3A_327 = arith.constant 0 : i32
      %dma_wait3A_328 = tpu.memref_slice %arg3[%mul3A_2, %dma_wait3A_327] : memref<256x16xi32, #tpu.memory_space<hbm>> -> memref<8x16xi32, #tpu.memory_space<hbm>>
      tpu.wait_dma2 semaphore(%run_scoped3A : memref<!tpu.dma_semaphore, #tpu.memory_space<semaphore_mem>>) src(%dma_wait3A_328 : memref<8x16xi32, #tpu.memory_space<hbm>>) dst(%arg6 : memref<8x16xi32, #tpu.memory_space<vmem>>)
      tpu.yield
    }) : () -> ()
    %mul3A_3 = arith.constant 8 : i32
    %mul3A_4 = arith.muli %add3A, %mul3A_3 : i32
    "tpu.region"() ({
      %run_scoped3A = tpu.sem_alloc : memref<!tpu.dma_semaphore, #tpu.memory_space<semaphore_mem>>
      %dma_start3A_321 = arith.constant 0 : i32
      %dma_start3A_322 = tpu.memref_slice %arg4[%mul3A_4, %dma_start3A_321] : memref<256x16xi32, #tpu.memory_space<hbm>> -> memref<8x16xi32, #tpu.memory_space<hbm>>
      %dma_start3A_323 = arith.constant 0 : i32
      %dma_start3A_324 = tpu.memref_slice %arg4[%mul3A_4, %dma_start3A_323] : memref<256x16xi32, #tpu.memory_space<hbm>> -> memref<8x16xi32, #tpu.memory_space<hbm>>
      tpu.enqueue_dma source(%dma_start3A_324 : memref<8x16xi32, #tpu.memory_space<hbm>>) target(%arg7 : memref<8x16xi32, #tpu.memory_space<vmem>>) target_semaphore(%run_scoped3A : memref<!tpu.dma_semaphore, #tpu.memory_space<semaphore_mem>>)
      %dma_wait3A_325 = arith.constant 0 : i32
      %dma_wait3A_326 = tpu.memref_slice %arg4[%mul3A_4, %dma_wait3A_325] : memref<256x16xi32, #tpu.memory_space<hbm>> -> memref<8x16xi32, #tpu.memory_space<hbm>>
      %dma_wait3A_327 = arith.constant 0 : i32
      %dma_wait3A_328 = tpu.memref_slice %arg4[%mul3A_4, %dma_wait3A_327] : memref<256x16xi32, #tpu.memory_space<hbm>> -> memref<8x16xi32, #tpu.memory_space<hbm>>
      tpu.wait_dma2 semaphore(%run_scoped3A : memref<!tpu.dma_semaphore, #tpu.memory_space<semaphore_mem>>) src(%dma_wait3A_328 : memref<8x16xi32, #tpu.memory_space<hbm>>) dst(%arg7 : memref<8x16xi32, #tpu.memory_space<vmem>>)
      tpu.yield
    }) : () -> ()
    %mul3A_5 = arith.constant 128 : i32
    %mul3A_6 = arith.muli %add3A, %mul3A_5 : i32
    %dma_start3A = arith.constant 0 : i32
    %dma_start3A_7 = tpu.memref_slice %arg2[%mul3A_6, %dma_start3A] : memref<4096x1024xf32, #tpu.memory_space<hbm>> -> memref<16x1024xf32, #tpu.memory_space<hbm>>
    %dma_start3A_8 = arith.constant 0 : i32
    %dma_start3A_9 = tpu.memref_slice %arg2[%mul3A_6, %dma_start3A_8] : memref<4096x1024xf32, #tpu.memory_space<hbm>> -> memref<16x1024xf32, #tpu.memory_space<hbm>>
    tpu.enqueue_dma source(%dma_start3A_9 : memref<16x1024xf32, #tpu.memory_space<hbm>>) target(%arg8 : memref<16x1024xf32, #tpu.memory_space<vmem>>) target_semaphore(%arg10 : memref<!tpu.dma_semaphore, #tpu.memory_space<semaphore_mem>>)
    %dma_wait3A = arith.constant 0 : i32
    %dma_wait3A_10 = tpu.memref_slice %arg2[%mul3A_6, %dma_wait3A] : memref<4096x1024xf32, #tpu.memory_space<hbm>> -> memref<16x1024xf32, #tpu.memory_space<hbm>>
    %dma_wait3A_11 = arith.constant 0 : i32
    %dma_wait3A_12 = tpu.memref_slice %arg2[%mul3A_6, %dma_wait3A_11] : memref<4096x1024xf32, #tpu.memory_space<hbm>> -> memref<16x1024xf32, #tpu.memory_space<hbm>>
    tpu.wait_dma2 semaphore(%arg10 : memref<!tpu.dma_semaphore, #tpu.memory_space<semaphore_mem>>) src(%dma_wait3A_12 : memref<16x1024xf32, #tpu.memory_space<hbm>>) dst(%arg8 : memref<16x1024xf32, #tpu.memory_space<vmem>>)
    %mul3A_13 = arith.constant 128 : i32
    %mul3A_14 = arith.muli %add3A, %mul3A_13 : i32
    %add3A_15 = arith.constant 16 : i32
    %add3A_16 = arith.addi %mul3A_14, %add3A_15 : i32
    %dma_start3A_17 = arith.constant 0 : i32
    %dma_start3A_18 = tpu.memref_slice %arg2[%add3A_16, %dma_start3A_17] : memref<4096x1024xf32, #tpu.memory_space<hbm>> -> memref<16x1024xf32, #tpu.memory_space<hbm>>
    %dma_start3A_19 = arith.constant 0 : i32
    %dma_start3A_20 = tpu.memref_slice %arg2[%add3A_16, %dma_start3A_19] : memref<4096x1024xf32, #tpu.memory_space<hbm>> -> memref<16x1024xf32, #tpu.memory_space<hbm>>
    tpu.enqueue_dma source(%dma_start3A_20 : memref<16x1024xf32, #tpu.memory_space<hbm>>) target(%arg9 : memref<16x1024xf32, #tpu.memory_space<vmem>>) target_semaphore(%arg10 : memref<!tpu.dma_semaphore, #tpu.memory_space<semaphore_mem>>)
    %dma_start3A_21 = arith.constant 0 : i32
    %dma_start3A_22 = arith.constant 0 : i32
    %dma_start3A_23 = tpu.memref_slice %arg6[%dma_start3A_21, %dma_start3A_22] : memref<8x16xi32, #tpu.memory_space<vmem>> -> memref<1x16xi32, #tpu.memory_space<vmem>>
    %dma_start3A_24 = tpu.memref_squeeze %dma_start3A_23 : memref<1x16xi32, #tpu.memory_space<vmem>> -> memref<16xi32, #tpu.memory_space<vmem>>
    %dma_start3A_25 = arith.constant 0 : i32
    %dma_start3A_26 = arith.constant 0 : i32
    %dma_start3A_27 = tpu.memref_slice %arg5[%dma_start3A_25, %dma_start3A_26] : memref<10240x1024xf32, #tpu.memory_space<hbm>> -> memref<10240x1024xf32, #tpu.memory_space<hbm>>
    tpu.enqueue_indirect_dma source(%arg8 : memref<16x1024xf32, #tpu.memory_space<vmem>>) target(%dma_start3A_27 : memref<10240x1024xf32, #tpu.memory_space<hbm>>) offsets(%dma_start3A_24 : memref<16xi32, #tpu.memory_space<vmem>>) semaphore(%arg11 : memref<!tpu.dma_semaphore, #tpu.memory_space<semaphore_mem>>)
    %dma_start3A_28 = arith.constant 0 : i32
    %dma_start3A_29 = arith.constant 0 : i32
    %dma_start3A_30 = tpu.memref_slice %arg7[%dma_start3A_28, %dma_start3A_29] : memref<8x16xi32, #tpu.memory_space<vmem>> -> memref<1x16xi32, #tpu.memory_space<vmem>>
    %dma_start3A_31 = tpu.memref_squeeze %dma_start3A_30 : memref<1x16xi32, #tpu.memory_space<vmem>> -> memref<16xi32, #tpu.memory_space<vmem>>
    %dma_start3A_32 = arith.constant 0 : i32
    %dma_start3A_33 = arith.constant 0 : i32
    %dma_start3A_34 = tpu.memref_slice %arg5[%dma_start3A_32, %dma_start3A_33] : memref<10240x1024xf32, #tpu.memory_space<hbm>> -> memref<10240x1024xf32, #tpu.memory_space<hbm>>
    tpu.enqueue_indirect_dma source(%arg8 : memref<16x1024xf32, #tpu.memory_space<vmem>>) target(%dma_start3A_34 : memref<10240x1024xf32, #tpu.memory_space<hbm>>) offsets(%dma_start3A_31 : memref<16xi32, #tpu.memory_space<vmem>>) semaphore(%arg11 : memref<!tpu.dma_semaphore, #tpu.memory_space<semaphore_mem>>)
    %dma_wait3A_35 = arith.constant 0 : i32
    %dma_wait3A_36 = tpu.memref_slice %arg2[%add3A_16, %dma_wait3A_35] : memref<4096x1024xf32, #tpu.memory_space<hbm>> -> memref<16x1024xf32, #tpu.memory_space<hbm>>
    %dma_wait3A_37 = arith.constant 0 : i32
    %dma_wait3A_38 = tpu.memref_slice %arg2[%add3A_16, %dma_wait3A_37] : memref<4096x1024xf32, #tpu.memory_space<hbm>> -> memref<16x1024xf32, #tpu.memory_space<hbm>>
    tpu.wait_dma2 semaphore(%arg10 : memref<!tpu.dma_semaphore, #tpu.memory_space<semaphore_mem>>) src(%dma_wait3A_38 : memref<16x1024xf32, #tpu.memory_space<hbm>>) dst(%arg9 : memref<16x1024xf32, #tpu.memory_space<vmem>>)
    %dma_wait3A_39 = arith.constant 0 : i32
    %dma_wait3A_40 = arith.constant 0 : i32
    %dma_wait3A_41 = tpu.memref_slice %arg6[%dma_wait3A_39, %dma_wait3A_40] : memref<8x16xi32, #tpu.memory_space<vmem>> -> memref<1x16xi32, #tpu.memory_space<vmem>>
    %dma_wait3A_42 = tpu.memref_squeeze %dma_wait3A_41 : memref<1x16xi32, #tpu.memory_space<vmem>> -> memref<16xi32, #tpu.memory_space<vmem>>
    %dma_wait3A_43 = arith.constant 0 : i32
    %dma_wait3A_44 = arith.constant 0 : i32
    %dma_wait3A_45 = tpu.memref_slice %arg5[%dma_wait3A_43, %dma_wait3A_44] : memref<10240x1024xf32, #tpu.memory_space<hbm>> -> memref<10240x1024xf32, #tpu.memory_space<hbm>>
    tpu.wait_indirect_dma semaphore(%arg11 : memref<!tpu.dma_semaphore, #tpu.memory_space<semaphore_mem>>) src(%arg8 : memref<16x1024xf32, #tpu.memory_space<vmem>>) dst(%dma_wait3A_45 : memref<10240x1024xf32, #tpu.memory_space<hbm>>)
    %dma_wait3A_46 = arith.constant 0 : i32
    %dma_wait3A_47 = arith.constant 0 : i32
    %dma_wait3A_48 = tpu.memref_slice %arg7[%dma_wait3A_46, %dma_wait3A_47] : memref<8x16xi32, #tpu.memory_space<vmem>> -> memref<1x16xi32, #tpu.memory_space<vmem>>
    %dma_wait3A_49 = tpu.memref_squeeze %dma_wait3A_48 : memref<1x16xi32, #tpu.memory_space<vmem>> -> memref<16xi32, #tpu.memory_space<vmem>>
    %dma_wait3A_50 = arith.constant 0 : i32
    %dma_wait3A_51 = arith.constant 0 : i32
    %dma_wait3A_52 = tpu.memref_slice %arg5[%dma_wait3A_50, %dma_wait3A_51] : memref<10240x1024xf32, #tpu.memory_space<hbm>> -> memref<10240x1024xf32, #tpu.memory_space<hbm>>
    tpu.wait_indirect_dma semaphore(%arg11 : memref<!tpu.dma_semaphore, #tpu.memory_space<semaphore_mem>>) src(%arg8 : memref<16x1024xf32, #tpu.memory_space<vmem>>) dst(%dma_wait3A_52 : memref<10240x1024xf32, #tpu.memory_space<hbm>>)
    %mul3A_53 = arith.constant 128 : i32
    %mul3A_54 = arith.muli %add3A, %mul3A_53 : i32
    %add3A_55 = arith.constant 32 : i32
    %add3A_56 = arith.addi %mul3A_54, %add3A_55 : i32
    %dma_start3A_57 = arith.constant 0 : i32
    %dma_start3A_58 = tpu.memref_slice %arg2[%add3A_56, %dma_start3A_57] : memref<4096x1024xf32, #tpu.memory_space<hbm>> -> memref<16x1024xf32, #tpu.memory_space<hbm>>
    %dma_start3A_59 = arith.constant 0 : i32
    %dma_start3A_60 = tpu.memref_slice %arg2[%add3A_56, %dma_start3A_59] : memref<4096x1024xf32, #tpu.memory_space<hbm>> -> memref<16x1024xf32, #tpu.memory_space<hbm>>
    tpu.enqueue_dma source(%dma_start3A_60 : memref<16x1024xf32, #tpu.memory_space<hbm>>) target(%arg8 : memref<16x1024xf32, #tpu.memory_space<vmem>>) target_semaphore(%arg10 : memref<!tpu.dma_semaphore, #tpu.memory_space<semaphore_mem>>)
    %dma_start3A_61 = arith.constant 1 : i32
    %dma_start3A_62 = arith.constant 0 : i32
    %dma_start3A_63 = tpu.memref_slice %arg6[%dma_start3A_61, %dma_start3A_62] : memref<8x16xi32, #tpu.memory_space<vmem>> -> memref<1x16xi32, #tpu.memory_space<vmem>>
    %dma_start3A_64 = tpu.memref_squeeze %dma_start3A_63 : memref<1x16xi32, #tpu.memory_space<vmem>> -> memref<16xi32, #tpu.memory_space<vmem>>
    %dma_start3A_65 = arith.constant 0 : i32
    %dma_start3A_66 = arith.constant 0 : i32
    %dma_start3A_67 = tpu.memref_slice %arg5[%dma_start3A_65, %dma_start3A_66] : memref<10240x1024xf32, #tpu.memory_space<hbm>> -> memref<10240x1024xf32, #tpu.memory_space<hbm>>
    tpu.enqueue_indirect_dma source(%arg9 : memref<16x1024xf32, #tpu.memory_space<vmem>>) target(%dma_start3A_67 : memref<10240x1024xf32, #tpu.memory_space<hbm>>) offsets(%dma_start3A_64 : memref<16xi32, #tpu.memory_space<vmem>>) semaphore(%arg11 : memref<!tpu.dma_semaphore, #tpu.memory_space<semaphore_mem>>)
    %dma_start3A_68 = arith.constant 1 : i32
    %dma_start3A_69 = arith.constant 0 : i32
    %dma_start3A_70 = tpu.memref_slice %arg7[%dma_start3A_68, %dma_start3A_69] : memref<8x16xi32, #tpu.memory_space<vmem>> -> memref<1x16xi32, #tpu.memory_space<vmem>>
    %dma_start3A_71 = tpu.memref_squeeze %dma_start3A_70 : memref<1x16xi32, #tpu.memory_space<vmem>> -> memref<16xi32, #tpu.memory_space<vmem>>
    %dma_start3A_72 = arith.constant 0 : i32
    %dma_start3A_73 = arith.constant 0 : i32
    %dma_start3A_74 = tpu.memref_slice %arg5[%dma_start3A_72, %dma_start3A_73] : memref<10240x1024xf32, #tpu.memory_space<hbm>> -> memref<10240x1024xf32, #tpu.memory_space<hbm>>
    tpu.enqueue_indirect_dma source(%arg9 : memref<16x1024xf32, #tpu.memory_space<vmem>>) target(%dma_start3A_74 : memref<10240x1024xf32, #tpu.memory_space<hbm>>) offsets(%dma_start3A_71 : memref<16xi32, #tpu.memory_space<vmem>>) semaphore(%arg11 : memref<!tpu.dma_semaphore, #tpu.memory_space<semaphore_mem>>)
    %dma_wait3A_75 = arith.constant 0 : i32
    %dma_wait3A_76 = tpu.memref_slice %arg2[%add3A_56, %dma_wait3A_75] : memref<4096x1024xf32, #tpu.memory_space<hbm>> -> memref<16x1024xf32, #tpu.memory_space<hbm>>
    %dma_wait3A_77 = arith.constant 0 : i32
    %dma_wait3A_78 = tpu.memref_slice %arg2[%add3A_56, %dma_wait3A_77] : memref<4096x1024xf32, #tpu.memory_space<hbm>> -> memref<16x1024xf32, #tpu.memory_space<hbm>>
    tpu.wait_dma2 semaphore(%arg10 : memref<!tpu.dma_semaphore, #tpu.memory_space<semaphore_mem>>) src(%dma_wait3A_78 : memref<16x1024xf32, #tpu.memory_space<hbm>>) dst(%arg8 : memref<16x1024xf32, #tpu.memory_space<vmem>>)
    %dma_wait3A_79 = arith.constant 1 : i32
    %dma_wait3A_80 = arith.constant 0 : i32
    %dma_wait3A_81 = tpu.memref_slice %arg6[%dma_wait3A_79, %dma_wait3A_80] : memref<8x16xi32, #tpu.memory_space<vmem>> -> memref<1x16xi32, #tpu.memory_space<vmem>>
    %dma_wait3A_82 = tpu.memref_squeeze %dma_wait3A_81 : memref<1x16xi32, #tpu.memory_space<vmem>> -> memref<16xi32, #tpu.memory_space<vmem>>
    %dma_wait3A_83 = arith.constant 0 : i32
    %dma_wait3A_84 = arith.constant 0 : i32
    %dma_wait3A_85 = tpu.memref_slice %arg5[%dma_wait3A_83, %dma_wait3A_84] : memref<10240x1024xf32, #tpu.memory_space<hbm>> -> memref<10240x1024xf32, #tpu.memory_space<hbm>>
    tpu.wait_indirect_dma semaphore(%arg11 : memref<!tpu.dma_semaphore, #tpu.memory_space<semaphore_mem>>) src(%arg9 : memref<16x1024xf32, #tpu.memory_space<vmem>>) dst(%dma_wait3A_85 : memref<10240x1024xf32, #tpu.memory_space<hbm>>)
    %dma_wait3A_86 = arith.constant 1 : i32
    %dma_wait3A_87 = arith.constant 0 : i32
    %dma_wait3A_88 = tpu.memref_slice %arg7[%dma_wait3A_86, %dma_wait3A_87] : memref<8x16xi32, #tpu.memory_space<vmem>> -> memref<1x16xi32, #tpu.memory_space<vmem>>
    %dma_wait3A_89 = tpu.memref_squeeze %dma_wait3A_88 : memref<1x16xi32, #tpu.memory_space<vmem>> -> memref<16xi32, #tpu.memory_space<vmem>>
    %dma_wait3A_90 = arith.constant 0 : i32
    %dma_wait3A_91 = arith.constant 0 : i32
    %dma_wait3A_92 = tpu.memref_slice %arg5[%dma_wait3A_90, %dma_wait3A_91] : memref<10240x1024xf32, #tpu.memory_space<hbm>> -> memref<10240x1024xf32, #tpu.memory_space<hbm>>
    tpu.wait_indirect_dma semaphore(%arg11 : memref<!tpu.dma_semaphore, #tpu.memory_space<semaphore_mem>>) src(%arg9 : memref<16x1024xf32, #tpu.memory_space<vmem>>) dst(%dma_wait3A_92 : memref<10240x1024xf32, #tpu.memory_space<hbm>>)
    %mul3A_93 = arith.constant 128 : i32
    %mul3A_94 = arith.muli %add3A, %mul3A_93 : i32
    %add3A_95 = arith.constant 48 : i32
    %add3A_96 = arith.addi %mul3A_94, %add3A_95 : i32
    %dma_start3A_97 = arith.constant 0 : i32
    %dma_start3A_98 = tpu.memref_slice %arg2[%add3A_96, %dma_start3A_97] : memref<4096x1024xf32, #tpu.memory_space<hbm>> -> memref<16x1024xf32, #tpu.memory_space<hbm>>
    %dma_start3A_99 = arith.constant 0 : i32
    %dma_start3A_100 = tpu.memref_slice %arg2[%add3A_96, %dma_start3A_99] : memref<4096x1024xf32, #tpu.memory_space<hbm>> -> memref<16x1024xf32, #tpu.memory_space<hbm>>
    tpu.enqueue_dma source(%dma_start3A_100 : memref<16x1024xf32, #tpu.memory_space<hbm>>) target(%arg9 : memref<16x1024xf32, #tpu.memory_space<vmem>>) target_semaphore(%arg10 : memref<!tpu.dma_semaphore, #tpu.memory_space<semaphore_mem>>)
    %dma_start3A_101 = arith.constant 2 : i32
    %dma_start3A_102 = arith.constant 0 : i32
    %dma_start3A_103 = tpu.memref_slice %arg6[%dma_start3A_101, %dma_start3A_102] : memref<8x16xi32, #tpu.memory_space<vmem>> -> memref<1x16xi32, #tpu.memory_space<vmem>>
    %dma_start3A_104 = tpu.memref_squeeze %dma_start3A_103 : memref<1x16xi32, #tpu.memory_space<vmem>> -> memref<16xi32, #tpu.memory_space<vmem>>
    %dma_start3A_105 = arith.constant 0 : i32
    %dma_start3A_106 = arith.constant 0 : i32
    %dma_start3A_107 = tpu.memref_slice %arg5[%dma_start3A_105, %dma_start3A_106] : memref<10240x1024xf32, #tpu.memory_space<hbm>> -> memref<10240x1024xf32, #tpu.memory_space<hbm>>
    tpu.enqueue_indirect_dma source(%arg8 : memref<16x1024xf32, #tpu.memory_space<vmem>>) target(%dma_start3A_107 : memref<10240x1024xf32, #tpu.memory_space<hbm>>) offsets(%dma_start3A_104 : memref<16xi32, #tpu.memory_space<vmem>>) semaphore(%arg11 : memref<!tpu.dma_semaphore, #tpu.memory_space<semaphore_mem>>)
    %dma_start3A_108 = arith.constant 2 : i32
    %dma_start3A_109 = arith.constant 0 : i32
    %dma_start3A_110 = tpu.memref_slice %arg7[%dma_start3A_108, %dma_start3A_109] : memref<8x16xi32, #tpu.memory_space<vmem>> -> memref<1x16xi32, #tpu.memory_space<vmem>>
    %dma_start3A_111 = tpu.memref_squeeze %dma_start3A_110 : memref<1x16xi32, #tpu.memory_space<vmem>> -> memref<16xi32, #tpu.memory_space<vmem>>
    %dma_start3A_112 = arith.constant 0 : i32
    %dma_start3A_113 = arith.constant 0 : i32
    %dma_start3A_114 = tpu.memref_slice %arg5[%dma_start3A_112, %dma_start3A_113] : memref<10240x1024xf32, #tpu.memory_space<hbm>> -> memref<10240x1024xf32, #tpu.memory_space<hbm>>
    tpu.enqueue_indirect_dma source(%arg8 : memref<16x1024xf32, #tpu.memory_space<vmem>>) target(%dma_start3A_114 : memref<10240x1024xf32, #tpu.memory_space<hbm>>) offsets(%dma_start3A_111 : memref<16xi32, #tpu.memory_space<vmem>>) semaphore(%arg11 : memref<!tpu.dma_semaphore, #tpu.memory_space<semaphore_mem>>)
    %dma_wait3A_115 = arith.constant 0 : i32
    %dma_wait3A_116 = tpu.memref_slice %arg2[%add3A_96, %dma_wait3A_115] : memref<4096x1024xf32, #tpu.memory_space<hbm>> -> memref<16x1024xf32, #tpu.memory_space<hbm>>
    %dma_wait3A_117 = arith.constant 0 : i32
    %dma_wait3A_118 = tpu.memref_slice %arg2[%add3A_96, %dma_wait3A_117] : memref<4096x1024xf32, #tpu.memory_space<hbm>> -> memref<16x1024xf32, #tpu.memory_space<hbm>>
    tpu.wait_dma2 semaphore(%arg10 : memref<!tpu.dma_semaphore, #tpu.memory_space<semaphore_mem>>) src(%dma_wait3A_118 : memref<16x1024xf32, #tpu.memory_space<hbm>>) dst(%arg9 : memref<16x1024xf32, #tpu.memory_space<vmem>>)
    %dma_wait3A_119 = arith.constant 2 : i32
    %dma_wait3A_120 = arith.constant 0 : i32
    %dma_wait3A_121 = tpu.memref_slice %arg6[%dma_wait3A_119, %dma_wait3A_120] : memref<8x16xi32, #tpu.memory_space<vmem>> -> memref<1x16xi32, #tpu.memory_space<vmem>>
    %dma_wait3A_122 = tpu.memref_squeeze %dma_wait3A_121 : memref<1x16xi32, #tpu.memory_space<vmem>> -> memref<16xi32, #tpu.memory_space<vmem>>
    %dma_wait3A_123 = arith.constant 0 : i32
    %dma_wait3A_124 = arith.constant 0 : i32
    %dma_wait3A_125 = tpu.memref_slice %arg5[%dma_wait3A_123, %dma_wait3A_124] : memref<10240x1024xf32, #tpu.memory_space<hbm>> -> memref<10240x1024xf32, #tpu.memory_space<hbm>>
    tpu.wait_indirect_dma semaphore(%arg11 : memref<!tpu.dma_semaphore, #tpu.memory_space<semaphore_mem>>) src(%arg8 : memref<16x1024xf32, #tpu.memory_space<vmem>>) dst(%dma_wait3A_125 : memref<10240x1024xf32, #tpu.memory_space<hbm>>)
    %dma_wait3A_126 = arith.constant 2 : i32
    %dma_wait3A_127 = arith.constant 0 : i32
    %dma_wait3A_128 = tpu.memref_slice %arg7[%dma_wait3A_126, %dma_wait3A_127] : memref<8x16xi32, #tpu.memory_space<vmem>> -> memref<1x16xi32, #tpu.memory_space<vmem>>
    %dma_wait3A_129 = tpu.memref_squeeze %dma_wait3A_128 : memref<1x16xi32, #tpu.memory_space<vmem>> -> memref<16xi32, #tpu.memory_space<vmem>>
    %dma_wait3A_130 = arith.constant 0 : i32
    %dma_wait3A_131 = arith.constant 0 : i32
    %dma_wait3A_132 = tpu.memref_slice %arg5[%dma_wait3A_130, %dma_wait3A_131] : memref<10240x1024xf32, #tpu.memory_space<hbm>> -> memref<10240x1024xf32, #tpu.memory_space<hbm>>
    tpu.wait_indirect_dma semaphore(%arg11 : memref<!tpu.dma_semaphore, #tpu.memory_space<semaphore_mem>>) src(%arg8 : memref<16x1024xf32, #tpu.memory_space<vmem>>) dst(%dma_wait3A_132 : memref<10240x1024xf32, #tpu.memory_space<hbm>>)
    %mul3A_133 = arith.constant 128 : i32
    %mul3A_134 = arith.muli %add3A, %mul3A_133 : i32
    %add3A_135 = arith.constant 64 : i32
    %add3A_136 = arith.addi %mul3A_134, %add3A_135 : i32
    %dma_start3A_137 = arith.constant 0 : i32
    %dma_start3A_138 = tpu.memref_slice %arg2[%add3A_136, %dma_start3A_137] : memref<4096x1024xf32, #tpu.memory_space<hbm>> -> memref<16x1024xf32, #tpu.memory_space<hbm>>
    %dma_start3A_139 = arith.constant 0 : i32
    %dma_start3A_140 = tpu.memref_slice %arg2[%add3A_136, %dma_start3A_139] : memref<4096x1024xf32, #tpu.memory_space<hbm>> -> memref<16x1024xf32, #tpu.memory_space<hbm>>
    tpu.enqueue_dma source(%dma_start3A_140 : memref<16x1024xf32, #tpu.memory_space<hbm>>) target(%arg8 : memref<16x1024xf32, #tpu.memory_space<vmem>>) target_semaphore(%arg10 : memref<!tpu.dma_semaphore, #tpu.memory_space<semaphore_mem>>)
    %dma_start3A_141 = arith.constant 3 : i32
    %dma_start3A_142 = arith.constant 0 : i32
    %dma_start3A_143 = tpu.memref_slice %arg6[%dma_start3A_141, %dma_start3A_142] : memref<8x16xi32, #tpu.memory_space<vmem>> -> memref<1x16xi32, #tpu.memory_space<vmem>>
    %dma_start3A_144 = tpu.memref_squeeze %dma_start3A_143 : memref<1x16xi32, #tpu.memory_space<vmem>> -> memref<16xi32, #tpu.memory_space<vmem>>
    %dma_start3A_145 = arith.constant 0 : i32
    %dma_start3A_146 = arith.constant 0 : i32
    %dma_start3A_147 = tpu.memref_slice %arg5[%dma_start3A_145, %dma_start3A_146] : memref<10240x1024xf32, #tpu.memory_space<hbm>> -> memref<10240x1024xf32, #tpu.memory_space<hbm>>
    tpu.enqueue_indirect_dma source(%arg9 : memref<16x1024xf32, #tpu.memory_space<vmem>>) target(%dma_start3A_147 : memref<10240x1024xf32, #tpu.memory_space<hbm>>) offsets(%dma_start3A_144 : memref<16xi32, #tpu.memory_space<vmem>>) semaphore(%arg11 : memref<!tpu.dma_semaphore, #tpu.memory_space<semaphore_mem>>)
    %dma_start3A_148 = arith.constant 3 : i32
    %dma_start3A_149 = arith.constant 0 : i32
    %dma_start3A_150 = tpu.memref_slice %arg7[%dma_start3A_148, %dma_start3A_149] : memref<8x16xi32, #tpu.memory_space<vmem>> -> memref<1x16xi32, #tpu.memory_space<vmem>>
    %dma_start3A_151 = tpu.memref_squeeze %dma_start3A_150 : memref<1x16xi32, #tpu.memory_space<vmem>> -> memref<16xi32, #tpu.memory_space<vmem>>
    %dma_start3A_152 = arith.constant 0 : i32
    %dma_start3A_153 = arith.constant 0 : i32
    %dma_start3A_154 = tpu.memref_slice %arg5[%dma_start3A_152, %dma_start3A_153] : memref<10240x1024xf32, #tpu.memory_space<hbm>> -> memref<10240x1024xf32, #tpu.memory_space<hbm>>
    tpu.enqueue_indirect_dma source(%arg9 : memref<16x1024xf32, #tpu.memory_space<vmem>>) target(%dma_start3A_154 : memref<10240x1024xf32, #tpu.memory_space<hbm>>) offsets(%dma_start3A_151 : memref<16xi32, #tpu.memory_space<vmem>>) semaphore(%arg11 : memref<!tpu.dma_semaphore, #tpu.memory_space<semaphore_mem>>)
    %dma_wait3A_155 = arith.constant 0 : i32
    %dma_wait3A_156 = tpu.memref_slice %arg2[%add3A_136, %dma_wait3A_155] : memref<4096x1024xf32, #tpu.memory_space<hbm>> -> memref<16x1024xf32, #tpu.memory_space<hbm>>
    %dma_wait3A_157 = arith.constant 0 : i32
    %dma_wait3A_158 = tpu.memref_slice %arg2[%add3A_136, %dma_wait3A_157] : memref<4096x1024xf32, #tpu.memory_space<hbm>> -> memref<16x1024xf32, #tpu.memory_space<hbm>>
    tpu.wait_dma2 semaphore(%arg10 : memref<!tpu.dma_semaphore, #tpu.memory_space<semaphore_mem>>) src(%dma_wait3A_158 : memref<16x1024xf32, #tpu.memory_space<hbm>>) dst(%arg8 : memref<16x1024xf32, #tpu.memory_space<vmem>>)
    %dma_wait3A_159 = arith.constant 3 : i32
    %dma_wait3A_160 = arith.constant 0 : i32
    %dma_wait3A_161 = tpu.memref_slice %arg6[%dma_wait3A_159, %dma_wait3A_160] : memref<8x16xi32, #tpu.memory_space<vmem>> -> memref<1x16xi32, #tpu.memory_space<vmem>>
    %dma_wait3A_162 = tpu.memref_squeeze %dma_wait3A_161 : memref<1x16xi32, #tpu.memory_space<vmem>> -> memref<16xi32, #tpu.memory_space<vmem>>
    %dma_wait3A_163 = arith.constant 0 : i32
    %dma_wait3A_164 = arith.constant 0 : i32
    %dma_wait3A_165 = tpu.memref_slice %arg5[%dma_wait3A_163, %dma_wait3A_164] : memref<10240x1024xf32, #tpu.memory_space<hbm>> -> memref<10240x1024xf32, #tpu.memory_space<hbm>>
    tpu.wait_indirect_dma semaphore(%arg11 : memref<!tpu.dma_semaphore, #tpu.memory_space<semaphore_mem>>) src(%arg9 : memref<16x1024xf32, #tpu.memory_space<vmem>>) dst(%dma_wait3A_165 : memref<10240x1024xf32, #tpu.memory_space<hbm>>)
    %dma_wait3A_166 = arith.constant 3 : i32
    %dma_wait3A_167 = arith.constant 0 : i32
    %dma_wait3A_168 = tpu.memref_slice %arg7[%dma_wait3A_166, %dma_wait3A_167] : memref<8x16xi32, #tpu.memory_space<vmem>> -> memref<1x16xi32, #tpu.memory_space<vmem>>
    %dma_wait3A_169 = tpu.memref_squeeze %dma_wait3A_168 : memref<1x16xi32, #tpu.memory_space<vmem>> -> memref<16xi32, #tpu.memory_space<vmem>>
    %dma_wait3A_170 = arith.constant 0 : i32
    %dma_wait3A_171 = arith.constant 0 : i32
    %dma_wait3A_172 = tpu.memref_slice %arg5[%dma_wait3A_170, %dma_wait3A_171] : memref<10240x1024xf32, #tpu.memory_space<hbm>> -> memref<10240x1024xf32, #tpu.memory_space<hbm>>
    tpu.wait_indirect_dma semaphore(%arg11 : memref<!tpu.dma_semaphore, #tpu.memory_space<semaphore_mem>>) src(%arg9 : memref<16x1024xf32, #tpu.memory_space<vmem>>) dst(%dma_wait3A_172 : memref<10240x1024xf32, #tpu.memory_space<hbm>>)
    %mul3A_173 = arith.constant 128 : i32
    %mul3A_174 = arith.muli %add3A, %mul3A_173 : i32
    %add3A_175 = arith.constant 80 : i32
    %add3A_176 = arith.addi %mul3A_174, %add3A_175 : i32
    %dma_start3A_177 = arith.constant 0 : i32
    %dma_start3A_178 = tpu.memref_slice %arg2[%add3A_176, %dma_start3A_177] : memref<4096x1024xf32, #tpu.memory_space<hbm>> -> memref<16x1024xf32, #tpu.memory_space<hbm>>
    %dma_start3A_179 = arith.constant 0 : i32
    %dma_start3A_180 = tpu.memref_slice %arg2[%add3A_176, %dma_start3A_179] : memref<4096x1024xf32, #tpu.memory_space<hbm>> -> memref<16x1024xf32, #tpu.memory_space<hbm>>
    tpu.enqueue_dma source(%dma_start3A_180 : memref<16x1024xf32, #tpu.memory_space<hbm>>) target(%arg9 : memref<16x1024xf32, #tpu.memory_space<vmem>>) target_semaphore(%arg10 : memref<!tpu.dma_semaphore, #tpu.memory_space<semaphore_mem>>)
    %dma_start3A_181 = arith.constant 4 : i32
    %dma_start3A_182 = arith.constant 0 : i32
    %dma_start3A_183 = tpu.memref_slice %arg6[%dma_start3A_181, %dma_start3A_182] : memref<8x16xi32, #tpu.memory_space<vmem>> -> memref<1x16xi32, #tpu.memory_space<vmem>>
    %dma_start3A_184 = tpu.memref_squeeze %dma_start3A_183 : memref<1x16xi32, #tpu.memory_space<vmem>> -> memref<16xi32, #tpu.memory_space<vmem>>
    %dma_start3A_185 = arith.constant 0 : i32
    %dma_start3A_186 = arith.constant 0 : i32
    %dma_start3A_187 = tpu.memref_slice %arg5[%dma_start3A_185, %dma_start3A_186] : memref<10240x1024xf32, #tpu.memory_space<hbm>> -> memref<10240x1024xf32, #tpu.memory_space<hbm>>
    tpu.enqueue_indirect_dma source(%arg8 : memref<16x1024xf32, #tpu.memory_space<vmem>>) target(%dma_start3A_187 : memref<10240x1024xf32, #tpu.memory_space<hbm>>) offsets(%dma_start3A_184 : memref<16xi32, #tpu.memory_space<vmem>>) semaphore(%arg11 : memref<!tpu.dma_semaphore, #tpu.memory_space<semaphore_mem>>)
    %dma_start3A_188 = arith.constant 4 : i32
    %dma_start3A_189 = arith.constant 0 : i32
    %dma_start3A_190 = tpu.memref_slice %arg7[%dma_start3A_188, %dma_start3A_189] : memref<8x16xi32, #tpu.memory_space<vmem>> -> memref<1x16xi32, #tpu.memory_space<vmem>>
    %dma_start3A_191 = tpu.memref_squeeze %dma_start3A_190 : memref<1x16xi32, #tpu.memory_space<vmem>> -> memref<16xi32, #tpu.memory_space<vmem>>
    %dma_start3A_192 = arith.constant 0 : i32
    %dma_start3A_193 = arith.constant 0 : i32
    %dma_start3A_194 = tpu.memref_slice %arg5[%dma_start3A_192, %dma_start3A_193] : memref<10240x1024xf32, #tpu.memory_space<hbm>> -> memref<10240x1024xf32, #tpu.memory_space<hbm>>
    tpu.enqueue_indirect_dma source(%arg8 : memref<16x1024xf32, #tpu.memory_space<vmem>>) target(%dma_start3A_194 : memref<10240x1024xf32, #tpu.memory_space<hbm>>) offsets(%dma_start3A_191 : memref<16xi32, #tpu.memory_space<vmem>>) semaphore(%arg11 : memref<!tpu.dma_semaphore, #tpu.memory_space<semaphore_mem>>)
    %dma_wait3A_195 = arith.constant 0 : i32
    %dma_wait3A_196 = tpu.memref_slice %arg2[%add3A_176, %dma_wait3A_195] : memref<4096x1024xf32, #tpu.memory_space<hbm>> -> memref<16x1024xf32, #tpu.memory_space<hbm>>
    %dma_wait3A_197 = arith.constant 0 : i32
    %dma_wait3A_198 = tpu.memref_slice %arg2[%add3A_176, %dma_wait3A_197] : memref<4096x1024xf32, #tpu.memory_space<hbm>> -> memref<16x1024xf32, #tpu.memory_space<hbm>>
    tpu.wait_dma2 semaphore(%arg10 : memref<!tpu.dma_semaphore, #tpu.memory_space<semaphore_mem>>) src(%dma_wait3A_198 : memref<16x1024xf32, #tpu.memory_space<hbm>>) dst(%arg9 : memref<16x1024xf32, #tpu.memory_space<vmem>>)
    %dma_wait3A_199 = arith.constant 4 : i32
    %dma_wait3A_200 = arith.constant 0 : i32
    %dma_wait3A_201 = tpu.memref_slice %arg6[%dma_wait3A_199, %dma_wait3A_200] : memref<8x16xi32, #tpu.memory_space<vmem>> -> memref<1x16xi32, #tpu.memory_space<vmem>>
    %dma_wait3A_202 = tpu.memref_squeeze %dma_wait3A_201 : memref<1x16xi32, #tpu.memory_space<vmem>> -> memref<16xi32, #tpu.memory_space<vmem>>
    %dma_wait3A_203 = arith.constant 0 : i32
    %dma_wait3A_204 = arith.constant 0 : i32
    %dma_wait3A_205 = tpu.memref_slice %arg5[%dma_wait3A_203, %dma_wait3A_204] : memref<10240x1024xf32, #tpu.memory_space<hbm>> -> memref<10240x1024xf32, #tpu.memory_space<hbm>>
    tpu.wait_indirect_dma semaphore(%arg11 : memref<!tpu.dma_semaphore, #tpu.memory_space<semaphore_mem>>) src(%arg8 : memref<16x1024xf32, #tpu.memory_space<vmem>>) dst(%dma_wait3A_205 : memref<10240x1024xf32, #tpu.memory_space<hbm>>)
    %dma_wait3A_206 = arith.constant 4 : i32
    %dma_wait3A_207 = arith.constant 0 : i32
    %dma_wait3A_208 = tpu.memref_slice %arg7[%dma_wait3A_206, %dma_wait3A_207] : memref<8x16xi32, #tpu.memory_space<vmem>> -> memref<1x16xi32, #tpu.memory_space<vmem>>
    %dma_wait3A_209 = tpu.memref_squeeze %dma_wait3A_208 : memref<1x16xi32, #tpu.memory_space<vmem>> -> memref<16xi32, #tpu.memory_space<vmem>>
    %dma_wait3A_210 = arith.constant 0 : i32
    %dma_wait3A_211 = arith.constant 0 : i32
    %dma_wait3A_212 = tpu.memref_slice %arg5[%dma_wait3A_210, %dma_wait3A_211] : memref<10240x1024xf32, #tpu.memory_space<hbm>> -> memref<10240x1024xf32, #tpu.memory_space<hbm>>
    tpu.wait_indirect_dma semaphore(%arg11 : memref<!tpu.dma_semaphore, #tpu.memory_space<semaphore_mem>>) src(%arg8 : memref<16x1024xf32, #tpu.memory_space<vmem>>) dst(%dma_wait3A_212 : memref<10240x1024xf32, #tpu.memory_space<hbm>>)
    %mul3A_213 = arith.constant 128 : i32
    %mul3A_214 = arith.muli %add3A, %mul3A_213 : i32
    %add3A_215 = arith.constant 96 : i32
    %add3A_216 = arith.addi %mul3A_214, %add3A_215 : i32
    %dma_start3A_217 = arith.constant 0 : i32
    %dma_start3A_218 = tpu.memref_slice %arg2[%add3A_216, %dma_start3A_217] : memref<4096x1024xf32, #tpu.memory_space<hbm>> -> memref<16x1024xf32, #tpu.memory_space<hbm>>
    %dma_start3A_219 = arith.constant 0 : i32
    %dma_start3A_220 = tpu.memref_slice %arg2[%add3A_216, %dma_start3A_219] : memref<4096x1024xf32, #tpu.memory_space<hbm>> -> memref<16x1024xf32, #tpu.memory_space<hbm>>
    tpu.enqueue_dma source(%dma_start3A_220 : memref<16x1024xf32, #tpu.memory_space<hbm>>) target(%arg8 : memref<16x1024xf32, #tpu.memory_space<vmem>>) target_semaphore(%arg10 : memref<!tpu.dma_semaphore, #tpu.memory_space<semaphore_mem>>)
    %dma_start3A_221 = arith.constant 5 : i32
    %dma_start3A_222 = arith.constant 0 : i32
    %dma_start3A_223 = tpu.memref_slice %arg6[%dma_start3A_221, %dma_start3A_222] : memref<8x16xi32, #tpu.memory_space<vmem>> -> memref<1x16xi32, #tpu.memory_space<vmem>>
    %dma_start3A_224 = tpu.memref_squeeze %dma_start3A_223 : memref<1x16xi32, #tpu.memory_space<vmem>> -> memref<16xi32, #tpu.memory_space<vmem>>
    %dma_start3A_225 = arith.constant 0 : i32
    %dma_start3A_226 = arith.constant 0 : i32
    %dma_start3A_227 = tpu.memref_slice %arg5[%dma_start3A_225, %dma_start3A_226] : memref<10240x1024xf32, #tpu.memory_space<hbm>> -> memref<10240x1024xf32, #tpu.memory_space<hbm>>
    tpu.enqueue_indirect_dma source(%arg9 : memref<16x1024xf32, #tpu.memory_space<vmem>>) target(%dma_start3A_227 : memref<10240x1024xf32, #tpu.memory_space<hbm>>) offsets(%dma_start3A_224 : memref<16xi32, #tpu.memory_space<vmem>>) semaphore(%arg11 : memref<!tpu.dma_semaphore, #tpu.memory_space<semaphore_mem>>)
    %dma_start3A_228 = arith.constant 5 : i32
    %dma_start3A_229 = arith.constant 0 : i32
    %dma_start3A_230 = tpu.memref_slice %arg7[%dma_start3A_228, %dma_start3A_229] : memref<8x16xi32, #tpu.memory_space<vmem>> -> memref<1x16xi32, #tpu.memory_space<vmem>>
    %dma_start3A_231 = tpu.memref_squeeze %dma_start3A_230 : memref<1x16xi32, #tpu.memory_space<vmem>> -> memref<16xi32, #tpu.memory_space<vmem>>
    %dma_start3A_232 = arith.constant 0 : i32
    %dma_start3A_233 = arith.constant 0 : i32
    %dma_start3A_234 = tpu.memref_slice %arg5[%dma_start3A_232, %dma_start3A_233] : memref<10240x1024xf32, #tpu.memory_space<hbm>> -> memref<10240x1024xf32, #tpu.memory_space<hbm>>
    tpu.enqueue_indirect_dma source(%arg9 : memref<16x1024xf32, #tpu.memory_space<vmem>>) target(%dma_start3A_234 : memref<10240x1024xf32, #tpu.memory_space<hbm>>) offsets(%dma_start3A_231 : memref<16xi32, #tpu.memory_space<vmem>>) semaphore(%arg11 : memref<!tpu.dma_semaphore, #tpu.memory_space<semaphore_mem>>)
    %dma_wait3A_235 = arith.constant 0 : i32
    %dma_wait3A_236 = tpu.memref_slice %arg2[%add3A_216, %dma_wait3A_235] : memref<4096x1024xf32, #tpu.memory_space<hbm>> -> memref<16x1024xf32, #tpu.memory_space<hbm>>
    %dma_wait3A_237 = arith.constant 0 : i32
    %dma_wait3A_238 = tpu.memref_slice %arg2[%add3A_216, %dma_wait3A_237] : memref<4096x1024xf32, #tpu.memory_space<hbm>> -> memref<16x1024xf32, #tpu.memory_space<hbm>>
    tpu.wait_dma2 semaphore(%arg10 : memref<!tpu.dma_semaphore, #tpu.memory_space<semaphore_mem>>) src(%dma_wait3A_238 : memref<16x1024xf32, #tpu.memory_space<hbm>>) dst(%arg8 : memref<16x1024xf32, #tpu.memory_space<vmem>>)
    %dma_wait3A_239 = arith.constant 5 : i32
    %dma_wait3A_240 = arith.constant 0 : i32
    %dma_wait3A_241 = tpu.memref_slice %arg6[%dma_wait3A_239, %dma_wait3A_240] : memref<8x16xi32, #tpu.memory_space<vmem>> -> memref<1x16xi32, #tpu.memory_space<vmem>>
    %dma_wait3A_242 = tpu.memref_squeeze %dma_wait3A_241 : memref<1x16xi32, #tpu.memory_space<vmem>> -> memref<16xi32, #tpu.memory_space<vmem>>
    %dma_wait3A_243 = arith.constant 0 : i32
    %dma_wait3A_244 = arith.constant 0 : i32
    %dma_wait3A_245 = tpu.memref_slice %arg5[%dma_wait3A_243, %dma_wait3A_244] : memref<10240x1024xf32, #tpu.memory_space<hbm>> -> memref<10240x1024xf32, #tpu.memory_space<hbm>>
    tpu.wait_indirect_dma semaphore(%arg11 : memref<!tpu.dma_semaphore, #tpu.memory_space<semaphore_mem>>) src(%arg9 : memref<16x1024xf32, #tpu.memory_space<vmem>>) dst(%dma_wait3A_245 : memref<10240x1024xf32, #tpu.memory_space<hbm>>)
    %dma_wait3A_246 = arith.constant 5 : i32
    %dma_wait3A_247 = arith.constant 0 : i32
    %dma_wait3A_248 = tpu.memref_slice %arg7[%dma_wait3A_246, %dma_wait3A_247] : memref<8x16xi32, #tpu.memory_space<vmem>> -> memref<1x16xi32, #tpu.memory_space<vmem>>
    %dma_wait3A_249 = tpu.memref_squeeze %dma_wait3A_248 : memref<1x16xi32, #tpu.memory_space<vmem>> -> memref<16xi32, #tpu.memory_space<vmem>>
    %dma_wait3A_250 = arith.constant 0 : i32
    %dma_wait3A_251 = arith.constant 0 : i32
    %dma_wait3A_252 = tpu.memref_slice %arg5[%dma_wait3A_250, %dma_wait3A_251] : memref<10240x1024xf32, #tpu.memory_space<hbm>> -> memref<10240x1024xf32, #tpu.memory_space<hbm>>
    tpu.wait_indirect_dma semaphore(%arg11 : memref<!tpu.dma_semaphore, #tpu.memory_space<semaphore_mem>>) src(%arg9 : memref<16x1024xf32, #tpu.memory_space<vmem>>) dst(%dma_wait3A_252 : memref<10240x1024xf32, #tpu.memory_space<hbm>>)
    %mul3A_253 = arith.constant 128 : i32
    %mul3A_254 = arith.muli %add3A, %mul3A_253 : i32
    %add3A_255 = arith.constant 112 : i32
    %add3A_256 = arith.addi %mul3A_254, %add3A_255 : i32
    %dma_start3A_257 = arith.constant 0 : i32
    %dma_start3A_258 = tpu.memref_slice %arg2[%add3A_256, %dma_start3A_257] : memref<4096x1024xf32, #tpu.memory_space<hbm>> -> memref<16x1024xf32, #tpu.memory_space<hbm>>
    %dma_start3A_259 = arith.constant 0 : i32
    %dma_start3A_260 = tpu.memref_slice %arg2[%add3A_256, %dma_start3A_259] : memref<4096x1024xf32, #tpu.memory_space<hbm>> -> memref<16x1024xf32, #tpu.memory_space<hbm>>
    tpu.enqueue_dma source(%dma_start3A_260 : memref<16x1024xf32, #tpu.memory_space<hbm>>) target(%arg9 : memref<16x1024xf32, #tpu.memory_space<vmem>>) target_semaphore(%arg10 : memref<!tpu.dma_semaphore, #tpu.memory_space<semaphore_mem>>)
    %dma_start3A_261 = arith.constant 6 : i32
    %dma_start3A_262 = arith.constant 0 : i32
    %dma_start3A_263 = tpu.memref_slice %arg6[%dma_start3A_261, %dma_start3A_262] : memref<8x16xi32, #tpu.memory_space<vmem>> -> memref<1x16xi32, #tpu.memory_space<vmem>>
    %dma_start3A_264 = tpu.memref_squeeze %dma_start3A_263 : memref<1x16xi32, #tpu.memory_space<vmem>> -> memref<16xi32, #tpu.memory_space<vmem>>
    %dma_start3A_265 = arith.constant 0 : i32
    %dma_start3A_266 = arith.constant 0 : i32
    %dma_start3A_267 = tpu.memref_slice %arg5[%dma_start3A_265, %dma_start3A_266] : memref<10240x1024xf32, #tpu.memory_space<hbm>> -> memref<10240x1024xf32, #tpu.memory_space<hbm>>
    tpu.enqueue_indirect_dma source(%arg8 : memref<16x1024xf32, #tpu.memory_space<vmem>>) target(%dma_start3A_267 : memref<10240x1024xf32, #tpu.memory_space<hbm>>) offsets(%dma_start3A_264 : memref<16xi32, #tpu.memory_space<vmem>>) semaphore(%arg11 : memref<!tpu.dma_semaphore, #tpu.memory_space<semaphore_mem>>)
    %dma_start3A_268 = arith.constant 6 : i32
    %dma_start3A_269 = arith.constant 0 : i32
    %dma_start3A_270 = tpu.memref_slice %arg7[%dma_start3A_268, %dma_start3A_269] : memref<8x16xi32, #tpu.memory_space<vmem>> -> memref<1x16xi32, #tpu.memory_space<vmem>>
    %dma_start3A_271 = tpu.memref_squeeze %dma_start3A_270 : memref<1x16xi32, #tpu.memory_space<vmem>> -> memref<16xi32, #tpu.memory_space<vmem>>
    %dma_start3A_272 = arith.constant 0 : i32
    %dma_start3A_273 = arith.constant 0 : i32
    %dma_start3A_274 = tpu.memref_slice %arg5[%dma_start3A_272, %dma_start3A_273] : memref<10240x1024xf32, #tpu.memory_space<hbm>> -> memref<10240x1024xf32, #tpu.memory_space<hbm>>
    tpu.enqueue_indirect_dma source(%arg8 : memref<16x1024xf32, #tpu.memory_space<vmem>>) target(%dma_start3A_274 : memref<10240x1024xf32, #tpu.memory_space<hbm>>) offsets(%dma_start3A_271 : memref<16xi32, #tpu.memory_space<vmem>>) semaphore(%arg11 : memref<!tpu.dma_semaphore, #tpu.memory_space<semaphore_mem>>)
    %dma_wait3A_275 = arith.constant 0 : i32
    %dma_wait3A_276 = tpu.memref_slice %arg2[%add3A_256, %dma_wait3A_275] : memref<4096x1024xf32, #tpu.memory_space<hbm>> -> memref<16x1024xf32, #tpu.memory_space<hbm>>
    %dma_wait3A_277 = arith.constant 0 : i32
    %dma_wait3A_278 = tpu.memref_slice %arg2[%add3A_256, %dma_wait3A_277] : memref<4096x1024xf32, #tpu.memory_space<hbm>> -> memref<16x1024xf32, #tpu.memory_space<hbm>>
    tpu.wait_dma2 semaphore(%arg10 : memref<!tpu.dma_semaphore, #tpu.memory_space<semaphore_mem>>) src(%dma_wait3A_278 : memref<16x1024xf32, #tpu.memory_space<hbm>>) dst(%arg9 : memref<16x1024xf32, #tpu.memory_space<vmem>>)
    %dma_wait3A_279 = arith.constant 6 : i32
    %dma_wait3A_280 = arith.constant 0 : i32
    %dma_wait3A_281 = tpu.memref_slice %arg6[%dma_wait3A_279, %dma_wait3A_280] : memref<8x16xi32, #tpu.memory_space<vmem>> -> memref<1x16xi32, #tpu.memory_space<vmem>>
    %dma_wait3A_282 = tpu.memref_squeeze %dma_wait3A_281 : memref<1x16xi32, #tpu.memory_space<vmem>> -> memref<16xi32, #tpu.memory_space<vmem>>
    %dma_wait3A_283 = arith.constant 0 : i32
    %dma_wait3A_284 = arith.constant 0 : i32
    %dma_wait3A_285 = tpu.memref_slice %arg5[%dma_wait3A_283, %dma_wait3A_284] : memref<10240x1024xf32, #tpu.memory_space<hbm>> -> memref<10240x1024xf32, #tpu.memory_space<hbm>>
    tpu.wait_indirect_dma semaphore(%arg11 : memref<!tpu.dma_semaphore, #tpu.memory_space<semaphore_mem>>) src(%arg8 : memref<16x1024xf32, #tpu.memory_space<vmem>>) dst(%dma_wait3A_285 : memref<10240x1024xf32, #tpu.memory_space<hbm>>)
    %dma_wait3A_286 = arith.constant 6 : i32
    %dma_wait3A_287 = arith.constant 0 : i32
    %dma_wait3A_288 = tpu.memref_slice %arg7[%dma_wait3A_286, %dma_wait3A_287] : memref<8x16xi32, #tpu.memory_space<vmem>> -> memref<1x16xi32, #tpu.memory_space<vmem>>
    %dma_wait3A_289 = tpu.memref_squeeze %dma_wait3A_288 : memref<1x16xi32, #tpu.memory_space<vmem>> -> memref<16xi32, #tpu.memory_space<vmem>>
    %dma_wait3A_290 = arith.constant 0 : i32
    %dma_wait3A_291 = arith.constant 0 : i32
    %dma_wait3A_292 = tpu.memref_slice %arg5[%dma_wait3A_290, %dma_wait3A_291] : memref<10240x1024xf32, #tpu.memory_space<hbm>> -> memref<10240x1024xf32, #tpu.memory_space<hbm>>
    tpu.wait_indirect_dma semaphore(%arg11 : memref<!tpu.dma_semaphore, #tpu.memory_space<semaphore_mem>>) src(%arg8 : memref<16x1024xf32, #tpu.memory_space<vmem>>) dst(%dma_wait3A_292 : memref<10240x1024xf32, #tpu.memory_space<hbm>>)
    %dma_start3A_293 = arith.constant 7 : i32
    %dma_start3A_294 = arith.constant 0 : i32
    %dma_start3A_295 = tpu.memref_slice %arg6[%dma_start3A_293, %dma_start3A_294] : memref<8x16xi32, #tpu.memory_space<vmem>> -> memref<1x16xi32, #tpu.memory_space<vmem>>
    %dma_start3A_296 = tpu.memref_squeeze %dma_start3A_295 : memref<1x16xi32, #tpu.memory_space<vmem>> -> memref<16xi32, #tpu.memory_space<vmem>>
    %dma_start3A_297 = arith.constant 0 : i32
    %dma_start3A_298 = arith.constant 0 : i32
    %dma_start3A_299 = tpu.memref_slice %arg5[%dma_start3A_297, %dma_start3A_298] : memref<10240x1024xf32, #tpu.memory_space<hbm>> -> memref<10240x1024xf32, #tpu.memory_space<hbm>>
    tpu.enqueue_indirect_dma source(%arg9 : memref<16x1024xf32, #tpu.memory_space<vmem>>) target(%dma_start3A_299 : memref<10240x1024xf32, #tpu.memory_space<hbm>>) offsets(%dma_start3A_296 : memref<16xi32, #tpu.memory_space<vmem>>) semaphore(%arg11 : memref<!tpu.dma_semaphore, #tpu.memory_space<semaphore_mem>>)
    %dma_start3A_300 = arith.constant 7 : i32
    %dma_start3A_301 = arith.constant 0 : i32
    %dma_start3A_302 = tpu.memref_slice %arg7[%dma_start3A_300, %dma_start3A_301] : memref<8x16xi32, #tpu.memory_space<vmem>> -> memref<1x16xi32, #tpu.memory_space<vmem>>
    %dma_start3A_303 = tpu.memref_squeeze %dma_start3A_302 : memref<1x16xi32, #tpu.memory_space<vmem>> -> memref<16xi32, #tpu.memory_space<vmem>>
    %dma_start3A_304 = arith.constant 0 : i32
    %dma_start3A_305 = arith.constant 0 : i32
    %dma_start3A_306 = tpu.memref_slice %arg5[%dma_start3A_304, %dma_start3A_305] : memref<10240x1024xf32, #tpu.memory_space<hbm>> -> memref<10240x1024xf32, #tpu.memory_space<hbm>>
    tpu.enqueue_indirect_dma source(%arg9 : memref<16x1024xf32, #tpu.memory_space<vmem>>) target(%dma_start3A_306 : memref<10240x1024xf32, #tpu.memory_space<hbm>>) offsets(%dma_start3A_303 : memref<16xi32, #tpu.memory_space<vmem>>) semaphore(%arg11 : memref<!tpu.dma_semaphore, #tpu.memory_space<semaphore_mem>>)
    %dma_wait3A_307 = arith.constant 7 : i32
    %dma_wait3A_308 = arith.constant 0 : i32
    %dma_wait3A_309 = tpu.memref_slice %arg6[%dma_wait3A_307, %dma_wait3A_308] : memref<8x16xi32, #tpu.memory_space<vmem>> -> memref<1x16xi32, #tpu.memory_space<vmem>>
    %dma_wait3A_310 = tpu.memref_squeeze %dma_wait3A_309 : memref<1x16xi32, #tpu.memory_space<vmem>> -> memref<16xi32, #tpu.memory_space<vmem>>
    %dma_wait3A_311 = arith.constant 0 : i32
    %dma_wait3A_312 = arith.constant 0 : i32
    %dma_wait3A_313 = tpu.memref_slice %arg5[%dma_wait3A_311, %dma_wait3A_312] : memref<10240x1024xf32, #tpu.memory_space<hbm>> -> memref<10240x1024xf32, #tpu.memory_space<hbm>>
    tpu.wait_indirect_dma semaphore(%arg11 : memref<!tpu.dma_semaphore, #tpu.memory_space<semaphore_mem>>) src(%arg9 : memref<16x1024xf32, #tpu.memory_space<vmem>>) dst(%dma_wait3A_313 : memref<10240x1024xf32, #tpu.memory_space<hbm>>)
    %dma_wait3A_314 = arith.constant 7 : i32
    %dma_wait3A_315 = arith.constant 0 : i32
    %dma_wait3A_316 = tpu.memref_slice %arg7[%dma_wait3A_314, %dma_wait3A_315] : memref<8x16xi32, #tpu.memory_space<vmem>> -> memref<1x16xi32, #tpu.memory_space<vmem>>
    %dma_wait3A_317 = tpu.memref_squeeze %dma_wait3A_316 : memref<1x16xi32, #tpu.memory_space<vmem>> -> memref<16xi32, #tpu.memory_space<vmem>>
    %dma_wait3A_318 = arith.constant 0 : i32
    %dma_wait3A_319 = arith.constant 0 : i32
    %dma_wait3A_320 = tpu.memref_slice %arg5[%dma_wait3A_318, %dma_wait3A_319] : memref<10240x1024xf32, #tpu.memory_space<hbm>> -> memref<10240x1024xf32, #tpu.memory_space<hbm>>
    tpu.wait_indirect_dma semaphore(%arg11 : memref<!tpu.dma_semaphore, #tpu.memory_space<semaphore_mem>>) src(%arg9 : memref<16x1024xf32, #tpu.memory_space<vmem>>) dst(%dma_wait3A_320 : memref<10240x1024xf32, #tpu.memory_space<hbm>>)
    return
  }
}

#map = affine_map<(d0, d1) -> (0, 0)>
module attributes {stable_mosaic.version = 14 : i64} {
  func.func @_gather_body(%arg0: i32, %arg1: i32, %arg2: memref<10240x1024xf32, #tpu.memory_space<hbm>>, %arg3: memref<256x16xi32, #tpu.memory_space<hbm>>, %arg4: memref<256x16xi32, #tpu.memory_space<hbm>>, %arg5: memref<4096x1024xf32, #tpu.memory_space<hbm>>, %arg6: memref<4096x1024xf32, #tpu.memory_space<hbm>>, %arg7: memref<8x16xi32, #tpu.memory_space<vmem>>, %arg8: memref<8x16xi32, #tpu.memory_space<vmem>>, %arg9: memref<16x1024xf32, #tpu.memory_space<vmem>>, %arg10: memref<16x1024xf32, #tpu.memory_space<vmem>>, %arg11: memref<16x1024xf32, #tpu.memory_space<vmem>>, %arg12: memref<16x1024xf32, #tpu.memory_space<vmem>>, %arg13: memref<!tpu.dma_semaphore, #tpu.memory_space<semaphore_mem>>, %arg14: memref<!tpu.dma_semaphore, #tpu.memory_space<semaphore_mem>>) attributes {dimension_semantics = [#tpu.dimension_semantics<core_parallel>, #tpu.dimension_semantics<subcore_parallel>], iteration_bounds = array<i64: 2, 16>, scalar_prefetch = 0 : i64, scratch_operands = 8 : i64, tpu.core_type = #tpu.core_type<sc_vector_subcore>, window_params = [{transform_indices = #map}, {transform_indices = #map}, {transform_indices = #map}, {transform_indices = #map}, {transform_indices = #map}]} {
    %mul3A = arith.constant 2 : i32
    %mul3A_0 = arith.muli %arg1, %mul3A : i32
    %add3A = arith.addi %mul3A_0, %arg0 : i32
    %mul3A_1 = arith.constant 8 : i32
    %mul3A_2 = arith.muli %add3A, %mul3A_1 : i32
    "tpu.region"() ({
      %run_scoped3A = tpu.sem_alloc : memref<!tpu.dma_semaphore, #tpu.memory_space<semaphore_mem>>
      %dma_start3A_387 = arith.constant 0 : i32
      %dma_start3A_388 = tpu.memref_slice %arg3[%mul3A_2, %dma_start3A_387] : memref<256x16xi32, #tpu.memory_space<hbm>> -> memref<8x16xi32, #tpu.memory_space<hbm>>
      %dma_start3A_389 = arith.constant 0 : i32
      %dma_start3A_390 = tpu.memref_slice %arg3[%mul3A_2, %dma_start3A_389] : memref<256x16xi32, #tpu.memory_space<hbm>> -> memref<8x16xi32, #tpu.memory_space<hbm>>
      tpu.enqueue_dma source(%dma_start3A_390 : memref<8x16xi32, #tpu.memory_space<hbm>>) target(%arg7 : memref<8x16xi32, #tpu.memory_space<vmem>>) target_semaphore(%run_scoped3A : memref<!tpu.dma_semaphore, #tpu.memory_space<semaphore_mem>>)
      %dma_wait3A_391 = arith.constant 0 : i32
      %dma_wait3A_392 = tpu.memref_slice %arg3[%mul3A_2, %dma_wait3A_391] : memref<256x16xi32, #tpu.memory_space<hbm>> -> memref<8x16xi32, #tpu.memory_space<hbm>>
      %dma_wait3A_393 = arith.constant 0 : i32
      %dma_wait3A_394 = tpu.memref_slice %arg3[%mul3A_2, %dma_wait3A_393] : memref<256x16xi32, #tpu.memory_space<hbm>> -> memref<8x16xi32, #tpu.memory_space<hbm>>
      tpu.wait_dma2 semaphore(%run_scoped3A : memref<!tpu.dma_semaphore, #tpu.memory_space<semaphore_mem>>) src(%dma_wait3A_394 : memref<8x16xi32, #tpu.memory_space<hbm>>) dst(%arg7 : memref<8x16xi32, #tpu.memory_space<vmem>>)
      tpu.yield
    }) : () -> ()
    %mul3A_3 = arith.constant 8 : i32
    %mul3A_4 = arith.muli %add3A, %mul3A_3 : i32
    "tpu.region"() ({
      %run_scoped3A = tpu.sem_alloc : memref<!tpu.dma_semaphore, #tpu.memory_space<semaphore_mem>>
      %dma_start3A_387 = arith.constant 0 : i32
      %dma_start3A_388 = tpu.memref_slice %arg4[%mul3A_4, %dma_start3A_387] : memref<256x16xi32, #tpu.memory_space<hbm>> -> memref<8x16xi32, #tpu.memory_space<hbm>>
      %dma_start3A_389 = arith.constant 0 : i32
      %dma_start3A_390 = tpu.memref_slice %arg4[%mul3A_4, %dma_start3A_389] : memref<256x16xi32, #tpu.memory_space<hbm>> -> memref<8x16xi32, #tpu.memory_space<hbm>>
      tpu.enqueue_dma source(%dma_start3A_390 : memref<8x16xi32, #tpu.memory_space<hbm>>) target(%arg8 : memref<8x16xi32, #tpu.memory_space<vmem>>) target_semaphore(%run_scoped3A : memref<!tpu.dma_semaphore, #tpu.memory_space<semaphore_mem>>)
      %dma_wait3A_391 = arith.constant 0 : i32
      %dma_wait3A_392 = tpu.memref_slice %arg4[%mul3A_4, %dma_wait3A_391] : memref<256x16xi32, #tpu.memory_space<hbm>> -> memref<8x16xi32, #tpu.memory_space<hbm>>
      %dma_wait3A_393 = arith.constant 0 : i32
      %dma_wait3A_394 = tpu.memref_slice %arg4[%mul3A_4, %dma_wait3A_393] : memref<256x16xi32, #tpu.memory_space<hbm>> -> memref<8x16xi32, #tpu.memory_space<hbm>>
      tpu.wait_dma2 semaphore(%run_scoped3A : memref<!tpu.dma_semaphore, #tpu.memory_space<semaphore_mem>>) src(%dma_wait3A_394 : memref<8x16xi32, #tpu.memory_space<hbm>>) dst(%arg8 : memref<8x16xi32, #tpu.memory_space<vmem>>)
      tpu.yield
    }) : () -> ()
    %dma_start3A = arith.constant 0 : i32
    %dma_start3A_5 = arith.constant 0 : i32
    %dma_start3A_6 = tpu.memref_slice %arg7[%dma_start3A, %dma_start3A_5] : memref<8x16xi32, #tpu.memory_space<vmem>> -> memref<1x16xi32, #tpu.memory_space<vmem>>
    %dma_start3A_7 = tpu.memref_squeeze %dma_start3A_6 : memref<1x16xi32, #tpu.memory_space<vmem>> -> memref<16xi32, #tpu.memory_space<vmem>>
    %dma_start3A_8 = arith.constant 0 : i32
    %dma_start3A_9 = arith.constant 0 : i32
    %dma_start3A_10 = tpu.memref_slice %arg2[%dma_start3A_8, %dma_start3A_9] : memref<10240x1024xf32, #tpu.memory_space<hbm>> -> memref<10240x1024xf32, #tpu.memory_space<hbm>>
    tpu.enqueue_indirect_dma source(%dma_start3A_10 : memref<10240x1024xf32, #tpu.memory_space<hbm>>) target(%arg9 : memref<16x1024xf32, #tpu.memory_space<vmem>>) offsets(%dma_start3A_7 : memref<16xi32, #tpu.memory_space<vmem>>) semaphore(%arg13 : memref<!tpu.dma_semaphore, #tpu.memory_space<semaphore_mem>>)
    %dma_start3A_11 = arith.constant 0 : i32
    %dma_start3A_12 = arith.constant 0 : i32
    %dma_start3A_13 = tpu.memref_slice %arg8[%dma_start3A_11, %dma_start3A_12] : memref<8x16xi32, #tpu.memory_space<vmem>> -> memref<1x16xi32, #tpu.memory_space<vmem>>
    %dma_start3A_14 = tpu.memref_squeeze %dma_start3A_13 : memref<1x16xi32, #tpu.memory_space<vmem>> -> memref<16xi32, #tpu.memory_space<vmem>>
    %dma_start3A_15 = arith.constant 0 : i32
    %dma_start3A_16 = arith.constant 0 : i32
    %dma_start3A_17 = tpu.memref_slice %arg2[%dma_start3A_15, %dma_start3A_16] : memref<10240x1024xf32, #tpu.memory_space<hbm>> -> memref<10240x1024xf32, #tpu.memory_space<hbm>>
    tpu.enqueue_indirect_dma source(%dma_start3A_17 : memref<10240x1024xf32, #tpu.memory_space<hbm>>) target(%arg11 : memref<16x1024xf32, #tpu.memory_space<vmem>>) offsets(%dma_start3A_14 : memref<16xi32, #tpu.memory_space<vmem>>) semaphore(%arg13 : memref<!tpu.dma_semaphore, #tpu.memory_space<semaphore_mem>>)
    %mul3A_18 = arith.constant 128 : i32
    %mul3A_19 = arith.muli %add3A, %mul3A_18 : i32
    %add3A_20 = arith.constant 0 : i32
    %add3A_21 = arith.addi %mul3A_19, %add3A_20 : i32
    %dma_wait3A = arith.constant 0 : i32
    %dma_wait3A_22 = arith.constant 0 : i32
    %dma_wait3A_23 = tpu.memref_slice %arg7[%dma_wait3A, %dma_wait3A_22] : memref<8x16xi32, #tpu.memory_space<vmem>> -> memref<1x16xi32, #tpu.memory_space<vmem>>
    %dma_wait3A_24 = tpu.memref_squeeze %dma_wait3A_23 : memref<1x16xi32, #tpu.memory_space<vmem>> -> memref<16xi32, #tpu.memory_space<vmem>>
    %dma_wait3A_25 = arith.constant 0 : i32
    %dma_wait3A_26 = arith.constant 0 : i32
    %dma_wait3A_27 = tpu.memref_slice %arg2[%dma_wait3A_25, %dma_wait3A_26] : memref<10240x1024xf32, #tpu.memory_space<hbm>> -> memref<10240x1024xf32, #tpu.memory_space<hbm>>
    tpu.wait_indirect_dma semaphore(%arg13 : memref<!tpu.dma_semaphore, #tpu.memory_space<semaphore_mem>>) src(%dma_wait3A_27 : memref<10240x1024xf32, #tpu.memory_space<hbm>>) dst(%arg9 : memref<16x1024xf32, #tpu.memory_space<vmem>>)
    %dma_wait3A_28 = arith.constant 0 : i32
    %dma_wait3A_29 = arith.constant 0 : i32
    %dma_wait3A_30 = tpu.memref_slice %arg8[%dma_wait3A_28, %dma_wait3A_29] : memref<8x16xi32, #tpu.memory_space<vmem>> -> memref<1x16xi32, #tpu.memory_space<vmem>>
    %dma_wait3A_31 = tpu.memref_squeeze %dma_wait3A_30 : memref<1x16xi32, #tpu.memory_space<vmem>> -> memref<16xi32, #tpu.memory_space<vmem>>
    %dma_wait3A_32 = arith.constant 0 : i32
    %dma_wait3A_33 = arith.constant 0 : i32
    %dma_wait3A_34 = tpu.memref_slice %arg2[%dma_wait3A_32, %dma_wait3A_33] : memref<10240x1024xf32, #tpu.memory_space<hbm>> -> memref<10240x1024xf32, #tpu.memory_space<hbm>>
    tpu.wait_indirect_dma semaphore(%arg13 : memref<!tpu.dma_semaphore, #tpu.memory_space<semaphore_mem>>) src(%dma_wait3A_34 : memref<10240x1024xf32, #tpu.memory_space<hbm>>) dst(%arg11 : memref<16x1024xf32, #tpu.memory_space<vmem>>)
    %dma_start3A_35 = arith.constant 1 : i32
    %dma_start3A_36 = arith.constant 0 : i32
    %dma_start3A_37 = tpu.memref_slice %arg7[%dma_start3A_35, %dma_start3A_36] : memref<8x16xi32, #tpu.memory_space<vmem>> -> memref<1x16xi32, #tpu.memory_space<vmem>>
    %dma_start3A_38 = tpu.memref_squeeze %dma_start3A_37 : memref<1x16xi32, #tpu.memory_space<vmem>> -> memref<16xi32, #tpu.memory_space<vmem>>
    %dma_start3A_39 = arith.constant 0 : i32
    %dma_start3A_40 = arith.constant 0 : i32
    %dma_start3A_41 = tpu.memref_slice %arg2[%dma_start3A_39, %dma_start3A_40] : memref<10240x1024xf32, #tpu.memory_space<hbm>> -> memref<10240x1024xf32, #tpu.memory_space<hbm>>
    tpu.enqueue_indirect_dma source(%dma_start3A_41 : memref<10240x1024xf32, #tpu.memory_space<hbm>>) target(%arg10 : memref<16x1024xf32, #tpu.memory_space<vmem>>) offsets(%dma_start3A_38 : memref<16xi32, #tpu.memory_space<vmem>>) semaphore(%arg13 : memref<!tpu.dma_semaphore, #tpu.memory_space<semaphore_mem>>)
    %dma_start3A_42 = arith.constant 1 : i32
    %dma_start3A_43 = arith.constant 0 : i32
    %dma_start3A_44 = tpu.memref_slice %arg8[%dma_start3A_42, %dma_start3A_43] : memref<8x16xi32, #tpu.memory_space<vmem>> -> memref<1x16xi32, #tpu.memory_space<vmem>>
    %dma_start3A_45 = tpu.memref_squeeze %dma_start3A_44 : memref<1x16xi32, #tpu.memory_space<vmem>> -> memref<16xi32, #tpu.memory_space<vmem>>
    %dma_start3A_46 = arith.constant 0 : i32
    %dma_start3A_47 = arith.constant 0 : i32
    %dma_start3A_48 = tpu.memref_slice %arg2[%dma_start3A_46, %dma_start3A_47] : memref<10240x1024xf32, #tpu.memory_space<hbm>> -> memref<10240x1024xf32, #tpu.memory_space<hbm>>
    tpu.enqueue_indirect_dma source(%dma_start3A_48 : memref<10240x1024xf32, #tpu.memory_space<hbm>>) target(%arg12 : memref<16x1024xf32, #tpu.memory_space<vmem>>) offsets(%dma_start3A_45 : memref<16xi32, #tpu.memory_space<vmem>>) semaphore(%arg13 : memref<!tpu.dma_semaphore, #tpu.memory_space<semaphore_mem>>)
    %dma_start3A_49 = arith.constant 0 : i32
    %dma_start3A_50 = tpu.memref_slice %arg5[%add3A_21, %dma_start3A_49] : memref<4096x1024xf32, #tpu.memory_space<hbm>> -> memref<16x1024xf32, #tpu.memory_space<hbm>>
    %dma_start3A_51 = arith.constant 0 : i32
    %dma_start3A_52 = tpu.memref_slice %arg5[%add3A_21, %dma_start3A_51] : memref<4096x1024xf32, #tpu.memory_space<hbm>> -> memref<16x1024xf32, #tpu.memory_space<hbm>>
    tpu.enqueue_dma source(%arg9 : memref<16x1024xf32, #tpu.memory_space<vmem>>) target(%dma_start3A_52 : memref<16x1024xf32, #tpu.memory_space<hbm>>) target_semaphore(%arg14 : memref<!tpu.dma_semaphore, #tpu.memory_space<semaphore_mem>>)
    %dma_start3A_53 = arith.constant 0 : i32
    %dma_start3A_54 = tpu.memref_slice %arg6[%add3A_21, %dma_start3A_53] : memref<4096x1024xf32, #tpu.memory_space<hbm>> -> memref<16x1024xf32, #tpu.memory_space<hbm>>
    %dma_start3A_55 = arith.constant 0 : i32
    %dma_start3A_56 = tpu.memref_slice %arg6[%add3A_21, %dma_start3A_55] : memref<4096x1024xf32, #tpu.memory_space<hbm>> -> memref<16x1024xf32, #tpu.memory_space<hbm>>
    tpu.enqueue_dma source(%arg11 : memref<16x1024xf32, #tpu.memory_space<vmem>>) target(%dma_start3A_56 : memref<16x1024xf32, #tpu.memory_space<hbm>>) target_semaphore(%arg14 : memref<!tpu.dma_semaphore, #tpu.memory_space<semaphore_mem>>)
    %mul3A_57 = arith.constant 128 : i32
    %mul3A_58 = arith.muli %add3A, %mul3A_57 : i32
    %add3A_59 = arith.constant 16 : i32
    %add3A_60 = arith.addi %mul3A_58, %add3A_59 : i32
    %dma_wait3A_61 = arith.constant 1 : i32
    %dma_wait3A_62 = arith.constant 0 : i32
    %dma_wait3A_63 = tpu.memref_slice %arg7[%dma_wait3A_61, %dma_wait3A_62] : memref<8x16xi32, #tpu.memory_space<vmem>> -> memref<1x16xi32, #tpu.memory_space<vmem>>
    %dma_wait3A_64 = tpu.memref_squeeze %dma_wait3A_63 : memref<1x16xi32, #tpu.memory_space<vmem>> -> memref<16xi32, #tpu.memory_space<vmem>>
    %dma_wait3A_65 = arith.constant 0 : i32
    %dma_wait3A_66 = arith.constant 0 : i32
    %dma_wait3A_67 = tpu.memref_slice %arg2[%dma_wait3A_65, %dma_wait3A_66] : memref<10240x1024xf32, #tpu.memory_space<hbm>> -> memref<10240x1024xf32, #tpu.memory_space<hbm>>
    tpu.wait_indirect_dma semaphore(%arg13 : memref<!tpu.dma_semaphore, #tpu.memory_space<semaphore_mem>>) src(%dma_wait3A_67 : memref<10240x1024xf32, #tpu.memory_space<hbm>>) dst(%arg10 : memref<16x1024xf32, #tpu.memory_space<vmem>>)
    %dma_wait3A_68 = arith.constant 1 : i32
    %dma_wait3A_69 = arith.constant 0 : i32
    %dma_wait3A_70 = tpu.memref_slice %arg8[%dma_wait3A_68, %dma_wait3A_69] : memref<8x16xi32, #tpu.memory_space<vmem>> -> memref<1x16xi32, #tpu.memory_space<vmem>>
    %dma_wait3A_71 = tpu.memref_squeeze %dma_wait3A_70 : memref<1x16xi32, #tpu.memory_space<vmem>> -> memref<16xi32, #tpu.memory_space<vmem>>
    %dma_wait3A_72 = arith.constant 0 : i32
    %dma_wait3A_73 = arith.constant 0 : i32
    %dma_wait3A_74 = tpu.memref_slice %arg2[%dma_wait3A_72, %dma_wait3A_73] : memref<10240x1024xf32, #tpu.memory_space<hbm>> -> memref<10240x1024xf32, #tpu.memory_space<hbm>>
    tpu.wait_indirect_dma semaphore(%arg13 : memref<!tpu.dma_semaphore, #tpu.memory_space<semaphore_mem>>) src(%dma_wait3A_74 : memref<10240x1024xf32, #tpu.memory_space<hbm>>) dst(%arg12 : memref<16x1024xf32, #tpu.memory_space<vmem>>)
    %dma_wait3A_75 = arith.constant 0 : i32
    %dma_wait3A_76 = tpu.memref_slice %arg5[%add3A_21, %dma_wait3A_75] : memref<4096x1024xf32, #tpu.memory_space<hbm>> -> memref<16x1024xf32, #tpu.memory_space<hbm>>
    %dma_wait3A_77 = arith.constant 0 : i32
    %dma_wait3A_78 = tpu.memref_slice %arg5[%add3A_21, %dma_wait3A_77] : memref<4096x1024xf32, #tpu.memory_space<hbm>> -> memref<16x1024xf32, #tpu.memory_space<hbm>>
    tpu.wait_dma2 semaphore(%arg14 : memref<!tpu.dma_semaphore, #tpu.memory_space<semaphore_mem>>) src(%arg9 : memref<16x1024xf32, #tpu.memory_space<vmem>>) dst(%dma_wait3A_78 : memref<16x1024xf32, #tpu.memory_space<hbm>>)
    %dma_wait3A_79 = arith.constant 0 : i32
    %dma_wait3A_80 = tpu.memref_slice %arg6[%add3A_21, %dma_wait3A_79] : memref<4096x1024xf32, #tpu.memory_space<hbm>> -> memref<16x1024xf32, #tpu.memory_space<hbm>>
    %dma_wait3A_81 = arith.constant 0 : i32
    %dma_wait3A_82 = tpu.memref_slice %arg6[%add3A_21, %dma_wait3A_81] : memref<4096x1024xf32, #tpu.memory_space<hbm>> -> memref<16x1024xf32, #tpu.memory_space<hbm>>
    tpu.wait_dma2 semaphore(%arg14 : memref<!tpu.dma_semaphore, #tpu.memory_space<semaphore_mem>>) src(%arg11 : memref<16x1024xf32, #tpu.memory_space<vmem>>) dst(%dma_wait3A_82 : memref<16x1024xf32, #tpu.memory_space<hbm>>)
    %dma_start3A_83 = arith.constant 2 : i32
    %dma_start3A_84 = arith.constant 0 : i32
    %dma_start3A_85 = tpu.memref_slice %arg7[%dma_start3A_83, %dma_start3A_84] : memref<8x16xi32, #tpu.memory_space<vmem>> -> memref<1x16xi32, #tpu.memory_space<vmem>>
    %dma_start3A_86 = tpu.memref_squeeze %dma_start3A_85 : memref<1x16xi32, #tpu.memory_space<vmem>> -> memref<16xi32, #tpu.memory_space<vmem>>
    %dma_start3A_87 = arith.constant 0 : i32
    %dma_start3A_88 = arith.constant 0 : i32
    %dma_start3A_89 = tpu.memref_slice %arg2[%dma_start3A_87, %dma_start3A_88] : memref<10240x1024xf32, #tpu.memory_space<hbm>> -> memref<10240x1024xf32, #tpu.memory_space<hbm>>
    tpu.enqueue_indirect_dma source(%dma_start3A_89 : memref<10240x1024xf32, #tpu.memory_space<hbm>>) target(%arg9 : memref<16x1024xf32, #tpu.memory_space<vmem>>) offsets(%dma_start3A_86 : memref<16xi32, #tpu.memory_space<vmem>>) semaphore(%arg13 : memref<!tpu.dma_semaphore, #tpu.memory_space<semaphore_mem>>)
    %dma_start3A_90 = arith.constant 2 : i32
    %dma_start3A_91 = arith.constant 0 : i32
    %dma_start3A_92 = tpu.memref_slice %arg8[%dma_start3A_90, %dma_start3A_91] : memref<8x16xi32, #tpu.memory_space<vmem>> -> memref<1x16xi32, #tpu.memory_space<vmem>>
    %dma_start3A_93 = tpu.memref_squeeze %dma_start3A_92 : memref<1x16xi32, #tpu.memory_space<vmem>> -> memref<16xi32, #tpu.memory_space<vmem>>
    %dma_start3A_94 = arith.constant 0 : i32
    %dma_start3A_95 = arith.constant 0 : i32
    %dma_start3A_96 = tpu.memref_slice %arg2[%dma_start3A_94, %dma_start3A_95] : memref<10240x1024xf32, #tpu.memory_space<hbm>> -> memref<10240x1024xf32, #tpu.memory_space<hbm>>
    tpu.enqueue_indirect_dma source(%dma_start3A_96 : memref<10240x1024xf32, #tpu.memory_space<hbm>>) target(%arg11 : memref<16x1024xf32, #tpu.memory_space<vmem>>) offsets(%dma_start3A_93 : memref<16xi32, #tpu.memory_space<vmem>>) semaphore(%arg13 : memref<!tpu.dma_semaphore, #tpu.memory_space<semaphore_mem>>)
    %dma_start3A_97 = arith.constant 0 : i32
    %dma_start3A_98 = tpu.memref_slice %arg5[%add3A_60, %dma_start3A_97] : memref<4096x1024xf32, #tpu.memory_space<hbm>> -> memref<16x1024xf32, #tpu.memory_space<hbm>>
    %dma_start3A_99 = arith.constant 0 : i32
    %dma_start3A_100 = tpu.memref_slice %arg5[%add3A_60, %dma_start3A_99] : memref<4096x1024xf32, #tpu.memory_space<hbm>> -> memref<16x1024xf32, #tpu.memory_space<hbm>>
    tpu.enqueue_dma source(%arg10 : memref<16x1024xf32, #tpu.memory_space<vmem>>) target(%dma_start3A_100 : memref<16x1024xf32, #tpu.memory_space<hbm>>) target_semaphore(%arg14 : memref<!tpu.dma_semaphore, #tpu.memory_space<semaphore_mem>>)
    %dma_start3A_101 = arith.constant 0 : i32
    %dma_start3A_102 = tpu.memref_slice %arg6[%add3A_60, %dma_start3A_101] : memref<4096x1024xf32, #tpu.memory_space<hbm>> -> memref<16x1024xf32, #tpu.memory_space<hbm>>
    %dma_start3A_103 = arith.constant 0 : i32
    %dma_start3A_104 = tpu.memref_slice %arg6[%add3A_60, %dma_start3A_103] : memref<4096x1024xf32, #tpu.memory_space<hbm>> -> memref<16x1024xf32, #tpu.memory_space<hbm>>
    tpu.enqueue_dma source(%arg12 : memref<16x1024xf32, #tpu.memory_space<vmem>>) target(%dma_start3A_104 : memref<16x1024xf32, #tpu.memory_space<hbm>>) target_semaphore(%arg14 : memref<!tpu.dma_semaphore, #tpu.memory_space<semaphore_mem>>)
    %mul3A_105 = arith.constant 128 : i32
    %mul3A_106 = arith.muli %add3A, %mul3A_105 : i32
    %add3A_107 = arith.constant 32 : i32
    %add3A_108 = arith.addi %mul3A_106, %add3A_107 : i32
    %dma_wait3A_109 = arith.constant 2 : i32
    %dma_wait3A_110 = arith.constant 0 : i32
    %dma_wait3A_111 = tpu.memref_slice %arg7[%dma_wait3A_109, %dma_wait3A_110] : memref<8x16xi32, #tpu.memory_space<vmem>> -> memref<1x16xi32, #tpu.memory_space<vmem>>
    %dma_wait3A_112 = tpu.memref_squeeze %dma_wait3A_111 : memref<1x16xi32, #tpu.memory_space<vmem>> -> memref<16xi32, #tpu.memory_space<vmem>>
    %dma_wait3A_113 = arith.constant 0 : i32
    %dma_wait3A_114 = arith.constant 0 : i32
    %dma_wait3A_115 = tpu.memref_slice %arg2[%dma_wait3A_113, %dma_wait3A_114] : memref<10240x1024xf32, #tpu.memory_space<hbm>> -> memref<10240x1024xf32, #tpu.memory_space<hbm>>
    tpu.wait_indirect_dma semaphore(%arg13 : memref<!tpu.dma_semaphore, #tpu.memory_space<semaphore_mem>>) src(%dma_wait3A_115 : memref<10240x1024xf32, #tpu.memory_space<hbm>>) dst(%arg9 : memref<16x1024xf32, #tpu.memory_space<vmem>>)
    %dma_wait3A_116 = arith.constant 2 : i32
    %dma_wait3A_117 = arith.constant 0 : i32
    %dma_wait3A_118 = tpu.memref_slice %arg8[%dma_wait3A_116, %dma_wait3A_117] : memref<8x16xi32, #tpu.memory_space<vmem>> -> memref<1x16xi32, #tpu.memory_space<vmem>>
    %dma_wait3A_119 = tpu.memref_squeeze %dma_wait3A_118 : memref<1x16xi32, #tpu.memory_space<vmem>> -> memref<16xi32, #tpu.memory_space<vmem>>
    %dma_wait3A_120 = arith.constant 0 : i32
    %dma_wait3A_121 = arith.constant 0 : i32
    %dma_wait3A_122 = tpu.memref_slice %arg2[%dma_wait3A_120, %dma_wait3A_121] : memref<10240x1024xf32, #tpu.memory_space<hbm>> -> memref<10240x1024xf32, #tpu.memory_space<hbm>>
    tpu.wait_indirect_dma semaphore(%arg13 : memref<!tpu.dma_semaphore, #tpu.memory_space<semaphore_mem>>) src(%dma_wait3A_122 : memref<10240x1024xf32, #tpu.memory_space<hbm>>) dst(%arg11 : memref<16x1024xf32, #tpu.memory_space<vmem>>)
    %dma_wait3A_123 = arith.constant 0 : i32
    %dma_wait3A_124 = tpu.memref_slice %arg5[%add3A_60, %dma_wait3A_123] : memref<4096x1024xf32, #tpu.memory_space<hbm>> -> memref<16x1024xf32, #tpu.memory_space<hbm>>
    %dma_wait3A_125 = arith.constant 0 : i32
    %dma_wait3A_126 = tpu.memref_slice %arg5[%add3A_60, %dma_wait3A_125] : memref<4096x1024xf32, #tpu.memory_space<hbm>> -> memref<16x1024xf32, #tpu.memory_space<hbm>>
    tpu.wait_dma2 semaphore(%arg14 : memref<!tpu.dma_semaphore, #tpu.memory_space<semaphore_mem>>) src(%arg10 : memref<16x1024xf32, #tpu.memory_space<vmem>>) dst(%dma_wait3A_126 : memref<16x1024xf32, #tpu.memory_space<hbm>>)
    %dma_wait3A_127 = arith.constant 0 : i32
    %dma_wait3A_128 = tpu.memref_slice %arg6[%add3A_60, %dma_wait3A_127] : memref<4096x1024xf32, #tpu.memory_space<hbm>> -> memref<16x1024xf32, #tpu.memory_space<hbm>>
    %dma_wait3A_129 = arith.constant 0 : i32
    %dma_wait3A_130 = tpu.memref_slice %arg6[%add3A_60, %dma_wait3A_129] : memref<4096x1024xf32, #tpu.memory_space<hbm>> -> memref<16x1024xf32, #tpu.memory_space<hbm>>
    tpu.wait_dma2 semaphore(%arg14 : memref<!tpu.dma_semaphore, #tpu.memory_space<semaphore_mem>>) src(%arg12 : memref<16x1024xf32, #tpu.memory_space<vmem>>) dst(%dma_wait3A_130 : memref<16x1024xf32, #tpu.memory_space<hbm>>)
    %dma_start3A_131 = arith.constant 3 : i32
    %dma_start3A_132 = arith.constant 0 : i32
    %dma_start3A_133 = tpu.memref_slice %arg7[%dma_start3A_131, %dma_start3A_132] : memref<8x16xi32, #tpu.memory_space<vmem>> -> memref<1x16xi32, #tpu.memory_space<vmem>>
    %dma_start3A_134 = tpu.memref_squeeze %dma_start3A_133 : memref<1x16xi32, #tpu.memory_space<vmem>> -> memref<16xi32, #tpu.memory_space<vmem>>
    %dma_start3A_135 = arith.constant 0 : i32
    %dma_start3A_136 = arith.constant 0 : i32
    %dma_start3A_137 = tpu.memref_slice %arg2[%dma_start3A_135, %dma_start3A_136] : memref<10240x1024xf32, #tpu.memory_space<hbm>> -> memref<10240x1024xf32, #tpu.memory_space<hbm>>
    tpu.enqueue_indirect_dma source(%dma_start3A_137 : memref<10240x1024xf32, #tpu.memory_space<hbm>>) target(%arg10 : memref<16x1024xf32, #tpu.memory_space<vmem>>) offsets(%dma_start3A_134 : memref<16xi32, #tpu.memory_space<vmem>>) semaphore(%arg13 : memref<!tpu.dma_semaphore, #tpu.memory_space<semaphore_mem>>)
    %dma_start3A_138 = arith.constant 3 : i32
    %dma_start3A_139 = arith.constant 0 : i32
    %dma_start3A_140 = tpu.memref_slice %arg8[%dma_start3A_138, %dma_start3A_139] : memref<8x16xi32, #tpu.memory_space<vmem>> -> memref<1x16xi32, #tpu.memory_space<vmem>>
    %dma_start3A_141 = tpu.memref_squeeze %dma_start3A_140 : memref<1x16xi32, #tpu.memory_space<vmem>> -> memref<16xi32, #tpu.memory_space<vmem>>
    %dma_start3A_142 = arith.constant 0 : i32
    %dma_start3A_143 = arith.constant 0 : i32
    %dma_start3A_144 = tpu.memref_slice %arg2[%dma_start3A_142, %dma_start3A_143] : memref<10240x1024xf32, #tpu.memory_space<hbm>> -> memref<10240x1024xf32, #tpu.memory_space<hbm>>
    tpu.enqueue_indirect_dma source(%dma_start3A_144 : memref<10240x1024xf32, #tpu.memory_space<hbm>>) target(%arg12 : memref<16x1024xf32, #tpu.memory_space<vmem>>) offsets(%dma_start3A_141 : memref<16xi32, #tpu.memory_space<vmem>>) semaphore(%arg13 : memref<!tpu.dma_semaphore, #tpu.memory_space<semaphore_mem>>)
    %dma_start3A_145 = arith.constant 0 : i32
    %dma_start3A_146 = tpu.memref_slice %arg5[%add3A_108, %dma_start3A_145] : memref<4096x1024xf32, #tpu.memory_space<hbm>> -> memref<16x1024xf32, #tpu.memory_space<hbm>>
    %dma_start3A_147 = arith.constant 0 : i32
    %dma_start3A_148 = tpu.memref_slice %arg5[%add3A_108, %dma_start3A_147] : memref<4096x1024xf32, #tpu.memory_space<hbm>> -> memref<16x1024xf32, #tpu.memory_space<hbm>>
    tpu.enqueue_dma source(%arg9 : memref<16x1024xf32, #tpu.memory_space<vmem>>) target(%dma_start3A_148 : memref<16x1024xf32, #tpu.memory_space<hbm>>) target_semaphore(%arg14 : memref<!tpu.dma_semaphore, #tpu.memory_space<semaphore_mem>>)
    %dma_start3A_149 = arith.constant 0 : i32
    %dma_start3A_150 = tpu.memref_slice %arg6[%add3A_108, %dma_start3A_149] : memref<4096x1024xf32, #tpu.memory_space<hbm>> -> memref<16x1024xf32, #tpu.memory_space<hbm>>
    %dma_start3A_151 = arith.constant 0 : i32
    %dma_start3A_152 = tpu.memref_slice %arg6[%add3A_108, %dma_start3A_151] : memref<4096x1024xf32, #tpu.memory_space<hbm>> -> memref<16x1024xf32, #tpu.memory_space<hbm>>
    tpu.enqueue_dma source(%arg11 : memref<16x1024xf32, #tpu.memory_space<vmem>>) target(%dma_start3A_152 : memref<16x1024xf32, #tpu.memory_space<hbm>>) target_semaphore(%arg14 : memref<!tpu.dma_semaphore, #tpu.memory_space<semaphore_mem>>)
    %mul3A_153 = arith.constant 128 : i32
    %mul3A_154 = arith.muli %add3A, %mul3A_153 : i32
    %add3A_155 = arith.constant 48 : i32
    %add3A_156 = arith.addi %mul3A_154, %add3A_155 : i32
    %dma_wait3A_157 = arith.constant 3 : i32
    %dma_wait3A_158 = arith.constant 0 : i32
    %dma_wait3A_159 = tpu.memref_slice %arg7[%dma_wait3A_157, %dma_wait3A_158] : memref<8x16xi32, #tpu.memory_space<vmem>> -> memref<1x16xi32, #tpu.memory_space<vmem>>
    %dma_wait3A_160 = tpu.memref_squeeze %dma_wait3A_159 : memref<1x16xi32, #tpu.memory_space<vmem>> -> memref<16xi32, #tpu.memory_space<vmem>>
    %dma_wait3A_161 = arith.constant 0 : i32
    %dma_wait3A_162 = arith.constant 0 : i32
    %dma_wait3A_163 = tpu.memref_slice %arg2[%dma_wait3A_161, %dma_wait3A_162] : memref<10240x1024xf32, #tpu.memory_space<hbm>> -> memref<10240x1024xf32, #tpu.memory_space<hbm>>
    tpu.wait_indirect_dma semaphore(%arg13 : memref<!tpu.dma_semaphore, #tpu.memory_space<semaphore_mem>>) src(%dma_wait3A_163 : memref<10240x1024xf32, #tpu.memory_space<hbm>>) dst(%arg10 : memref<16x1024xf32, #tpu.memory_space<vmem>>)
    %dma_wait3A_164 = arith.constant 3 : i32
    %dma_wait3A_165 = arith.constant 0 : i32
    %dma_wait3A_166 = tpu.memref_slice %arg8[%dma_wait3A_164, %dma_wait3A_165] : memref<8x16xi32, #tpu.memory_space<vmem>> -> memref<1x16xi32, #tpu.memory_space<vmem>>
    %dma_wait3A_167 = tpu.memref_squeeze %dma_wait3A_166 : memref<1x16xi32, #tpu.memory_space<vmem>> -> memref<16xi32, #tpu.memory_space<vmem>>
    %dma_wait3A_168 = arith.constant 0 : i32
    %dma_wait3A_169 = arith.constant 0 : i32
    %dma_wait3A_170 = tpu.memref_slice %arg2[%dma_wait3A_168, %dma_wait3A_169] : memref<10240x1024xf32, #tpu.memory_space<hbm>> -> memref<10240x1024xf32, #tpu.memory_space<hbm>>
    tpu.wait_indirect_dma semaphore(%arg13 : memref<!tpu.dma_semaphore, #tpu.memory_space<semaphore_mem>>) src(%dma_wait3A_170 : memref<10240x1024xf32, #tpu.memory_space<hbm>>) dst(%arg12 : memref<16x1024xf32, #tpu.memory_space<vmem>>)
    %dma_wait3A_171 = arith.constant 0 : i32
    %dma_wait3A_172 = tpu.memref_slice %arg5[%add3A_108, %dma_wait3A_171] : memref<4096x1024xf32, #tpu.memory_space<hbm>> -> memref<16x1024xf32, #tpu.memory_space<hbm>>
    %dma_wait3A_173 = arith.constant 0 : i32
    %dma_wait3A_174 = tpu.memref_slice %arg5[%add3A_108, %dma_wait3A_173] : memref<4096x1024xf32, #tpu.memory_space<hbm>> -> memref<16x1024xf32, #tpu.memory_space<hbm>>
    tpu.wait_dma2 semaphore(%arg14 : memref<!tpu.dma_semaphore, #tpu.memory_space<semaphore_mem>>) src(%arg9 : memref<16x1024xf32, #tpu.memory_space<vmem>>) dst(%dma_wait3A_174 : memref<16x1024xf32, #tpu.memory_space<hbm>>)
    %dma_wait3A_175 = arith.constant 0 : i32
    %dma_wait3A_176 = tpu.memref_slice %arg6[%add3A_108, %dma_wait3A_175] : memref<4096x1024xf32, #tpu.memory_space<hbm>> -> memref<16x1024xf32, #tpu.memory_space<hbm>>
    %dma_wait3A_177 = arith.constant 0 : i32
    %dma_wait3A_178 = tpu.memref_slice %arg6[%add3A_108, %dma_wait3A_177] : memref<4096x1024xf32, #tpu.memory_space<hbm>> -> memref<16x1024xf32, #tpu.memory_space<hbm>>
    tpu.wait_dma2 semaphore(%arg14 : memref<!tpu.dma_semaphore, #tpu.memory_space<semaphore_mem>>) src(%arg11 : memref<16x1024xf32, #tpu.memory_space<vmem>>) dst(%dma_wait3A_178 : memref<16x1024xf32, #tpu.memory_space<hbm>>)
    %dma_start3A_179 = arith.constant 4 : i32
    %dma_start3A_180 = arith.constant 0 : i32
    %dma_start3A_181 = tpu.memref_slice %arg7[%dma_start3A_179, %dma_start3A_180] : memref<8x16xi32, #tpu.memory_space<vmem>> -> memref<1x16xi32, #tpu.memory_space<vmem>>
    %dma_start3A_182 = tpu.memref_squeeze %dma_start3A_181 : memref<1x16xi32, #tpu.memory_space<vmem>> -> memref<16xi32, #tpu.memory_space<vmem>>
    %dma_start3A_183 = arith.constant 0 : i32
    %dma_start3A_184 = arith.constant 0 : i32
    %dma_start3A_185 = tpu.memref_slice %arg2[%dma_start3A_183, %dma_start3A_184] : memref<10240x1024xf32, #tpu.memory_space<hbm>> -> memref<10240x1024xf32, #tpu.memory_space<hbm>>
    tpu.enqueue_indirect_dma source(%dma_start3A_185 : memref<10240x1024xf32, #tpu.memory_space<hbm>>) target(%arg9 : memref<16x1024xf32, #tpu.memory_space<vmem>>) offsets(%dma_start3A_182 : memref<16xi32, #tpu.memory_space<vmem>>) semaphore(%arg13 : memref<!tpu.dma_semaphore, #tpu.memory_space<semaphore_mem>>)
    %dma_start3A_186 = arith.constant 4 : i32
    %dma_start3A_187 = arith.constant 0 : i32
    %dma_start3A_188 = tpu.memref_slice %arg8[%dma_start3A_186, %dma_start3A_187] : memref<8x16xi32, #tpu.memory_space<vmem>> -> memref<1x16xi32, #tpu.memory_space<vmem>>
    %dma_start3A_189 = tpu.memref_squeeze %dma_start3A_188 : memref<1x16xi32, #tpu.memory_space<vmem>> -> memref<16xi32, #tpu.memory_space<vmem>>
    %dma_start3A_190 = arith.constant 0 : i32
    %dma_start3A_191 = arith.constant 0 : i32
    %dma_start3A_192 = tpu.memref_slice %arg2[%dma_start3A_190, %dma_start3A_191] : memref<10240x1024xf32, #tpu.memory_space<hbm>> -> memref<10240x1024xf32, #tpu.memory_space<hbm>>
    tpu.enqueue_indirect_dma source(%dma_start3A_192 : memref<10240x1024xf32, #tpu.memory_space<hbm>>) target(%arg11 : memref<16x1024xf32, #tpu.memory_space<vmem>>) offsets(%dma_start3A_189 : memref<16xi32, #tpu.memory_space<vmem>>) semaphore(%arg13 : memref<!tpu.dma_semaphore, #tpu.memory_space<semaphore_mem>>)
    %dma_start3A_193 = arith.constant 0 : i32
    %dma_start3A_194 = tpu.memref_slice %arg5[%add3A_156, %dma_start3A_193] : memref<4096x1024xf32, #tpu.memory_space<hbm>> -> memref<16x1024xf32, #tpu.memory_space<hbm>>
    %dma_start3A_195 = arith.constant 0 : i32
    %dma_start3A_196 = tpu.memref_slice %arg5[%add3A_156, %dma_start3A_195] : memref<4096x1024xf32, #tpu.memory_space<hbm>> -> memref<16x1024xf32, #tpu.memory_space<hbm>>
    tpu.enqueue_dma source(%arg10 : memref<16x1024xf32, #tpu.memory_space<vmem>>) target(%dma_start3A_196 : memref<16x1024xf32, #tpu.memory_space<hbm>>) target_semaphore(%arg14 : memref<!tpu.dma_semaphore, #tpu.memory_space<semaphore_mem>>)
    %dma_start3A_197 = arith.constant 0 : i32
    %dma_start3A_198 = tpu.memref_slice %arg6[%add3A_156, %dma_start3A_197] : memref<4096x1024xf32, #tpu.memory_space<hbm>> -> memref<16x1024xf32, #tpu.memory_space<hbm>>
    %dma_start3A_199 = arith.constant 0 : i32
    %dma_start3A_200 = tpu.memref_slice %arg6[%add3A_156, %dma_start3A_199] : memref<4096x1024xf32, #tpu.memory_space<hbm>> -> memref<16x1024xf32, #tpu.memory_space<hbm>>
    tpu.enqueue_dma source(%arg12 : memref<16x1024xf32, #tpu.memory_space<vmem>>) target(%dma_start3A_200 : memref<16x1024xf32, #tpu.memory_space<hbm>>) target_semaphore(%arg14 : memref<!tpu.dma_semaphore, #tpu.memory_space<semaphore_mem>>)
    %mul3A_201 = arith.constant 128 : i32
    %mul3A_202 = arith.muli %add3A, %mul3A_201 : i32
    %add3A_203 = arith.constant 64 : i32
    %add3A_204 = arith.addi %mul3A_202, %add3A_203 : i32
    %dma_wait3A_205 = arith.constant 4 : i32
    %dma_wait3A_206 = arith.constant 0 : i32
    %dma_wait3A_207 = tpu.memref_slice %arg7[%dma_wait3A_205, %dma_wait3A_206] : memref<8x16xi32, #tpu.memory_space<vmem>> -> memref<1x16xi32, #tpu.memory_space<vmem>>
    %dma_wait3A_208 = tpu.memref_squeeze %dma_wait3A_207 : memref<1x16xi32, #tpu.memory_space<vmem>> -> memref<16xi32, #tpu.memory_space<vmem>>
    %dma_wait3A_209 = arith.constant 0 : i32
    %dma_wait3A_210 = arith.constant 0 : i32
    %dma_wait3A_211 = tpu.memref_slice %arg2[%dma_wait3A_209, %dma_wait3A_210] : memref<10240x1024xf32, #tpu.memory_space<hbm>> -> memref<10240x1024xf32, #tpu.memory_space<hbm>>
    tpu.wait_indirect_dma semaphore(%arg13 : memref<!tpu.dma_semaphore, #tpu.memory_space<semaphore_mem>>) src(%dma_wait3A_211 : memref<10240x1024xf32, #tpu.memory_space<hbm>>) dst(%arg9 : memref<16x1024xf32, #tpu.memory_space<vmem>>)
    %dma_wait3A_212 = arith.constant 4 : i32
    %dma_wait3A_213 = arith.constant 0 : i32
    %dma_wait3A_214 = tpu.memref_slice %arg8[%dma_wait3A_212, %dma_wait3A_213] : memref<8x16xi32, #tpu.memory_space<vmem>> -> memref<1x16xi32, #tpu.memory_space<vmem>>
    %dma_wait3A_215 = tpu.memref_squeeze %dma_wait3A_214 : memref<1x16xi32, #tpu.memory_space<vmem>> -> memref<16xi32, #tpu.memory_space<vmem>>
    %dma_wait3A_216 = arith.constant 0 : i32
    %dma_wait3A_217 = arith.constant 0 : i32
    %dma_wait3A_218 = tpu.memref_slice %arg2[%dma_wait3A_216, %dma_wait3A_217] : memref<10240x1024xf32, #tpu.memory_space<hbm>> -> memref<10240x1024xf32, #tpu.memory_space<hbm>>
    tpu.wait_indirect_dma semaphore(%arg13 : memref<!tpu.dma_semaphore, #tpu.memory_space<semaphore_mem>>) src(%dma_wait3A_218 : memref<10240x1024xf32, #tpu.memory_space<hbm>>) dst(%arg11 : memref<16x1024xf32, #tpu.memory_space<vmem>>)
    %dma_wait3A_219 = arith.constant 0 : i32
    %dma_wait3A_220 = tpu.memref_slice %arg5[%add3A_156, %dma_wait3A_219] : memref<4096x1024xf32, #tpu.memory_space<hbm>> -> memref<16x1024xf32, #tpu.memory_space<hbm>>
    %dma_wait3A_221 = arith.constant 0 : i32
    %dma_wait3A_222 = tpu.memref_slice %arg5[%add3A_156, %dma_wait3A_221] : memref<4096x1024xf32, #tpu.memory_space<hbm>> -> memref<16x1024xf32, #tpu.memory_space<hbm>>
    tpu.wait_dma2 semaphore(%arg14 : memref<!tpu.dma_semaphore, #tpu.memory_space<semaphore_mem>>) src(%arg10 : memref<16x1024xf32, #tpu.memory_space<vmem>>) dst(%dma_wait3A_222 : memref<16x1024xf32, #tpu.memory_space<hbm>>)
    %dma_wait3A_223 = arith.constant 0 : i32
    %dma_wait3A_224 = tpu.memref_slice %arg6[%add3A_156, %dma_wait3A_223] : memref<4096x1024xf32, #tpu.memory_space<hbm>> -> memref<16x1024xf32, #tpu.memory_space<hbm>>
    %dma_wait3A_225 = arith.constant 0 : i32
    %dma_wait3A_226 = tpu.memref_slice %arg6[%add3A_156, %dma_wait3A_225] : memref<4096x1024xf32, #tpu.memory_space<hbm>> -> memref<16x1024xf32, #tpu.memory_space<hbm>>
    tpu.wait_dma2 semaphore(%arg14 : memref<!tpu.dma_semaphore, #tpu.memory_space<semaphore_mem>>) src(%arg12 : memref<16x1024xf32, #tpu.memory_space<vmem>>) dst(%dma_wait3A_226 : memref<16x1024xf32, #tpu.memory_space<hbm>>)
    %dma_start3A_227 = arith.constant 5 : i32
    %dma_start3A_228 = arith.constant 0 : i32
    %dma_start3A_229 = tpu.memref_slice %arg7[%dma_start3A_227, %dma_start3A_228] : memref<8x16xi32, #tpu.memory_space<vmem>> -> memref<1x16xi32, #tpu.memory_space<vmem>>
    %dma_start3A_230 = tpu.memref_squeeze %dma_start3A_229 : memref<1x16xi32, #tpu.memory_space<vmem>> -> memref<16xi32, #tpu.memory_space<vmem>>
    %dma_start3A_231 = arith.constant 0 : i32
    %dma_start3A_232 = arith.constant 0 : i32
    %dma_start3A_233 = tpu.memref_slice %arg2[%dma_start3A_231, %dma_start3A_232] : memref<10240x1024xf32, #tpu.memory_space<hbm>> -> memref<10240x1024xf32, #tpu.memory_space<hbm>>
    tpu.enqueue_indirect_dma source(%dma_start3A_233 : memref<10240x1024xf32, #tpu.memory_space<hbm>>) target(%arg10 : memref<16x1024xf32, #tpu.memory_space<vmem>>) offsets(%dma_start3A_230 : memref<16xi32, #tpu.memory_space<vmem>>) semaphore(%arg13 : memref<!tpu.dma_semaphore, #tpu.memory_space<semaphore_mem>>)
    %dma_start3A_234 = arith.constant 5 : i32
    %dma_start3A_235 = arith.constant 0 : i32
    %dma_start3A_236 = tpu.memref_slice %arg8[%dma_start3A_234, %dma_start3A_235] : memref<8x16xi32, #tpu.memory_space<vmem>> -> memref<1x16xi32, #tpu.memory_space<vmem>>
    %dma_start3A_237 = tpu.memref_squeeze %dma_start3A_236 : memref<1x16xi32, #tpu.memory_space<vmem>> -> memref<16xi32, #tpu.memory_space<vmem>>
    %dma_start3A_238 = arith.constant 0 : i32
    %dma_start3A_239 = arith.constant 0 : i32
    %dma_start3A_240 = tpu.memref_slice %arg2[%dma_start3A_238, %dma_start3A_239] : memref<10240x1024xf32, #tpu.memory_space<hbm>> -> memref<10240x1024xf32, #tpu.memory_space<hbm>>
    tpu.enqueue_indirect_dma source(%dma_start3A_240 : memref<10240x1024xf32, #tpu.memory_space<hbm>>) target(%arg12 : memref<16x1024xf32, #tpu.memory_space<vmem>>) offsets(%dma_start3A_237 : memref<16xi32, #tpu.memory_space<vmem>>) semaphore(%arg13 : memref<!tpu.dma_semaphore, #tpu.memory_space<semaphore_mem>>)
    %dma_start3A_241 = arith.constant 0 : i32
    %dma_start3A_242 = tpu.memref_slice %arg5[%add3A_204, %dma_start3A_241] : memref<4096x1024xf32, #tpu.memory_space<hbm>> -> memref<16x1024xf32, #tpu.memory_space<hbm>>
    %dma_start3A_243 = arith.constant 0 : i32
    %dma_start3A_244 = tpu.memref_slice %arg5[%add3A_204, %dma_start3A_243] : memref<4096x1024xf32, #tpu.memory_space<hbm>> -> memref<16x1024xf32, #tpu.memory_space<hbm>>
    tpu.enqueue_dma source(%arg9 : memref<16x1024xf32, #tpu.memory_space<vmem>>) target(%dma_start3A_244 : memref<16x1024xf32, #tpu.memory_space<hbm>>) target_semaphore(%arg14 : memref<!tpu.dma_semaphore, #tpu.memory_space<semaphore_mem>>)
    %dma_start3A_245 = arith.constant 0 : i32
    %dma_start3A_246 = tpu.memref_slice %arg6[%add3A_204, %dma_start3A_245] : memref<4096x1024xf32, #tpu.memory_space<hbm>> -> memref<16x1024xf32, #tpu.memory_space<hbm>>
    %dma_start3A_247 = arith.constant 0 : i32
    %dma_start3A_248 = tpu.memref_slice %arg6[%add3A_204, %dma_start3A_247] : memref<4096x1024xf32, #tpu.memory_space<hbm>> -> memref<16x1024xf32, #tpu.memory_space<hbm>>
    tpu.enqueue_dma source(%arg11 : memref<16x1024xf32, #tpu.memory_space<vmem>>) target(%dma_start3A_248 : memref<16x1024xf32, #tpu.memory_space<hbm>>) target_semaphore(%arg14 : memref<!tpu.dma_semaphore, #tpu.memory_space<semaphore_mem>>)
    %mul3A_249 = arith.constant 128 : i32
    %mul3A_250 = arith.muli %add3A, %mul3A_249 : i32
    %add3A_251 = arith.constant 80 : i32
    %add3A_252 = arith.addi %mul3A_250, %add3A_251 : i32
    %dma_wait3A_253 = arith.constant 5 : i32
    %dma_wait3A_254 = arith.constant 0 : i32
    %dma_wait3A_255 = tpu.memref_slice %arg7[%dma_wait3A_253, %dma_wait3A_254] : memref<8x16xi32, #tpu.memory_space<vmem>> -> memref<1x16xi32, #tpu.memory_space<vmem>>
    %dma_wait3A_256 = tpu.memref_squeeze %dma_wait3A_255 : memref<1x16xi32, #tpu.memory_space<vmem>> -> memref<16xi32, #tpu.memory_space<vmem>>
    %dma_wait3A_257 = arith.constant 0 : i32
    %dma_wait3A_258 = arith.constant 0 : i32
    %dma_wait3A_259 = tpu.memref_slice %arg2[%dma_wait3A_257, %dma_wait3A_258] : memref<10240x1024xf32, #tpu.memory_space<hbm>> -> memref<10240x1024xf32, #tpu.memory_space<hbm>>
    tpu.wait_indirect_dma semaphore(%arg13 : memref<!tpu.dma_semaphore, #tpu.memory_space<semaphore_mem>>) src(%dma_wait3A_259 : memref<10240x1024xf32, #tpu.memory_space<hbm>>) dst(%arg10 : memref<16x1024xf32, #tpu.memory_space<vmem>>)
    %dma_wait3A_260 = arith.constant 5 : i32
    %dma_wait3A_261 = arith.constant 0 : i32
    %dma_wait3A_262 = tpu.memref_slice %arg8[%dma_wait3A_260, %dma_wait3A_261] : memref<8x16xi32, #tpu.memory_space<vmem>> -> memref<1x16xi32, #tpu.memory_space<vmem>>
    %dma_wait3A_263 = tpu.memref_squeeze %dma_wait3A_262 : memref<1x16xi32, #tpu.memory_space<vmem>> -> memref<16xi32, #tpu.memory_space<vmem>>
    %dma_wait3A_264 = arith.constant 0 : i32
    %dma_wait3A_265 = arith.constant 0 : i32
    %dma_wait3A_266 = tpu.memref_slice %arg2[%dma_wait3A_264, %dma_wait3A_265] : memref<10240x1024xf32, #tpu.memory_space<hbm>> -> memref<10240x1024xf32, #tpu.memory_space<hbm>>
    tpu.wait_indirect_dma semaphore(%arg13 : memref<!tpu.dma_semaphore, #tpu.memory_space<semaphore_mem>>) src(%dma_wait3A_266 : memref<10240x1024xf32, #tpu.memory_space<hbm>>) dst(%arg12 : memref<16x1024xf32, #tpu.memory_space<vmem>>)
    %dma_wait3A_267 = arith.constant 0 : i32
    %dma_wait3A_268 = tpu.memref_slice %arg5[%add3A_204, %dma_wait3A_267] : memref<4096x1024xf32, #tpu.memory_space<hbm>> -> memref<16x1024xf32, #tpu.memory_space<hbm>>
    %dma_wait3A_269 = arith.constant 0 : i32
    %dma_wait3A_270 = tpu.memref_slice %arg5[%add3A_204, %dma_wait3A_269] : memref<4096x1024xf32, #tpu.memory_space<hbm>> -> memref<16x1024xf32, #tpu.memory_space<hbm>>
    tpu.wait_dma2 semaphore(%arg14 : memref<!tpu.dma_semaphore, #tpu.memory_space<semaphore_mem>>) src(%arg9 : memref<16x1024xf32, #tpu.memory_space<vmem>>) dst(%dma_wait3A_270 : memref<16x1024xf32, #tpu.memory_space<hbm>>)
    %dma_wait3A_271 = arith.constant 0 : i32
    %dma_wait3A_272 = tpu.memref_slice %arg6[%add3A_204, %dma_wait3A_271] : memref<4096x1024xf32, #tpu.memory_space<hbm>> -> memref<16x1024xf32, #tpu.memory_space<hbm>>
    %dma_wait3A_273 = arith.constant 0 : i32
    %dma_wait3A_274 = tpu.memref_slice %arg6[%add3A_204, %dma_wait3A_273] : memref<4096x1024xf32, #tpu.memory_space<hbm>> -> memref<16x1024xf32, #tpu.memory_space<hbm>>
    tpu.wait_dma2 semaphore(%arg14 : memref<!tpu.dma_semaphore, #tpu.memory_space<semaphore_mem>>) src(%arg11 : memref<16x1024xf32, #tpu.memory_space<vmem>>) dst(%dma_wait3A_274 : memref<16x1024xf32, #tpu.memory_space<hbm>>)
    %dma_start3A_275 = arith.constant 6 : i32
    %dma_start3A_276 = arith.constant 0 : i32
    %dma_start3A_277 = tpu.memref_slice %arg7[%dma_start3A_275, %dma_start3A_276] : memref<8x16xi32, #tpu.memory_space<vmem>> -> memref<1x16xi32, #tpu.memory_space<vmem>>
    %dma_start3A_278 = tpu.memref_squeeze %dma_start3A_277 : memref<1x16xi32, #tpu.memory_space<vmem>> -> memref<16xi32, #tpu.memory_space<vmem>>
    %dma_start3A_279 = arith.constant 0 : i32
    %dma_start3A_280 = arith.constant 0 : i32
    %dma_start3A_281 = tpu.memref_slice %arg2[%dma_start3A_279, %dma_start3A_280] : memref<10240x1024xf32, #tpu.memory_space<hbm>> -> memref<10240x1024xf32, #tpu.memory_space<hbm>>
    tpu.enqueue_indirect_dma source(%dma_start3A_281 : memref<10240x1024xf32, #tpu.memory_space<hbm>>) target(%arg9 : memref<16x1024xf32, #tpu.memory_space<vmem>>) offsets(%dma_start3A_278 : memref<16xi32, #tpu.memory_space<vmem>>) semaphore(%arg13 : memref<!tpu.dma_semaphore, #tpu.memory_space<semaphore_mem>>)
    %dma_start3A_282 = arith.constant 6 : i32
    %dma_start3A_283 = arith.constant 0 : i32
    %dma_start3A_284 = tpu.memref_slice %arg8[%dma_start3A_282, %dma_start3A_283] : memref<8x16xi32, #tpu.memory_space<vmem>> -> memref<1x16xi32, #tpu.memory_space<vmem>>
    %dma_start3A_285 = tpu.memref_squeeze %dma_start3A_284 : memref<1x16xi32, #tpu.memory_space<vmem>> -> memref<16xi32, #tpu.memory_space<vmem>>
    %dma_start3A_286 = arith.constant 0 : i32
    %dma_start3A_287 = arith.constant 0 : i32
    %dma_start3A_288 = tpu.memref_slice %arg2[%dma_start3A_286, %dma_start3A_287] : memref<10240x1024xf32, #tpu.memory_space<hbm>> -> memref<10240x1024xf32, #tpu.memory_space<hbm>>
    tpu.enqueue_indirect_dma source(%dma_start3A_288 : memref<10240x1024xf32, #tpu.memory_space<hbm>>) target(%arg11 : memref<16x1024xf32, #tpu.memory_space<vmem>>) offsets(%dma_start3A_285 : memref<16xi32, #tpu.memory_space<vmem>>) semaphore(%arg13 : memref<!tpu.dma_semaphore, #tpu.memory_space<semaphore_mem>>)
    %dma_start3A_289 = arith.constant 0 : i32
    %dma_start3A_290 = tpu.memref_slice %arg5[%add3A_252, %dma_start3A_289] : memref<4096x1024xf32, #tpu.memory_space<hbm>> -> memref<16x1024xf32, #tpu.memory_space<hbm>>
    %dma_start3A_291 = arith.constant 0 : i32
    %dma_start3A_292 = tpu.memref_slice %arg5[%add3A_252, %dma_start3A_291] : memref<4096x1024xf32, #tpu.memory_space<hbm>> -> memref<16x1024xf32, #tpu.memory_space<hbm>>
    tpu.enqueue_dma source(%arg10 : memref<16x1024xf32, #tpu.memory_space<vmem>>) target(%dma_start3A_292 : memref<16x1024xf32, #tpu.memory_space<hbm>>) target_semaphore(%arg14 : memref<!tpu.dma_semaphore, #tpu.memory_space<semaphore_mem>>)
    %dma_start3A_293 = arith.constant 0 : i32
    %dma_start3A_294 = tpu.memref_slice %arg6[%add3A_252, %dma_start3A_293] : memref<4096x1024xf32, #tpu.memory_space<hbm>> -> memref<16x1024xf32, #tpu.memory_space<hbm>>
    %dma_start3A_295 = arith.constant 0 : i32
    %dma_start3A_296 = tpu.memref_slice %arg6[%add3A_252, %dma_start3A_295] : memref<4096x1024xf32, #tpu.memory_space<hbm>> -> memref<16x1024xf32, #tpu.memory_space<hbm>>
    tpu.enqueue_dma source(%arg12 : memref<16x1024xf32, #tpu.memory_space<vmem>>) target(%dma_start3A_296 : memref<16x1024xf32, #tpu.memory_space<hbm>>) target_semaphore(%arg14 : memref<!tpu.dma_semaphore, #tpu.memory_space<semaphore_mem>>)
    %mul3A_297 = arith.constant 128 : i32
    %mul3A_298 = arith.muli %add3A, %mul3A_297 : i32
    %add3A_299 = arith.constant 96 : i32
    %add3A_300 = arith.addi %mul3A_298, %add3A_299 : i32
    %dma_wait3A_301 = arith.constant 6 : i32
    %dma_wait3A_302 = arith.constant 0 : i32
    %dma_wait3A_303 = tpu.memref_slice %arg7[%dma_wait3A_301, %dma_wait3A_302] : memref<8x16xi32, #tpu.memory_space<vmem>> -> memref<1x16xi32, #tpu.memory_space<vmem>>
    %dma_wait3A_304 = tpu.memref_squeeze %dma_wait3A_303 : memref<1x16xi32, #tpu.memory_space<vmem>> -> memref<16xi32, #tpu.memory_space<vmem>>
    %dma_wait3A_305 = arith.constant 0 : i32
    %dma_wait3A_306 = arith.constant 0 : i32
    %dma_wait3A_307 = tpu.memref_slice %arg2[%dma_wait3A_305, %dma_wait3A_306] : memref<10240x1024xf32, #tpu.memory_space<hbm>> -> memref<10240x1024xf32, #tpu.memory_space<hbm>>
    tpu.wait_indirect_dma semaphore(%arg13 : memref<!tpu.dma_semaphore, #tpu.memory_space<semaphore_mem>>) src(%dma_wait3A_307 : memref<10240x1024xf32, #tpu.memory_space<hbm>>) dst(%arg9 : memref<16x1024xf32, #tpu.memory_space<vmem>>)
    %dma_wait3A_308 = arith.constant 6 : i32
    %dma_wait3A_309 = arith.constant 0 : i32
    %dma_wait3A_310 = tpu.memref_slice %arg8[%dma_wait3A_308, %dma_wait3A_309] : memref<8x16xi32, #tpu.memory_space<vmem>> -> memref<1x16xi32, #tpu.memory_space<vmem>>
    %dma_wait3A_311 = tpu.memref_squeeze %dma_wait3A_310 : memref<1x16xi32, #tpu.memory_space<vmem>> -> memref<16xi32, #tpu.memory_space<vmem>>
    %dma_wait3A_312 = arith.constant 0 : i32
    %dma_wait3A_313 = arith.constant 0 : i32
    %dma_wait3A_314 = tpu.memref_slice %arg2[%dma_wait3A_312, %dma_wait3A_313] : memref<10240x1024xf32, #tpu.memory_space<hbm>> -> memref<10240x1024xf32, #tpu.memory_space<hbm>>
    tpu.wait_indirect_dma semaphore(%arg13 : memref<!tpu.dma_semaphore, #tpu.memory_space<semaphore_mem>>) src(%dma_wait3A_314 : memref<10240x1024xf32, #tpu.memory_space<hbm>>) dst(%arg11 : memref<16x1024xf32, #tpu.memory_space<vmem>>)
    %dma_wait3A_315 = arith.constant 0 : i32
    %dma_wait3A_316 = tpu.memref_slice %arg5[%add3A_252, %dma_wait3A_315] : memref<4096x1024xf32, #tpu.memory_space<hbm>> -> memref<16x1024xf32, #tpu.memory_space<hbm>>
    %dma_wait3A_317 = arith.constant 0 : i32
    %dma_wait3A_318 = tpu.memref_slice %arg5[%add3A_252, %dma_wait3A_317] : memref<4096x1024xf32, #tpu.memory_space<hbm>> -> memref<16x1024xf32, #tpu.memory_space<hbm>>
    tpu.wait_dma2 semaphore(%arg14 : memref<!tpu.dma_semaphore, #tpu.memory_space<semaphore_mem>>) src(%arg10 : memref<16x1024xf32, #tpu.memory_space<vmem>>) dst(%dma_wait3A_318 : memref<16x1024xf32, #tpu.memory_space<hbm>>)
    %dma_wait3A_319 = arith.constant 0 : i32
    %dma_wait3A_320 = tpu.memref_slice %arg6[%add3A_252, %dma_wait3A_319] : memref<4096x1024xf32, #tpu.memory_space<hbm>> -> memref<16x1024xf32, #tpu.memory_space<hbm>>
    %dma_wait3A_321 = arith.constant 0 : i32
    %dma_wait3A_322 = tpu.memref_slice %arg6[%add3A_252, %dma_wait3A_321] : memref<4096x1024xf32, #tpu.memory_space<hbm>> -> memref<16x1024xf32, #tpu.memory_space<hbm>>
    tpu.wait_dma2 semaphore(%arg14 : memref<!tpu.dma_semaphore, #tpu.memory_space<semaphore_mem>>) src(%arg12 : memref<16x1024xf32, #tpu.memory_space<vmem>>) dst(%dma_wait3A_322 : memref<16x1024xf32, #tpu.memory_space<hbm>>)
    %dma_start3A_323 = arith.constant 7 : i32
    %dma_start3A_324 = arith.constant 0 : i32
    %dma_start3A_325 = tpu.memref_slice %arg7[%dma_start3A_323, %dma_start3A_324] : memref<8x16xi32, #tpu.memory_space<vmem>> -> memref<1x16xi32, #tpu.memory_space<vmem>>
    %dma_start3A_326 = tpu.memref_squeeze %dma_start3A_325 : memref<1x16xi32, #tpu.memory_space<vmem>> -> memref<16xi32, #tpu.memory_space<vmem>>
    %dma_start3A_327 = arith.constant 0 : i32
    %dma_start3A_328 = arith.constant 0 : i32
    %dma_start3A_329 = tpu.memref_slice %arg2[%dma_start3A_327, %dma_start3A_328] : memref<10240x1024xf32, #tpu.memory_space<hbm>> -> memref<10240x1024xf32, #tpu.memory_space<hbm>>
    tpu.enqueue_indirect_dma source(%dma_start3A_329 : memref<10240x1024xf32, #tpu.memory_space<hbm>>) target(%arg10 : memref<16x1024xf32, #tpu.memory_space<vmem>>) offsets(%dma_start3A_326 : memref<16xi32, #tpu.memory_space<vmem>>) semaphore(%arg13 : memref<!tpu.dma_semaphore, #tpu.memory_space<semaphore_mem>>)
    %dma_start3A_330 = arith.constant 7 : i32
    %dma_start3A_331 = arith.constant 0 : i32
    %dma_start3A_332 = tpu.memref_slice %arg8[%dma_start3A_330, %dma_start3A_331] : memref<8x16xi32, #tpu.memory_space<vmem>> -> memref<1x16xi32, #tpu.memory_space<vmem>>
    %dma_start3A_333 = tpu.memref_squeeze %dma_start3A_332 : memref<1x16xi32, #tpu.memory_space<vmem>> -> memref<16xi32, #tpu.memory_space<vmem>>
    %dma_start3A_334 = arith.constant 0 : i32
    %dma_start3A_335 = arith.constant 0 : i32
    %dma_start3A_336 = tpu.memref_slice %arg2[%dma_start3A_334, %dma_start3A_335] : memref<10240x1024xf32, #tpu.memory_space<hbm>> -> memref<10240x1024xf32, #tpu.memory_space<hbm>>
    tpu.enqueue_indirect_dma source(%dma_start3A_336 : memref<10240x1024xf32, #tpu.memory_space<hbm>>) target(%arg12 : memref<16x1024xf32, #tpu.memory_space<vmem>>) offsets(%dma_start3A_333 : memref<16xi32, #tpu.memory_space<vmem>>) semaphore(%arg13 : memref<!tpu.dma_semaphore, #tpu.memory_space<semaphore_mem>>)
    %dma_start3A_337 = arith.constant 0 : i32
    %dma_start3A_338 = tpu.memref_slice %arg5[%add3A_300, %dma_start3A_337] : memref<4096x1024xf32, #tpu.memory_space<hbm>> -> memref<16x1024xf32, #tpu.memory_space<hbm>>
    %dma_start3A_339 = arith.constant 0 : i32
    %dma_start3A_340 = tpu.memref_slice %arg5[%add3A_300, %dma_start3A_339] : memref<4096x1024xf32, #tpu.memory_space<hbm>> -> memref<16x1024xf32, #tpu.memory_space<hbm>>
    tpu.enqueue_dma source(%arg9 : memref<16x1024xf32, #tpu.memory_space<vmem>>) target(%dma_start3A_340 : memref<16x1024xf32, #tpu.memory_space<hbm>>) target_semaphore(%arg14 : memref<!tpu.dma_semaphore, #tpu.memory_space<semaphore_mem>>)
    %dma_start3A_341 = arith.constant 0 : i32
    %dma_start3A_342 = tpu.memref_slice %arg6[%add3A_300, %dma_start3A_341] : memref<4096x1024xf32, #tpu.memory_space<hbm>> -> memref<16x1024xf32, #tpu.memory_space<hbm>>
    %dma_start3A_343 = arith.constant 0 : i32
    %dma_start3A_344 = tpu.memref_slice %arg6[%add3A_300, %dma_start3A_343] : memref<4096x1024xf32, #tpu.memory_space<hbm>> -> memref<16x1024xf32, #tpu.memory_space<hbm>>
    tpu.enqueue_dma source(%arg11 : memref<16x1024xf32, #tpu.memory_space<vmem>>) target(%dma_start3A_344 : memref<16x1024xf32, #tpu.memory_space<hbm>>) target_semaphore(%arg14 : memref<!tpu.dma_semaphore, #tpu.memory_space<semaphore_mem>>)
    %mul3A_345 = arith.constant 128 : i32
    %mul3A_346 = arith.muli %add3A, %mul3A_345 : i32
    %add3A_347 = arith.constant 112 : i32
    %add3A_348 = arith.addi %mul3A_346, %add3A_347 : i32
    %dma_wait3A_349 = arith.constant 7 : i32
    %dma_wait3A_350 = arith.constant 0 : i32
    %dma_wait3A_351 = tpu.memref_slice %arg7[%dma_wait3A_349, %dma_wait3A_350] : memref<8x16xi32, #tpu.memory_space<vmem>> -> memref<1x16xi32, #tpu.memory_space<vmem>>
    %dma_wait3A_352 = tpu.memref_squeeze %dma_wait3A_351 : memref<1x16xi32, #tpu.memory_space<vmem>> -> memref<16xi32, #tpu.memory_space<vmem>>
    %dma_wait3A_353 = arith.constant 0 : i32
    %dma_wait3A_354 = arith.constant 0 : i32
    %dma_wait3A_355 = tpu.memref_slice %arg2[%dma_wait3A_353, %dma_wait3A_354] : memref<10240x1024xf32, #tpu.memory_space<hbm>> -> memref<10240x1024xf32, #tpu.memory_space<hbm>>
    tpu.wait_indirect_dma semaphore(%arg13 : memref<!tpu.dma_semaphore, #tpu.memory_space<semaphore_mem>>) src(%dma_wait3A_355 : memref<10240x1024xf32, #tpu.memory_space<hbm>>) dst(%arg10 : memref<16x1024xf32, #tpu.memory_space<vmem>>)
    %dma_wait3A_356 = arith.constant 7 : i32
    %dma_wait3A_357 = arith.constant 0 : i32
    %dma_wait3A_358 = tpu.memref_slice %arg8[%dma_wait3A_356, %dma_wait3A_357] : memref<8x16xi32, #tpu.memory_space<vmem>> -> memref<1x16xi32, #tpu.memory_space<vmem>>
    %dma_wait3A_359 = tpu.memref_squeeze %dma_wait3A_358 : memref<1x16xi32, #tpu.memory_space<vmem>> -> memref<16xi32, #tpu.memory_space<vmem>>
    %dma_wait3A_360 = arith.constant 0 : i32
    %dma_wait3A_361 = arith.constant 0 : i32
    %dma_wait3A_362 = tpu.memref_slice %arg2[%dma_wait3A_360, %dma_wait3A_361] : memref<10240x1024xf32, #tpu.memory_space<hbm>> -> memref<10240x1024xf32, #tpu.memory_space<hbm>>
    tpu.wait_indirect_dma semaphore(%arg13 : memref<!tpu.dma_semaphore, #tpu.memory_space<semaphore_mem>>) src(%dma_wait3A_362 : memref<10240x1024xf32, #tpu.memory_space<hbm>>) dst(%arg12 : memref<16x1024xf32, #tpu.memory_space<vmem>>)
    %dma_wait3A_363 = arith.constant 0 : i32
    %dma_wait3A_364 = tpu.memref_slice %arg5[%add3A_300, %dma_wait3A_363] : memref<4096x1024xf32, #tpu.memory_space<hbm>> -> memref<16x1024xf32, #tpu.memory_space<hbm>>
    %dma_wait3A_365 = arith.constant 0 : i32
    %dma_wait3A_366 = tpu.memref_slice %arg5[%add3A_300, %dma_wait3A_365] : memref<4096x1024xf32, #tpu.memory_space<hbm>> -> memref<16x1024xf32, #tpu.memory_space<hbm>>
    tpu.wait_dma2 semaphore(%arg14 : memref<!tpu.dma_semaphore, #tpu.memory_space<semaphore_mem>>) src(%arg9 : memref<16x1024xf32, #tpu.memory_space<vmem>>) dst(%dma_wait3A_366 : memref<16x1024xf32, #tpu.memory_space<hbm>>)
    %dma_wait3A_367 = arith.constant 0 : i32
    %dma_wait3A_368 = tpu.memref_slice %arg6[%add3A_300, %dma_wait3A_367] : memref<4096x1024xf32, #tpu.memory_space<hbm>> -> memref<16x1024xf32, #tpu.memory_space<hbm>>
    %dma_wait3A_369 = arith.constant 0 : i32
    %dma_wait3A_370 = tpu.memref_slice %arg6[%add3A_300, %dma_wait3A_369] : memref<4096x1024xf32, #tpu.memory_space<hbm>> -> memref<16x1024xf32, #tpu.memory_space<hbm>>
    tpu.wait_dma2 semaphore(%arg14 : memref<!tpu.dma_semaphore, #tpu.memory_space<semaphore_mem>>) src(%arg11 : memref<16x1024xf32, #tpu.memory_space<vmem>>) dst(%dma_wait3A_370 : memref<16x1024xf32, #tpu.memory_space<hbm>>)
    %dma_start3A_371 = arith.constant 0 : i32
    %dma_start3A_372 = tpu.memref_slice %arg5[%add3A_348, %dma_start3A_371] : memref<4096x1024xf32, #tpu.memory_space<hbm>> -> memref<16x1024xf32, #tpu.memory_space<hbm>>
    %dma_start3A_373 = arith.constant 0 : i32
    %dma_start3A_374 = tpu.memref_slice %arg5[%add3A_348, %dma_start3A_373] : memref<4096x1024xf32, #tpu.memory_space<hbm>> -> memref<16x1024xf32, #tpu.memory_space<hbm>>
    tpu.enqueue_dma source(%arg10 : memref<16x1024xf32, #tpu.memory_space<vmem>>) target(%dma_start3A_374 : memref<16x1024xf32, #tpu.memory_space<hbm>>) target_semaphore(%arg14 : memref<!tpu.dma_semaphore, #tpu.memory_space<semaphore_mem>>)
    %dma_start3A_375 = arith.constant 0 : i32
    %dma_start3A_376 = tpu.memref_slice %arg6[%add3A_348, %dma_start3A_375] : memref<4096x1024xf32, #tpu.memory_space<hbm>> -> memref<16x1024xf32, #tpu.memory_space<hbm>>
    %dma_start3A_377 = arith.constant 0 : i32
    %dma_start3A_378 = tpu.memref_slice %arg6[%add3A_348, %dma_start3A_377] : memref<4096x1024xf32, #tpu.memory_space<hbm>> -> memref<16x1024xf32, #tpu.memory_space<hbm>>
    tpu.enqueue_dma source(%arg12 : memref<16x1024xf32, #tpu.memory_space<vmem>>) target(%dma_start3A_378 : memref<16x1024xf32, #tpu.memory_space<hbm>>) target_semaphore(%arg14 : memref<!tpu.dma_semaphore, #tpu.memory_space<semaphore_mem>>)
    %dma_wait3A_379 = arith.constant 0 : i32
    %dma_wait3A_380 = tpu.memref_slice %arg5[%add3A_348, %dma_wait3A_379] : memref<4096x1024xf32, #tpu.memory_space<hbm>> -> memref<16x1024xf32, #tpu.memory_space<hbm>>
    %dma_wait3A_381 = arith.constant 0 : i32
    %dma_wait3A_382 = tpu.memref_slice %arg5[%add3A_348, %dma_wait3A_381] : memref<4096x1024xf32, #tpu.memory_space<hbm>> -> memref<16x1024xf32, #tpu.memory_space<hbm>>
    tpu.wait_dma2 semaphore(%arg14 : memref<!tpu.dma_semaphore, #tpu.memory_space<semaphore_mem>>) src(%arg10 : memref<16x1024xf32, #tpu.memory_space<vmem>>) dst(%dma_wait3A_382 : memref<16x1024xf32, #tpu.memory_space<hbm>>)
    %dma_wait3A_383 = arith.constant 0 : i32
    %dma_wait3A_384 = tpu.memref_slice %arg6[%add3A_348, %dma_wait3A_383] : memref<4096x1024xf32, #tpu.memory_space<hbm>> -> memref<16x1024xf32, #tpu.memory_space<hbm>>
    %dma_wait3A_385 = arith.constant 0 : i32
    %dma_wait3A_386 = tpu.memref_slice %arg6[%add3A_348, %dma_wait3A_385] : memref<4096x1024xf32, #tpu.memory_space<hbm>> -> memref<16x1024xf32, #tpu.memory_space<hbm>>
    tpu.wait_dma2 semaphore(%arg14 : memref<!tpu.dma_semaphore, #tpu.memory_space<semaphore_mem>>) src(%arg12 : memref<16x1024xf32, #tpu.memory_space<vmem>>) dst(%dma_wait3A_386 : memref<16x1024xf32, #tpu.memory_space<hbm>>)
    return
  }
}

module attributes {stable_mosaic.version = 14 : i64} {
  func.func @_route_body(%arg0: memref<1x4096xi32, #tpu.memory_space<vmem>>, %arg1: memref<1x4096xi32, #tpu.memory_space<vmem>>, %arg2: memref<1x4096xf32, #tpu.memory_space<vmem>>, %arg3: memref<1x4096xf32, #tpu.memory_space<vmem>>, %arg4: memref<1x4096xi32, #tpu.memory_space<vmem>>, %arg5: memref<1x4096xi32, #tpu.memory_space<vmem>>, %arg6: memref<1x4096xf32, #tpu.memory_space<vmem>>, %arg7: memref<1x4096xf32, #tpu.memory_space<vmem>>, %arg8: memref<2x40xi32, #tpu.memory_space<vmem>>) attributes {dimension_semantics = [], scalar_prefetch = 0 : i64, scratch_operands = 0 : i64, tpu.core_type = #tpu.core_type<tc>} {
    %iota3A = tpu.iota {dimensions = array<i32: 0>} : vector<8x4096xi32>
    %get3A = arith.constant 0 : index
    %get3A_0 = arith.constant 0 : index
    %get3A_1 = vector.load %arg0[%get3A, %get3A_0] : memref<1x4096xi32, #tpu.memory_space<vmem>>, vector<1x4096xi32>
    %get3A_2 = arith.constant 0 : index
    %get3A_3 = arith.constant 0 : index
    %get3A_4 = vector.load %arg1[%get3A_2, %get3A_3] : memref<1x4096xi32, #tpu.memory_space<vmem>>, vector<1x4096xi32>
    %get3A_5 = arith.constant 0 : index
    %get3A_6 = arith.constant 0 : index
    %get3A_7 = vector.load %arg2[%get3A_5, %get3A_6] : memref<1x4096xf32, #tpu.memory_space<vmem>>, vector<1x4096xf32>
    %get3A_8 = arith.constant 0 : index
    %get3A_9 = arith.constant 0 : index
    %get3A_10 = vector.load %arg3[%get3A_8, %get3A_9] : memref<1x4096xf32, #tpu.memory_space<vmem>>, vector<1x4096xf32>
    %sub3A = arith.subf %get3A_10, %get3A_7 : vector<1x4096xf32>
    %exp3A = math.exp %sub3A : vector<1x4096xf32>
    %add3A = arith.constant 1.000000e+00 : f32
    %add3A_11 = vector.broadcast %add3A : f32 to vector<1x4096xf32>
    %add3A_12 = arith.addf %add3A_11, %exp3A : vector<1x4096xf32>
    %div3A = arith.constant 1.000000e+00 : f32
    %div3A_13 = vector.broadcast %div3A : f32 to vector<1x4096xf32>
    %div3A_14 = arith.divf %div3A_13, %add3A_12 : vector<1x4096xf32>
    %swap3A = arith.constant 0 : index
    %swap3A_15 = arith.constant 0 : index
    %swap3A_16 = vector.load %arg6[%swap3A, %swap3A_15] : memref<1x4096xf32, #tpu.memory_space<vmem>>, vector<1x4096xf32>
    tpu.vector_store %arg6[%swap3A, %swap3A_15], %div3A_14 {strides = array<i32>} : memref<1x4096xf32, #tpu.memory_space<vmem>>, vector<1x4096xf32>,
    %div3A_17 = arith.divf %exp3A, %add3A_12 : vector<1x4096xf32>
    %swap3A_18 = arith.constant 0 : index
    %swap3A_19 = arith.constant 0 : index
    %swap3A_20 = vector.load %arg7[%swap3A_18, %swap3A_19] : memref<1x4096xf32, #tpu.memory_space<vmem>>, vector<1x4096xf32>
    tpu.vector_store %arg7[%swap3A_18, %swap3A_19], %div3A_17 {strides = array<i32>} : memref<1x4096xf32, #tpu.memory_space<vmem>>, vector<1x4096xf32>,
    %eq3A = vector.broadcast %get3A_1 : vector<1x4096xi32> to vector<8x4096xi32>
    %eq3A_21 = arith.cmpi eq, %iota3A, %eq3A : vector<8x4096xi32>
    %eq3A_22 = vector.broadcast %get3A_4 : vector<1x4096xi32> to vector<8x4096xi32>
    %eq3A_23 = arith.cmpi eq, %iota3A, %eq3A_22 : vector<8x4096xi32>
    %or3A = arith.ori %eq3A_21, %eq3A_23 : vector<8x4096xi1>
    %convert_element_type3A = arith.extui %or3A : vector<8x4096xi1> to vector<8x4096xi32>
    %broadcast_in_dim3A = arith.constant 0 : i32
    %broadcast_in_dim3A_24 = vector.broadcast %broadcast_in_dim3A : i32 to vector<8x1xi32>
    %slice3A = vector.extract_strided_slice %convert_element_type3A {offsets = [0, 0], sizes = [8, 4095], strides = [1, 1]} : vector<8x4096xi32> to vector<8x4095xi32>
    %concatenate3A = tpu.concatenate %broadcast_in_dim3A_24, %slice3A in 1 : vector<8x1xi32>, vector<8x4095xi32> -> vector<8x4096xi32>
    %add3A_25 = arith.addi %convert_element_type3A, %concatenate3A : vector<8x4096xi32>
    %broadcast_in_dim3A_26 = arith.constant 0 : i32
    %broadcast_in_dim3A_27 = vector.broadcast %broadcast_in_dim3A_26 : i32 to vector<8x2xi32>
    %slice3A_28 = vector.extract_strided_slice %add3A_25 {offsets = [0, 0], sizes = [8, 4094], strides = [1, 1]} : vector<8x4096xi32> to vector<8x4094xi32>
    %concatenate3A_29 = tpu.concatenate %broadcast_in_dim3A_27, %slice3A_28 in 1 : vector<8x2xi32>, vector<8x4094xi32> -> vector<8x4096xi32>
    %add3A_30 = arith.addi %add3A_25, %concatenate3A_29 : vector<8x4096xi32>
    %broadcast_in_dim3A_31 = arith.constant 0 : i32
    %broadcast_in_dim3A_32 = vector.broadcast %broadcast_in_dim3A_31 : i32 to vector<8x4xi32>
    %slice3A_33 = vector.extract_strided_slice %add3A_30 {offsets = [0, 0], sizes = [8, 4092], strides = [1, 1]} : vector<8x4096xi32> to vector<8x4092xi32>
    %concatenate3A_34 = tpu.concatenate %broadcast_in_dim3A_32, %slice3A_33 in 1 : vector<8x4xi32>, vector<8x4092xi32> -> vector<8x4096xi32>
    %add3A_35 = arith.addi %add3A_30, %concatenate3A_34 : vector<8x4096xi32>
    %broadcast_in_dim3A_36 = arith.constant 0 : i32
    %broadcast_in_dim3A_37 = vector.broadcast %broadcast_in_dim3A_36 : i32 to vector<8x8xi32>
    %slice3A_38 = vector.extract_strided_slice %add3A_35 {offsets = [0, 0], sizes = [8, 4088], strides = [1, 1]} : vector<8x4096xi32> to vector<8x4088xi32>
    %concatenate3A_39 = tpu.concatenate %broadcast_in_dim3A_37, %slice3A_38 in 1 : vector<8x8xi32>, vector<8x4088xi32> -> vector<8x4096xi32>
    %add3A_40 = arith.addi %add3A_35, %concatenate3A_39 : vector<8x4096xi32>
    %broadcast_in_dim3A_41 = arith.constant 0 : i32
    %broadcast_in_dim3A_42 = vector.broadcast %broadcast_in_dim3A_41 : i32 to vector<8x16xi32>
    %slice3A_43 = vector.extract_strided_slice %add3A_40 {offsets = [0, 0], sizes = [8, 4080], strides = [1, 1]} : vector<8x4096xi32> to vector<8x4080xi32>
    %concatenate3A_44 = tpu.concatenate %broadcast_in_dim3A_42, %slice3A_43 in 1 : vector<8x16xi32>, vector<8x4080xi32> -> vector<8x4096xi32>
    %add3A_45 = arith.addi %add3A_40, %concatenate3A_44 : vector<8x4096xi32>
    %broadcast_in_dim3A_46 = arith.constant 0 : i32
    %broadcast_in_dim3A_47 = vector.broadcast %broadcast_in_dim3A_46 : i32 to vector<8x32xi32>
    %slice3A_48 = vector.extract_strided_slice %add3A_45 {offsets = [0, 0], sizes = [8, 4064], strides = [1, 1]} : vector<8x4096xi32> to vector<8x4064xi32>
    %concatenate3A_49 = tpu.concatenate %broadcast_in_dim3A_47, %slice3A_48 in 1 : vector<8x32xi32>, vector<8x4064xi32> -> vector<8x4096xi32>
    %add3A_50 = arith.addi %add3A_45, %concatenate3A_49 : vector<8x4096xi32>
    %broadcast_in_dim3A_51 = arith.constant 0 : i32
    %broadcast_in_dim3A_52 = vector.broadcast %broadcast_in_dim3A_51 : i32 to vector<8x64xi32>
    %slice3A_53 = vector.extract_strided_slice %add3A_50 {offsets = [0, 0], sizes = [8, 4032], strides = [1, 1]} : vector<8x4096xi32> to vector<8x4032xi32>
    %concatenate3A_54 = tpu.concatenate %broadcast_in_dim3A_52, %slice3A_53 in 1 : vector<8x64xi32>, vector<8x4032xi32> -> vector<8x4096xi32>
    %add3A_55 = arith.addi %add3A_50, %concatenate3A_54 : vector<8x4096xi32>
    %broadcast_in_dim3A_56 = arith.constant 0 : i32
    %broadcast_in_dim3A_57 = vector.broadcast %broadcast_in_dim3A_56 : i32 to vector<8x128xi32>
    %slice3A_58 = vector.extract_strided_slice %add3A_55 {offsets = [0, 0], sizes = [8, 3968], strides = [1, 1]} : vector<8x4096xi32> to vector<8x3968xi32>
    %concatenate3A_59 = tpu.concatenate %broadcast_in_dim3A_57, %slice3A_58 in 1 : vector<8x128xi32>, vector<8x3968xi32> -> vector<8x4096xi32>
    %add3A_60 = arith.addi %add3A_55, %concatenate3A_59 : vector<8x4096xi32>
    %broadcast_in_dim3A_61 = arith.constant 0 : i32
    %broadcast_in_dim3A_62 = vector.broadcast %broadcast_in_dim3A_61 : i32 to vector<8x256xi32>
    %slice3A_63 = vector.extract_strided_slice %add3A_60 {offsets = [0, 0], sizes = [8, 3840], strides = [1, 1]} : vector<8x4096xi32> to vector<8x3840xi32>
    %concatenate3A_64 = tpu.concatenate %broadcast_in_dim3A_62, %slice3A_63 in 1 : vector<8x256xi32>, vector<8x3840xi32> -> vector<8x4096xi32>
    %add3A_65 = arith.addi %add3A_60, %concatenate3A_64 : vector<8x4096xi32>
    %broadcast_in_dim3A_66 = arith.constant 0 : i32
    %broadcast_in_dim3A_67 = vector.broadcast %broadcast_in_dim3A_66 : i32 to vector<8x512xi32>
    %slice3A_68 = vector.extract_strided_slice %add3A_65 {offsets = [0, 0], sizes = [8, 3584], strides = [1, 1]} : vector<8x4096xi32> to vector<8x3584xi32>
    %concatenate3A_69 = tpu.concatenate %broadcast_in_dim3A_67, %slice3A_68 in 1 : vector<8x512xi32>, vector<8x3584xi32> -> vector<8x4096xi32>
    %add3A_70 = arith.addi %add3A_65, %concatenate3A_69 : vector<8x4096xi32>
    %broadcast_in_dim3A_71 = arith.constant 0 : i32
    %broadcast_in_dim3A_72 = vector.broadcast %broadcast_in_dim3A_71 : i32 to vector<8x1024xi32>
    %slice3A_73 = vector.extract_strided_slice %add3A_70 {offsets = [0, 0], sizes = [8, 3072], strides = [1, 1]} : vector<8x4096xi32> to vector<8x3072xi32>
    %concatenate3A_74 = tpu.concatenate %broadcast_in_dim3A_72, %slice3A_73 in 1 : vector<8x1024xi32>, vector<8x3072xi32> -> vector<8x4096xi32>
    %add3A_75 = arith.addi %add3A_70, %concatenate3A_74 : vector<8x4096xi32>
    %broadcast_in_dim3A_76 = arith.constant 0 : i32
    %broadcast_in_dim3A_77 = vector.broadcast %broadcast_in_dim3A_76 : i32 to vector<8x2048xi32>
    %slice3A_78 = vector.extract_strided_slice %add3A_75 {offsets = [0, 0], sizes = [8, 2048], strides = [1, 1]} : vector<8x4096xi32> to vector<8x2048xi32>
    %concatenate3A_79 = tpu.concatenate %broadcast_in_dim3A_77, %slice3A_78 in 1 : vector<8x2048xi32>, vector<8x2048xi32> -> vector<8x4096xi32>
    %add3A_80 = arith.addi %add3A_75, %concatenate3A_79 : vector<8x4096xi32>
    %slice3A_81 = vector.extract_strided_slice %add3A_80 {offsets = [0, 4095], sizes = [8, 1], strides = [1, 1]} : vector<8x4096xi32> to vector<8x1xi32>
    %add3A_82 = arith.constant 255 : i32
    %add3A_83 = vector.broadcast %add3A_82 : i32 to vector<8x1xi32>
    %add3A_84 = arith.addi %slice3A_81, %add3A_83 : vector<8x1xi32>
    %jit3A = arith.constant 256 : i32
    %div3A_85 = vector.broadcast %jit3A : i32 to vector<8x1xi32>
    %div3A_86 = arith.divsi %add3A_84, %div3A_85 : vector<8x1xi32>
    %sign3A = arith.constant 0 : i32
    %sign3A_87 = vector.broadcast %sign3A : i32 to vector<8x1xi32>
    %sign3A_88 = arith.cmpi sgt, %add3A_84, %sign3A_87 : vector<8x1xi32>
    %sign3A_89 = arith.extui %sign3A_88 : vector<8x1xi1> to vector<8x1xi32>
    %sign3A_90 = arith.constant 0 : i32
    %sign3A_91 = vector.broadcast %sign3A_90 : i32 to vector<8x1xi32>
    %sign3A_92 = arith.cmpi slt, %add3A_84, %sign3A_91 : vector<8x1xi32>
    %sign3A_93 = arith.extui %sign3A_92 : vector<8x1xi1> to vector<8x1xi32>
    %sign3A_94 = arith.subi %sign3A_89, %sign3A_93 : vector<8x1xi32>
    %sign3A_95 = arith.constant 0 : i32
    %sign3A_96 = arith.cmpi sgt, %jit3A, %sign3A_95 : i32
    %sign3A_97 = arith.extui %sign3A_96 : i1 to i32
    %sign3A_98 = arith.constant 0 : i32
    %sign3A_99 = arith.cmpi slt, %jit3A, %sign3A_98 : i32
    %sign3A_100 = arith.extui %sign3A_99 : i1 to i32
    %sign3A_101 = arith.subi %sign3A_97, %sign3A_100 : i32
    %ne3A = vector.broadcast %sign3A_101 : i32 to vector<8x1xi32>
    %ne3A_102 = arith.cmpi ne, %sign3A_94, %ne3A : vector<8x1xi32>
    %rem3A = vector.broadcast %jit3A : i32 to vector<8x1xi32>
    %rem3A_103 = arith.remsi %add3A_84, %rem3A : vector<8x1xi32>
    %ne3A_104 = arith.constant 0 : i32
    %ne3A_105 = vector.broadcast %ne3A_104 : i32 to vector<8x1xi32>
    %ne3A_106 = arith.cmpi ne, %rem3A_103, %ne3A_105 : vector<8x1xi32>
    %and3A = arith.andi %ne3A_102, %ne3A_106 : vector<8x1xi1>
    %sub3A_107 = arith.constant 1 : i32
    %sub3A_108 = vector.broadcast %sub3A_107 : i32 to vector<8x1xi32>
    %sub3A_109 = arith.subi %div3A_86, %sub3A_108 : vector<8x1xi32>
    %select_n3A = arith.select %and3A, %sub3A_109, %div3A_86 : vector<8x1xi1>, vector<8x1xi32>
    %broadcast_in_dim3A_110 = arith.constant 0 : i32
    %broadcast_in_dim3A_111 = vector.broadcast %broadcast_in_dim3A_110 : i32 to vector<1x1xi32>
    %slice3A_112 = vector.extract_strided_slice %select_n3A {offsets = [0, 0], sizes = [7, 1], strides = [1, 1]} : vector<8x1xi32> to vector<7x1xi32>
    %concatenate3A_113 = tpu.concatenate %broadcast_in_dim3A_111, %slice3A_112 in 0 : vector<1x1xi32>, vector<7x1xi32> -> vector<8x1xi32>
    %add3A_114 = arith.addi %select_n3A, %concatenate3A_113 : vector<8x1xi32>
    %broadcast_in_dim3A_115 = arith.constant 0 : i32
    %broadcast_in_dim3A_116 = vector.broadcast %broadcast_in_dim3A_115 : i32 to vector<2x1xi32>
    %slice3A_117 = vector.extract_strided_slice %add3A_114 {offsets = [0, 0], sizes = [6, 1], strides = [1, 1]} : vector<8x1xi32> to vector<6x1xi32>
    %concatenate3A_118 = tpu.concatenate %broadcast_in_dim3A_116, %slice3A_117 in 0 : vector<2x1xi32>, vector<6x1xi32> -> vector<8x1xi32>
    %add3A_119 = arith.addi %add3A_114, %concatenate3A_118 : vector<8x1xi32>
    %broadcast_in_dim3A_120 = arith.constant 0 : i32
    %broadcast_in_dim3A_121 = vector.broadcast %broadcast_in_dim3A_120 : i32 to vector<4x1xi32>
    %slice3A_122 = vector.extract_strided_slice %add3A_119 {offsets = [0, 0], sizes = [4, 1], strides = [1, 1]} : vector<8x1xi32> to vector<4x1xi32>
    %concatenate3A_123 = tpu.concatenate %broadcast_in_dim3A_121, %slice3A_122 in 0 : vector<4x1xi32>, vector<4x1xi32> -> vector<8x1xi32>
    %add3A_124 = arith.addi %add3A_119, %concatenate3A_123 : vector<8x1xi32>
    %sub3A_125 = arith.subi %add3A_124, %select_n3A : vector<8x1xi32>
    %mul3A = arith.constant 256 : i32
    %mul3A_126 = vector.broadcast %mul3A : i32 to vector<8x1xi32>
    %mul3A_127 = arith.muli %sub3A_125, %mul3A_126 : vector<8x1xi32>
    %add3A_128 = vector.broadcast %mul3A_127 : vector<8x1xi32> to vector<8x4096xi32>
    %add3A_129 = arith.addi %add3A_128, %add3A_80 : vector<8x4096xi32>
    %sub3A_130 = arith.constant 1 : i32
    %sub3A_131 = vector.broadcast %sub3A_130 : i32 to vector<8x4096xi32>
    %sub3A_132 = arith.subi %add3A_129, %sub3A_131 : vector<8x4096xi32>
    %eq3A_133 = vector.broadcast %get3A_1 : vector<1x4096xi32> to vector<8x4096xi32>
    %eq3A_134 = arith.cmpi eq, %iota3A, %eq3A_133 : vector<8x4096xi32>
    %jit3A_135 = arith.constant 0 : i32
    %broadcast_in_dim3A_136 = vector.broadcast %jit3A_135 : i32 to vector<8x4096xi32>
    %select_n3A_137 = arith.select %eq3A_134, %sub3A_132, %broadcast_in_dim3A_136 : vector<8x4096xi1>, vector<8x4096xi32>
    %reduce_sum3A = arith.constant dense<0> : vector<4096xi32>
    %reduce_sum3A_138 = vector.multi_reduction <add>, %select_n3A_137, %reduce_sum3A [0] : vector<8x4096xi32> to vector<4096xi32>
    %broadcast_in_dim3A_139 = vector.shape_cast %reduce_sum3A_138 : vector<4096xi32> to vector<1x4096xi32>
    %swap3A_140 = arith.constant 0 : index
    %swap3A_141 = arith.constant 0 : index
    %swap3A_142 = vector.load %arg4[%swap3A_140, %swap3A_141] : memref<1x4096xi32, #tpu.memory_space<vmem>>, vector<1x4096xi32>
    tpu.vector_store %arg4[%swap3A_140, %swap3A_141], %broadcast_in_dim3A_139 {strides = array<i32>} : memref<1x4096xi32, #tpu.memory_space<vmem>>, vector<1x4096xi32>,
    %eq3A_143 = vector.broadcast %get3A_4 : vector<1x4096xi32> to vector<8x4096xi32>
    %eq3A_144 = arith.cmpi eq, %iota3A, %eq3A_143 : vector<8x4096xi32>
    %jit3A_145 = arith.constant 0 : i32
    %broadcast_in_dim3A_146 = vector.broadcast %jit3A_145 : i32 to vector<8x4096xi32>
    %select_n3A_147 = arith.select %eq3A_144, %sub3A_132, %broadcast_in_dim3A_146 : vector<8x4096xi1>, vector<8x4096xi32>
    %reduce_sum3A_148 = arith.constant dense<0> : vector<4096xi32>
    %reduce_sum3A_149 = vector.multi_reduction <add>, %select_n3A_147, %reduce_sum3A_148 [0] : vector<8x4096xi32> to vector<4096xi32>
    %broadcast_in_dim3A_150 = vector.shape_cast %reduce_sum3A_149 : vector<4096xi32> to vector<1x4096xi32>
    %swap3A_151 = arith.constant 0 : index
    %swap3A_152 = arith.constant 0 : index
    %swap3A_153 = vector.load %arg5[%swap3A_151, %swap3A_152] : memref<1x4096xi32, #tpu.memory_space<vmem>>, vector<1x4096xi32>
    tpu.vector_store %arg5[%swap3A_151, %swap3A_152], %broadcast_in_dim3A_150 {strides = array<i32>} : memref<1x4096xi32, #tpu.memory_space<vmem>>, vector<1x4096xi32>,
    %slice3A_154 = vector.extract_strided_slice %add3A_124 {offsets = [7, 0], sizes = [1, 1], strides = [1, 1]} : vector<8x1xi32> to vector<1x1xi32>
    %iota3A_155 = tpu.iota {dimensions = array<i32: 1>} : vector<1x40xi32>
    %ge3A = vector.broadcast %iota3A_155 : vector<1x40xi32> to vector<8x40xi32>
    %ge3A_156 = vector.broadcast %sub3A_125 : vector<8x1xi32> to vector<8x40xi32>
    %ge3A_157 = arith.cmpi sge, %ge3A, %ge3A_156 : vector<8x40xi32>
    %convert_element_type3A_158 = arith.extui %ge3A_157 : vector<8x40xi1> to vector<8x40xi32>
    %reduce_sum3A_159 = arith.constant dense<0> : vector<40xi32>
    %reduce_sum3A_160 = vector.multi_reduction <add>, %convert_element_type3A_158, %reduce_sum3A_159 [0] : vector<8x40xi32> to vector<40xi32>
    %broadcast_in_dim3A_161 = vector.shape_cast %reduce_sum3A_160 : vector<40xi32> to vector<1x40xi32>
    %sub3A_162 = arith.constant 1 : i32
    %sub3A_163 = vector.broadcast %sub3A_162 : i32 to vector<1x40xi32>
    %sub3A_164 = arith.subi %broadcast_in_dim3A_161, %sub3A_163 : vector<1x40xi32>
    %lt3A = vector.broadcast %slice3A_154 : vector<1x1xi32> to vector<1x40xi32>
    %lt3A_165 = arith.cmpi slt, %iota3A_155, %lt3A : vector<1x40xi32>
    %convert_element_type3A_166 = arith.extui %lt3A_165 : vector<1x40xi1> to vector<1x40xi32>
    %concatenate3A_167 = tpu.concatenate %sub3A_164, %convert_element_type3A_166 in 0 : vector<1x40xi32>, vector<1x40xi32> -> vector<2x40xi32>
    %swap3A_168 = arith.constant 0 : index
    %swap3A_169 = arith.constant 0 : index
    %swap3A_170 = vector.load %arg8[%swap3A_168, %swap3A_169] : memref<2x40xi32, #tpu.memory_space<vmem>>, vector<2x40xi32>
    tpu.vector_store %arg8[%swap3A_168, %swap3A_169], %concatenate3A_167 {strides = array<i32>} : memref<2x40xi32, #tpu.memory_space<vmem>>, vector<2x40xi32>,
    return
  }
}

module attributes {stable_mosaic.version = 14 : i64} {
  func.func @_ffn_body(%arg0: i32, %arg1: memref<2x40xi32, #tpu.memory_space<smem>>, %arg2: memref<256x1024xf32, #tpu.memory_space<vmem>>, %arg3: memref<1x1024x2048xf32, #tpu.memory_space<vmem>>, %arg4: memref<1x1024x2048xf32, #tpu.memory_space<vmem>>, %arg5: memref<1x2048x1024xf32, #tpu.memory_space<vmem>>, %arg6: memref<256x1024xf32, #tpu.memory_space<vmem>>) attributes {dimension_semantics = [#tpu.dimension_semantics<parallel>], iteration_bounds = array<i64: 40>, scalar_prefetch = 1 : i64, scratch_operands = 0 : i64, tpu.core_type = #tpu.core_type<tc>, window_params = [{transform_indices = @transform_0, window_bounds = array<i64: 256, 1024>}, {transform_indices = @transform_1, window_bounds = array<i64: 1, 1024, 2048>}, {transform_indices = @transform_2, window_bounds = array<i64: 1, 1024, 2048>}, {transform_indices = @transform_3, window_bounds = array<i64: 1, 2048, 1024>}, {transform_indices = @transform_4, window_bounds = array<i64: 256, 1024>}]} {
    %get3A = arith.constant 1 : index
    %get3A_0 = arith.index_cast %arg0 : i32 to index
    %get3A_1 = memref.load %arg1[%get3A, %get3A_0] : memref<2x40xi32, #tpu.memory_space<smem>>
    %eq3A = arith.constant 1 : i32
    %eq3A_2 = arith.cmpi eq, %get3A_1, %eq3A : i32
    %convert_element_type3A = arith.extui %eq3A_2 : i1 to i32
    %cond3A = arith.constant 0 : i32
    %cond3A_3 = arith.cmpi ne, %convert_element_type3A, %cond3A : i32
    scf.if %cond3A_3 {
      %get3A_4 = arith.constant 0 : index
      %get3A_5 = arith.constant 0 : index
      %get3A_6 = vector.load %arg2[%get3A_4, %get3A_5] : memref<256x1024xf32, #tpu.memory_space<vmem>>, vector<256x1024xf32>
      %get3A_7 = arith.constant 0 : index
      %get3A_8 = arith.constant 0 : index
      %get3A_9 = arith.constant 0 : index
      %get3A_10 = vector.load %arg3[%get3A_7, %get3A_8, %get3A_9] : memref<1x1024x2048xf32, #tpu.memory_space<vmem>>, vector<1x1024x2048xf32>
      %get3A_11 = vector.shape_cast %get3A_10 : vector<1x1024x2048xf32> to vector<1024x2048xf32>
      %dot_general3A = arith.constant dense<0.000000e+00> : vector<256x2048xf32>
      %dot_general3A_12 = tpu.matmul %get3A_6, %get3A_11, %dot_general3A {dimension_numbers = #tpu.dot_dimension_numbers<[1], [0], [0], [1], [0, 0, 1, 1], [], []>, transpose_lhs_hint = false} : vector<256x1024xf32>, vector<1024x2048xf32>, vector<256x2048xf32> -> vector<256x2048xf32>
      %get3A_13 = arith.constant 0 : index
      %get3A_14 = arith.constant 0 : index
      %get3A_15 = arith.constant 0 : index
      %get3A_16 = vector.load %arg4[%get3A_13, %get3A_14, %get3A_15] : memref<1x1024x2048xf32, #tpu.memory_space<vmem>>, vector<1x1024x2048xf32>
      %get3A_17 = vector.shape_cast %get3A_16 : vector<1x1024x2048xf32> to vector<1024x2048xf32>
      %dot_general3A_18 = arith.constant dense<0.000000e+00> : vector<256x2048xf32>
      %dot_general3A_19 = tpu.matmul %get3A_6, %get3A_17, %dot_general3A_18 {dimension_numbers = #tpu.dot_dimension_numbers<[1], [0], [0], [1], [0, 0, 1, 1], [], []>, transpose_lhs_hint = false} : vector<256x1024xf32>, vector<1024x2048xf32>, vector<256x2048xf32> -> vector<256x2048xf32>
      %logistic3A = arith.negf %dot_general3A_12 : vector<256x2048xf32>
      %logistic3A_20 = math.exp %logistic3A : vector<256x2048xf32>
      %logistic3A_21 = arith.constant 1.000000e+00 : f32
      %logistic3A_22 = vector.broadcast %logistic3A_21 : f32 to vector<256x2048xf32>
      %logistic3A_23 = arith.addf %logistic3A_22, %logistic3A_20 : vector<256x2048xf32>
      %logistic3A_24 = arith.divf %logistic3A_22, %logistic3A_23 : vector<256x2048xf32>
      %mul3A = arith.mulf %dot_general3A_12, %logistic3A_24 : vector<256x2048xf32>
      %mul3A_25 = arith.mulf %mul3A, %dot_general3A_19 : vector<256x2048xf32>
      %get3A_26 = arith.constant 0 : index
      %get3A_27 = arith.constant 0 : index
      %get3A_28 = arith.constant 0 : index
      %get3A_29 = vector.load %arg5[%get3A_26, %get3A_27, %get3A_28] : memref<1x2048x1024xf32, #tpu.memory_space<vmem>>, vector<1x2048x1024xf32>
      %get3A_30 = vector.shape_cast %get3A_29 : vector<1x2048x1024xf32> to vector<2048x1024xf32>
      %dot_general3A_31 = arith.constant dense<0.000000e+00> : vector<256x1024xf32>
      %dot_general3A_32 = tpu.matmul %mul3A_25, %get3A_30, %dot_general3A_31 {dimension_numbers = #tpu.dot_dimension_numbers<[1], [0], [0], [1], [0, 0, 1, 1], [], []>, transpose_lhs_hint = false} : vector<256x2048xf32>, vector<2048x1024xf32>, vector<256x1024xf32> -> vector<256x1024xf32>
      %swap3A = arith.constant 0 : index
      %swap3A_33 = arith.constant 0 : index
      %swap3A_34 = vector.load %arg6[%swap3A, %swap3A_33] : memref<256x1024xf32, #tpu.memory_space<vmem>>, vector<256x1024xf32>
      tpu.vector_store %arg6[%swap3A, %swap3A_33], %dot_general3A_32 {strides = array<i32>} : memref<256x1024xf32, #tpu.memory_space<vmem>>, vector<256x1024xf32>,
    } else {
    }
    return
  }
  func.func @transform_0(%arg0: i32, %arg1: memref<2x40xi32, #tpu.memory_space<smem>>) -> (i32, i32) {
    %c0_i32 = arith.constant 0 : i32
    %c0_i32_0 = arith.constant 0 : i32
    return %arg0, %c0_i32 : i32, i32
  }
  func.func @transform_1(%arg0: i32, %arg1: memref<2x40xi32, #tpu.memory_space<smem>>) -> (i32, i32, i32) {
    %get3A = arith.constant 0 : index
    %get3A_0 = arith.index_cast %arg0 : i32 to index
    %get3A_1 = memref.load %arg1[%get3A, %get3A_0] : memref<2x40xi32, #tpu.memory_space<smem>>
    %c0_i32 = arith.constant 0 : i32
    %c0_i32_2 = arith.constant 0 : i32
    %c0_i32_3 = arith.constant 0 : i32
    return %get3A_1, %c0_i32, %c0_i32_2 : i32, i32, i32
  }
  func.func @transform_2(%arg0: i32, %arg1: memref<2x40xi32, #tpu.memory_space<smem>>) -> (i32, i32, i32) {
    %get3A = arith.constant 0 : index
    %get3A_0 = arith.index_cast %arg0 : i32 to index
    %get3A_1 = memref.load %arg1[%get3A, %get3A_0] : memref<2x40xi32, #tpu.memory_space<smem>>
    %c0_i32 = arith.constant 0 : i32
    %c0_i32_2 = arith.constant 0 : i32
    %c0_i32_3 = arith.constant 0 : i32
    return %get3A_1, %c0_i32, %c0_i32_2 : i32, i32, i32
  }
  func.func @transform_3(%arg0: i32, %arg1: memref<2x40xi32, #tpu.memory_space<smem>>) -> (i32, i32, i32) {
    %get3A = arith.constant 0 : index
    %get3A_0 = arith.index_cast %arg0 : i32 to index
    %get3A_1 = memref.load %arg1[%get3A, %get3A_0] : memref<2x40xi32, #tpu.memory_space<smem>>
    %c0_i32 = arith.constant 0 : i32
    %c0_i32_2 = arith.constant 0 : i32
    %c0_i32_3 = arith.constant 0 : i32
    return %get3A_1, %c0_i32, %c0_i32_2 : i32, i32, i32
  }
  func.func @transform_4(%arg0: i32, %arg1: memref<2x40xi32, #tpu.memory_space<smem>>) -> (i32, i32) {
    %c0_i32 = arith.constant 0 : i32
    %c0_i32_0 = arith.constant 0 : i32
    return %arg0, %c0_i32 : i32, i32
  }
}

module attributes {stable_mosaic.version = 14 : i64} {
  func.func @_shared_body(%arg0: i32, %arg1: i32, %arg2: memref<512x1024xf32, #tpu.memory_space<vmem>>, %arg3: memref<1x1024x2048xf32, #tpu.memory_space<vmem>>, %arg4: memref<1x1024x2048xf32, #tpu.memory_space<vmem>>, %arg5: memref<1x2048x1024xf32, #tpu.memory_space<vmem>>, %arg6: memref<512x1024xf32, #tpu.memory_space<vmem>>) attributes {dimension_semantics = [#tpu.dimension_semantics<parallel>, #tpu.dimension_semantics<arbitrary>], iteration_bounds = array<i64: 8, 2>, scalar_prefetch = 0 : i64, scratch_operands = 0 : i64, tpu.core_type = #tpu.core_type<tc>, window_params = [{transform_indices = @transform_0, window_bounds = array<i64: 512, 1024>}, {transform_indices = @transform_1, window_bounds = array<i64: 1, 1024, 2048>}, {transform_indices = @transform_2, window_bounds = array<i64: 1, 1024, 2048>}, {transform_indices = @transform_3, window_bounds = array<i64: 1, 2048, 1024>}, {transform_indices = @transform_4, window_bounds = array<i64: 512, 1024>}]} {
    %get3A = arith.constant 0 : index
    %get3A_0 = arith.constant 0 : index
    %get3A_1 = vector.load %arg2[%get3A, %get3A_0] : memref<512x1024xf32, #tpu.memory_space<vmem>>, vector<512x1024xf32>
    %get3A_2 = arith.constant 0 : index
    %get3A_3 = arith.constant 0 : index
    %get3A_4 = arith.constant 0 : index
    %get3A_5 = vector.load %arg3[%get3A_2, %get3A_3, %get3A_4] : memref<1x1024x2048xf32, #tpu.memory_space<vmem>>, vector<1x1024x2048xf32>
    %get3A_6 = vector.shape_cast %get3A_5 : vector<1x1024x2048xf32> to vector<1024x2048xf32>
    %dot_general3A = arith.constant dense<0.000000e+00> : vector<512x2048xf32>
    %dot_general3A_7 = tpu.matmul %get3A_1, %get3A_6, %dot_general3A {dimension_numbers = #tpu.dot_dimension_numbers<[1], [0], [0], [1], [0, 0, 1, 1], [], []>, transpose_lhs_hint = false} : vector<512x1024xf32>, vector<1024x2048xf32>, vector<512x2048xf32> -> vector<512x2048xf32>
    %get3A_8 = arith.constant 0 : index
    %get3A_9 = arith.constant 0 : index
    %get3A_10 = arith.constant 0 : index
    %get3A_11 = vector.load %arg4[%get3A_8, %get3A_9, %get3A_10] : memref<1x1024x2048xf32, #tpu.memory_space<vmem>>, vector<1x1024x2048xf32>
    %get3A_12 = vector.shape_cast %get3A_11 : vector<1x1024x2048xf32> to vector<1024x2048xf32>
    %dot_general3A_13 = arith.constant dense<0.000000e+00> : vector<512x2048xf32>
    %dot_general3A_14 = tpu.matmul %get3A_1, %get3A_12, %dot_general3A_13 {dimension_numbers = #tpu.dot_dimension_numbers<[1], [0], [0], [1], [0, 0, 1, 1], [], []>, transpose_lhs_hint = false} : vector<512x1024xf32>, vector<1024x2048xf32>, vector<512x2048xf32> -> vector<512x2048xf32>
    %logistic3A = arith.negf %dot_general3A_7 : vector<512x2048xf32>
    %logistic3A_15 = math.exp %logistic3A : vector<512x2048xf32>
    %logistic3A_16 = arith.constant 1.000000e+00 : f32
    %logistic3A_17 = vector.broadcast %logistic3A_16 : f32 to vector<512x2048xf32>
    %logistic3A_18 = arith.addf %logistic3A_17, %logistic3A_15 : vector<512x2048xf32>
    %logistic3A_19 = arith.divf %logistic3A_17, %logistic3A_18 : vector<512x2048xf32>
    %mul3A = arith.mulf %dot_general3A_7, %logistic3A_19 : vector<512x2048xf32>
    %mul3A_20 = arith.mulf %mul3A, %dot_general3A_14 : vector<512x2048xf32>
    %get3A_21 = arith.constant 0 : index
    %get3A_22 = arith.constant 0 : index
    %get3A_23 = arith.constant 0 : index
    %get3A_24 = vector.load %arg5[%get3A_21, %get3A_22, %get3A_23] : memref<1x2048x1024xf32, #tpu.memory_space<vmem>>, vector<1x2048x1024xf32>
    %get3A_25 = vector.shape_cast %get3A_24 : vector<1x2048x1024xf32> to vector<2048x1024xf32>
    %dot_general3A_26 = arith.constant dense<0.000000e+00> : vector<512x1024xf32>
    %dot_general3A_27 = tpu.matmul %mul3A_20, %get3A_25, %dot_general3A_26 {dimension_numbers = #tpu.dot_dimension_numbers<[1], [0], [0], [1], [0, 0, 1, 1], [], []>, transpose_lhs_hint = false} : vector<512x2048xf32>, vector<2048x1024xf32>, vector<512x1024xf32> -> vector<512x1024xf32>
    %eq3A = arith.constant 0 : i32
    %eq3A_28 = arith.cmpi eq, %arg1, %eq3A : i32
    %convert_element_type3A = arith.extui %eq3A_28 : i1 to i32
    %cond3A = arith.constant 0 : i32
    %cond3A_29 = arith.cmpi ne, %convert_element_type3A, %cond3A : i32
    scf.if %cond3A_29 {
      %swap3A = arith.constant 0 : index
      %swap3A_34 = arith.constant 0 : index
      %swap3A_35 = vector.load %arg6[%swap3A, %swap3A_34] : memref<512x1024xf32, #tpu.memory_space<vmem>>, vector<512x1024xf32>
      tpu.vector_store %arg6[%swap3A, %swap3A_34], %dot_general3A_27 {strides = array<i32>} : memref<512x1024xf32, #tpu.memory_space<vmem>>, vector<512x1024xf32>,
    } else {
    }
    %ne3A = arith.constant 0 : i32
    %ne3A_30 = arith.cmpi ne, %arg1, %ne3A : i32
    %convert_element_type3A_31 = arith.extui %ne3A_30 : i1 to i32
    %cond3A_32 = arith.constant 0 : i32
    %cond3A_33 = arith.cmpi ne, %convert_element_type3A_31, %cond3A_32 : i32
    scf.if %cond3A_33 {
      %get3A_34 = arith.constant 0 : index
      %get3A_35 = arith.constant 0 : index
      %get3A_36 = vector.load %arg6[%get3A_34, %get3A_35] : memref<512x1024xf32, #tpu.memory_space<vmem>>, vector<512x1024xf32>
      %add3A = arith.addf %get3A_36, %dot_general3A_27 : vector<512x1024xf32>
      %swap3A = arith.constant 0 : index
      %swap3A_37 = arith.constant 0 : index
      %swap3A_38 = vector.load %arg6[%swap3A, %swap3A_37] : memref<512x1024xf32, #tpu.memory_space<vmem>>, vector<512x1024xf32>
      tpu.vector_store %arg6[%swap3A, %swap3A_37], %add3A {strides = array<i32>} : memref<512x1024xf32, #tpu.memory_space<vmem>>, vector<512x1024xf32>,
    } else {
    }
    return
  }
  func.func @transform_0(%arg0: i32, %arg1: i32) -> (i32, i32) {
    %c0_i32 = arith.constant 0 : i32
    %c0_i32_0 = arith.constant 0 : i32
    return %arg0, %c0_i32 : i32, i32
  }
  func.func @transform_1(%arg0: i32, %arg1: i32) -> (i32, i32, i32) {
    %c0_i32 = arith.constant 0 : i32
    %c0_i32_0 = arith.constant 0 : i32
    %c0_i32_1 = arith.constant 0 : i32
    return %arg1, %c0_i32, %c0_i32_0 : i32, i32, i32
  }
  func.func @transform_2(%arg0: i32, %arg1: i32) -> (i32, i32, i32) {
    %c0_i32 = arith.constant 0 : i32
    %c0_i32_0 = arith.constant 0 : i32
    %c0_i32_1 = arith.constant 0 : i32
    return %arg1, %c0_i32, %c0_i32_0 : i32, i32, i32
  }
  func.func @transform_3(%arg0: i32, %arg1: i32) -> (i32, i32, i32) {
    %c0_i32 = arith.constant 0 : i32
    %c0_i32_0 = arith.constant 0 : i32
    %c0_i32_1 = arith.constant 0 : i32
    return %arg1, %c0_i32, %c0_i32_0 : i32, i32, i32
  }
  func.func @transform_4(%arg0: i32, %arg1: i32) -> (i32, i32) {
    %c0_i32 = arith.constant 0 : i32
    %c0_i32_0 = arith.constant 0 : i32
    return %arg0, %c0_i32 : i32, i32
  }
}

module attributes {stable_mosaic.version = 14 : i64} {
  func.func @_combine_body(%arg0: i32, %arg1: memref<512x1024xf32, #tpu.memory_space<vmem>>, %arg2: memref<512x1024xf32, #tpu.memory_space<vmem>>, %arg3: memref<512x1024xf32, #tpu.memory_space<vmem>>, %arg4: memref<512x1xf32, #tpu.memory_space<vmem>>, %arg5: memref<512x1xf32, #tpu.memory_space<vmem>>, %arg6: memref<512x1024xf32, #tpu.memory_space<vmem>>) attributes {dimension_semantics = [#tpu.dimension_semantics<parallel>], iteration_bounds = array<i64: 8>, scalar_prefetch = 0 : i64, scratch_operands = 0 : i64, tpu.core_type = #tpu.core_type<tc>, window_params = [{transform_indices = @transform_0, window_bounds = array<i64: 512, 1024>}, {transform_indices = @transform_1, window_bounds = array<i64: 512, 1024>}, {transform_indices = @transform_2, window_bounds = array<i64: 512, 1024>}, {transform_indices = @transform_3, window_bounds = array<i64: 512, 1>}, {transform_indices = @transform_4, window_bounds = array<i64: 512, 1>}, {transform_indices = @transform_5, window_bounds = array<i64: 512, 1024>}]} {
    %get3A = arith.constant 0 : index
    %get3A_0 = arith.constant 0 : index
    %get3A_1 = vector.load %arg1[%get3A, %get3A_0] : memref<512x1024xf32, #tpu.memory_space<vmem>>, vector<512x1024xf32>
    %get3A_2 = arith.constant 0 : index
    %get3A_3 = arith.constant 0 : index
    %get3A_4 = vector.load %arg2[%get3A_2, %get3A_3] : memref<512x1024xf32, #tpu.memory_space<vmem>>, vector<512x1024xf32>
    %get3A_5 = arith.constant 0 : index
    %get3A_6 = arith.constant 0 : index
    %get3A_7 = vector.load %arg4[%get3A_5, %get3A_6] : memref<512x1xf32, #tpu.memory_space<vmem>>, vector<512x1xf32>
    %mul3A = vector.broadcast %get3A_7 : vector<512x1xf32> to vector<512x1024xf32>
    %mul3A_8 = arith.mulf %get3A_4, %mul3A : vector<512x1024xf32>
    %add3A = arith.addf %get3A_1, %mul3A_8 : vector<512x1024xf32>
    %get3A_9 = arith.constant 0 : index
    %get3A_10 = arith.constant 0 : index
    %get3A_11 = vector.load %arg3[%get3A_9, %get3A_10] : memref<512x1024xf32, #tpu.memory_space<vmem>>, vector<512x1024xf32>
    %get3A_12 = arith.constant 0 : index
    %get3A_13 = arith.constant 0 : index
    %get3A_14 = vector.load %arg5[%get3A_12, %get3A_13] : memref<512x1xf32, #tpu.memory_space<vmem>>, vector<512x1xf32>
    %mul3A_15 = vector.broadcast %get3A_14 : vector<512x1xf32> to vector<512x1024xf32>
    %mul3A_16 = arith.mulf %get3A_11, %mul3A_15 : vector<512x1024xf32>
    %add3A_17 = arith.addf %add3A, %mul3A_16 : vector<512x1024xf32>
    %swap3A = arith.constant 0 : index
    %swap3A_18 = arith.constant 0 : index
    %swap3A_19 = vector.load %arg6[%swap3A, %swap3A_18] : memref<512x1024xf32, #tpu.memory_space<vmem>>, vector<512x1024xf32>
    tpu.vector_store %arg6[%swap3A, %swap3A_18], %add3A_17 {strides = array<i32>} : memref<512x1024xf32, #tpu.memory_space<vmem>>, vector<512x1024xf32>,
    return
  }
  func.func @transform_0(%arg0: i32) -> (i32, i32) {
    %c0_i32 = arith.constant 0 : i32
    %c0_i32_0 = arith.constant 0 : i32
    return %arg0, %c0_i32 : i32, i32
  }
  func.func @transform_1(%arg0: i32) -> (i32, i32) {
    %c0_i32 = arith.constant 0 : i32
    %c0_i32_0 = arith.constant 0 : i32
    return %arg0, %c0_i32 : i32, i32
  }
  func.func @transform_2(%arg0: i32) -> (i32, i32) {
    %c0_i32 = arith.constant 0 : i32
    %c0_i32_0 = arith.constant 0 : i32
    return %arg0, %c0_i32 : i32, i32
  }
  func.func @transform_3(%arg0: i32) -> (i32, i32) {
    %c0_i32 = arith.constant 0 : i32
    %c0_i32_0 = arith.constant 0 : i32
    return %arg0, %c0_i32 : i32, i32
  }
  func.func @transform_4(%arg0: i32) -> (i32, i32) {
    %c0_i32 = arith.constant 0 : i32
    %c0_i32_0 = arith.constant 0 : i32
    return %arg0, %c0_i32 : i32, i32
  }
  func.func @transform_5(%arg0: i32) -> (i32, i32) {
    %c0_i32 = arith.constant 0 : i32
    %c0_i32_0 = arith.constant 0 : i32
    return %arg0, %c0_i32 : i32, i32
  }
}

</mosaic_0001>

<sc_bundles>
// kernel: kernel.11.cloned.1.call-start
scs
__scs_entry_jumppad:
0x0: {  	(pc) =	sbr.rel $0x88, $3  }
0x1: {  	(tag) =	ssettag $0x0;
	lr =	simm.s32 $0x1  }
0x2: {  	[smem:$0x3F98] =	sst lr;
	_ =	strace $0xD0000000  }
0x3: {  	_ = 	snop  }
0x4: {  	_ = 	snop  }
0x5: {  	_ = 	snop  }
0x6: {  	_ = 	snop  }
0x7: {  	_ = 	snop  }
__scs_overlays_trampoline_lowered:
0x8: {  	[smem:$0x3FA7] =	sst s0  }
0x9: {  	[smem:$0x3FA8] =	sst s1  }
0xa: {  	[smem:$0x3FA9] =	sst s2  }
0xb: {  	[smem:$0x3FAA] =	sst s3  }
0xc: {  	[smem:$0x3FAB] =	sst s4  }
0xd: {  	[smem:$0x3FAC] =	sst s5  }
0xe: {  	[smem:$0x3FAD] =	sst s6  }
0xf: {  	[smem:$0x3FAE] =	sst s7  }
0x10: {  	[smem:$0x3FAF] =	sst s8  }
0x11: {  	[smem:$0x3FB0] =	sst s9;
	s0 =	simm.s32 @!p0 $0x0  }
0x12: {  	s1 =	sld [smem:$0x3F96];
	s0 =	simm.s32 @p0 $0x1  }
0x13: {  	[smem:$0x3FB1] =	sst s0;
	s0 =	simm.s32 @!p1 $0x0  }
0x14: {  	s2 =	sld [smem:$0x3F95];
	s0 =	simm.s32 @p1 $0x1  }
0x15: {  	[smem:$0x3FB2] =	sst s0;
	s0 =	simm.s32 @!p2 $0x0  }
0x16: {  	s3 =	sld [smem:$0x3FDB];
	s0 =	simm.s32 @p2 $0x1  }
0x17: {  	s4 =	simm.s32 $0x1BF5;
	[smem:$0x3FB4] =	sst s0  }
0x18: {  	s0 =	sld [smem:$0x3F97];
	_ =	swait.ge [sflag:s4], $0x0  }
0x19: {  	s7 =	sld [smem:$0x3F98]  }
0x1a: {  	s8 =	sadd.s32 $0xFFFFE003, lr  }
0x1b: {  	s9 =	sadd.s32 $0xFFFFFEF7, lr;
	s5 =	simm.s32 $0xFFFFFFFF;
	p2 =	slt.u32 s8, $0xFFFFF086  }
0x1c: {  	p1 =	slt.u32 s9, $0xF7A;
	s5 =	simm.s32 @!p2 $0x0  }
0x1d: {  	s5 =	simm.s32 @p1 $0x1;
	p0 =	seq.s32 s7, s2  }
0x1e: {  	s7 =	smul.u32 @!p0 $0xF7A, s2;
	p2 =	seq.s32 @!p0 s5, $0x0  }
0x1f: {  	s9 =	smul.u32 $0xF7A, s1;
	s8 =	simm.s32 @!p0 $0x1BF5;
	p2 =	por !p2, p0  }
0x20: {  	[sflag:s8] =	ssyncset.s32 @!p0 $0xFFFFF086;
	s6 =	sadd.s32 @!p0 s3, s7;
	s7 =	simm.s32 @!p0 $0x108  }
0x21: {  	s3 =	sadd.s32 s3, s9;
	s6 =	sadd.s32 @!p0 $0x88, s6;
	s7 =	simm.s32 @p2 $0x1082  }
0x22: {  	[simem:s7], [sflag:s8] =	dma.local @!p0 [hbm:s6], $0xF7A  }
0x23: {  	s9 =	sor.u32 $0xD0000000, s2;
	s6 =	simm.s32 $0x108;
	_ =	swait.ge @!p0 [sflag:s8], $0x0  }
0x24: {  	s3 =	sadd.s32 $0x88, s3;
	s6 =	simm.s32 @!p1 $0x1082;
	[sflag:s4] =	ssyncset.s32 $0xFFFFF086  }
0x25: {  	[simem:s6], [sflag:s4] =	dma.local [hbm:s3], $0xF7A  }
0x26: {  	[smem:$0x3F98] =	sst s1;
	(tag) =	ssettag s2;
	_ =	strace s9  }
0x27: {  	s1 =	sld [smem:$0x3FA8]  }
0x28: {  	s2 =	sld [smem:$0x3FA9]  }
0x29: {  	s4 =	sld [smem:$0x3FAB]  }
0x2a: {  	p0 =	seq.s32 s5, $0x0;
	s5 =	sld [smem:$0x3FAC]  }
0x2b: {  	s6 =	sld [smem:$0x3FAD]  }
0x2c: {  	s7 =	sld [smem:$0x3FAE]  }
0x2d: {  	s3 =	simm.s32 $0x108;
	s8 =	sld [smem:$0x3FAF]  }
0x2e: {  	s3 =	simm.s32 @!p0 $0x1082;
	s9 =	sld [smem:$0x3FB0]  }
0x2f: {  	lr =	sadd.s32 s0, s3;
	s0 =	sld [smem:$0x3FA7]  }
0x30: {  	s3 =	sld [smem:$0x3FAA]  }
0x31: {  	[smem:$0x3FB3] =	sst s10  }
0x32: {  	s10 =	sld [smem:$0x3FB1];
	_ =	sdelay $0x3  }
0x33: {  	p0 =	seq.s32 s10, $0x1;
	s10 =	sld [smem:$0x3FB3];
	_ =	sdelay $0x3  }
0x34: {  	[smem:$0x3FB3] =	sst s10  }
0x35: {  	s10 =	sld [smem:$0x3FB2];
	_ =	sdelay $0x3  }
0x36: {  	p1 =	seq.s32 s10, $0x1;
	s10 =	sld [smem:$0x3FB3];
	_ =	sdelay $0x3  }
0x37: {  	[smem:$0x3FB3] =	sst s10  }
0x38: {  	s10 =	sld [smem:$0x3FB4]  }
0x39: {  	_ = 	snop;
	(pc) =	sbr.ind lr, $3  }
0x3a: {  	_ = 	snop  }
0x3b: {  	_ = 	snop  }
0x3c: {  	p2 =	seq.s32 s10, $0x1;
	s10 =	sld [smem:$0x3FB3]  }
0x3d: {  	_ =	shalt  }
0x3e: {  	_ =	shalt  }
0x3f: {  	_ =	shalt  }
0x40: {  	_ =	shalt  }
0x41: {  	_ =	shalt  }
0x42: {  	_ =	shalt  }
0x43: {  	_ =	shalt  }
0x44: {  	_ =	shalt  }
0x45: {  	_ =	shalt  }
0x46: {  	_ =	shalt  }
0x47: {  	_ =	shalt  }
0x48: {  	_ =	shalt  }
0x49: {  	_ =	shalt  }
0x4a: {  	_ =	shalt  }
0x4b: {  	_ =	shalt  }
0x4c: {  	_ =	shalt  }
0x4d: {  	_ =	shalt  }
0x4e: {  	_ =	shalt  }
0x4f: {  	_ =	shalt  }
0x50: {  	_ =	shalt  }
0x51: {  	_ =	shalt  }
0x52: {  	_ =	shalt  }
0x53: {  	_ =	shalt  }
0x54: {  	_ =	shalt  }
0x55: {  	_ =	shalt  }
0x56: {  	_ =	shalt  }
0x57: {  	_ =	shalt  }
0x58: {  	_ =	shalt  }
0x59: {  	_ =	shalt  }
0x5a: {  	_ =	shalt  }
0x5b: {  	_ =	shalt  }
0x5c: {  	_ =	shalt  }
0x5d: {  	_ =	shalt  }
0x5e: {  	_ =	shalt  }
0x5f: {  	_ =	shalt  }
0x60: {  	_ =	shalt  }
0x61: {  	_ =	shalt  }
0x62: {  	_ =	shalt  }
0x63: {  	_ =	shalt  }
0x64: {  	_ =	shalt  }
0x65: {  	_ =	shalt  }
0x66: {  	_ =	shalt  }
0x67: {  	_ =	shalt  }
0x68: {  	_ =	shalt  }
0x69: {  	_ =	shalt  }
0x6a: {  	_ =	shalt  }
0x6b: {  	_ =	shalt  }
0x6c: {  	_ =	shalt  }
0x6d: {  	_ =	shalt  }
0x6e: {  	_ =	shalt  }
0x6f: {  	_ =	shalt  }
0x70: {  	_ =	shalt  }
0x71: {  	_ =	shalt  }
0x72: {  	_ =	shalt  }
0x73: {  	_ =	shalt  }
0x74: {  	_ =	shalt  }
0x75: {  	_ =	shalt  }
0x76: {  	_ =	shalt  }
0x77: {  	_ =	shalt  }
0x78: {  	_ =	shalt  }
0x79: {  	_ =	shalt  }
0x7a: {  	_ =	shalt  }
0x7b: {  	_ =	shalt  }
0x7c: {  	_ =	shalt  }
0x7d: {  	_ =	shalt  }
0x7e: {  	_ =	shalt  }
0x7f: {  	_ =	shalt  }
0x80: {  	_ =	shalt  }
0x81: {  	_ =	shalt  }
0x82: {  	_ =	shalt  }
0x83: {  	_ =	shalt  }
0x84: {  	_ =	shalt  }
0x85: {  	_ =	shalt  }
0x86: {  	_ =	shalt  }
0x87: {  	_ =	shalt  }
.Lfunc_end0:
.L_simem_size_0:
called_computation.1_lowered:
.L_overlay_start_0:
0x88: {  	s2 =	sld [smem:$0x3FD9]  }
0x89: {  	s3 =	sld [smem:$0x3FFE];
	_ =	sdelay $0x1  }
0x8a: {  	s1 =	srdreg.scid  }
0x8b: {  	s0 =	sand.u32 $0x1, s1  }
0x8c: {  	s16 =	sshll.u32 s0, $0xA;
	s2 =	sadd.s32 s3, s2  }
0x8d: {  	s2 =	sadd.s32 s2, s16  }
0x8e: {  	[smem:$0x3FBF] =	sst s2  }
0x8f: {  	_ = 	snop  }
0x90: {  	(tm) =	ssettm $0x1  }
0x91: {  	s17 =	sld [smem:$0x3FFB];
	_ =	sdelay $0x3  }
0x92: {  	_ =	strace s17  }
0x93: {  	s2 =	sld [smem:$0x3FFC];
	_ =	sdelay $0x3  }
0x94: {  	_ =	strace s2  }
0x95: {  	s2 =	sld [smem:$0x3FFD];
	_ =	sdelay $0x3  }
0x96: {  	_ =	strace s2  }
0x97: {  	_ =	strace $0x8FFFFFFF  }
0x98: {  	s18 =	sld [smem:$0x3FDB];
	_ =	sdelay $0x1  }
0x99: {  	s19 =	simm.s32 $_scs_section_size  }
0x9a: {  	s4 =	simm.s32 $_size__tile_overlayer_lowered;
	s5 =	simm.s32 $_tile_overlayer_lowered  }
0x9b: {  	s22 =	simm.s32 $0x1BFF;
	s21 =	sshll.u32 s5, $0x1;
	s2 =	sadd.s32 s19, s18  }
0x9c: {  	s6 =	simm.s32 $0x0;
	s20 =	sshll.u32 s4, $0x1;
	s4 =	sadd.s32 s21, s2  }
0x9d: {  	[timem:s6], [sflag:s22] =	dma.local [hbm:s4], s20  }
0x9e: {  	_ =	swait.ge [sflag:s22], s20  }
0x9f: {  	s3 =	ssub.s32 $0x0, s20;
	[sflag:s22] =	ssyncset.done $0x0  }
0xa0: {  	[sflag:s22] =	ssyncadd.s32 s3;
	_ =	sdelay $0x1  }
0xa1: {  	s23 =	simm.s32 $0x1B8B  }
0xa2: {  	_ =	swait.ge [sflag:s23], $0x1  }
0xa3: {  	[sflag:s23] =	ssyncset.done $0x0  }
0xa4: {  	s25 =	simm.s32 $0x1B8E;
	s24 =	sld [smem:$0x3FFE];
	[sflag:s23] =	ssyncadd.s32 $0xFFFFFFFF  }
0xa5: {  	s26 =	simm.s32 $execute0_lowered;
	[smem:$0x3FD2] =	sst s25  }
0xa6: {  	s4 =	sshll.u32 s26, $0x1;
	_ =	strace $0x80000049;
	[dreg:$0x1] =	wrdreg $0xFFFFFFFF  }
0xa7: {  	s28 =	simm.s32 $_size_execute0_lowered;
	s2 =	sadd.s32 s2, s4;
	[dreg:$0x0] =	wrdreg $0x0  }
0xa8: {  	s4 =	sshll.u32 s28, $0x1;
	[dreg:$0x2] =	wrdreg s2  }
0xa9: {  	[dreg:$0x3] =	wrdreg s4  }
0xaa: {  	[dreg:$0x4] =	wrdreg $0xC0  }
0xab: {  	_ =	task [dreg:s6], $0x5FFFF  }
0xac: {  	[dreg:$0x1] =	wrdreg $0xFFFFFFFF  }
0xad: {  	[dreg:$0x0] =	wrdreg $0x60  }
0xae: {  	[dreg:$0x2] =	wrdreg s24  }
0xaf: {  	[dreg:$0x3] =	wrdreg $0x9  }
0xb0: {  	_ =	task.clear_ibuf [dreg:s6], $0x4FFFF;
	_ =	strace $0x90000049  }
0xb1: {  	s29 =	simm.s32 $0x9;
	_ =	strace $0x8000004B  }
0xb2: {  	_ =	swait.ge [sflag:s29], $0x1  }
0xb3: {  	[sflag:s29] =	ssyncadd.s32 $0xFFFFFFFF  }
0xb4: {  	_ =	strace $0x9000004B  }
0xb5: {  	_ =	sfence  }
0xb6: {  	s30 =	sld [smem:$0x0];
	_ =	sdelay $0x2  }
0xb7: {  	s31 =	sshll.u32 s1, $0xD;
	s1 =	sshrl.u32 s1, $0x2  }
0xb8: {  	s3 =	sand.u32 $0x4000, s31;
	s1 =	sadd.s32 s1, s30  }
0xb9: {  	s0 =	sor.u32 s3, s0;
	s1 =	sshll.u32 s1, $0x11  }
0xba: {  	s0 =	sor.u32 s1, s0  }
0xbb: {  	s0 =	sadd.s32 $0x8F2B, s0  }
0xbc: {  	[sflag:s0] =	ssyncadd.remote.s32 $0x1  }
0xbd: {  	_ =	sfence.sel $0xFFFF  }
0xbe: {  	[dreg:$0x0] =	wrdreg $0xFFFFFFFF;
	(pc) =	sbr.abs _section_cstart, $3  }
0xbf: {  	[dreg:$0x1] =	wrdreg $0xFFFFFFFF  }
0xc0: {  	_ =	task.clear_ibuf [dreg:s6], $0x2FFFF;
	_ =	strace $0x9FFFFFFF  }
0xc1: {  	(tm) =	ssettm $0x7FFFFFFF  }
tec
execute0_lowered:
.L_overlay_start_1:
0x0: {  	(tag) =	ssettag $0x1  }
0x1: {  	s0 =	srdreg.scid  }
0x2: {  	s1 =	stileid.u32;
	s6 =	rddreg [dreg:$0x0];
	s2 =	simm.s32 $0x0  }
0x3: {  	s31 =	simm.s32 $0x400;
	s0 =	sand.u32 $0x1, s0;
	s1 =	sshll.u32 s1, $0x1  }
0x4: {  	[smem:$0x7FF] =	sst s2;
	s7 =	sadd.s32 $0x2600, s6;
	s1 =	sor.u32 s0, s1  }
0x5: {  	s8 =	sadd.s32 $0x82600, s6;
	s3 =	sshll.u32 s1, $0x7;
	s1 =	sshll.u32 s1, $0xE  }
0x6: {  	_ =	strace $0x8000004A;
	[dreg:$0x14] =	wrdreg s31;
	s14 =	sadd.s32 s7, s1  }
0x7: {  	s3 =	sadd.s32 s3, s6;
	s15 =	sadd.s32 s8, s1;
	[dreg:$0x4] =	wrdreg s14  }
0x8: {  	s11 =	simm.s32 $0xC800;
	s4 =	sadd.s32 $0x600, s3;
	[dreg:$0x5] =	wrdreg s15  }
0x9: {  	s16 =	sor.u32 $0x800, s1;
	s3 =	sadd.s32 $0x1600, s3;
	[dreg:$0x2] =	wrdreg s4  }
0xa: {  	s5 =	sor.u32 $0x1000, s1;
	s17 =	sadd.s32 s7, s16;
	[dreg:$0x3] =	wrdreg s3  }
0xb: {  	s0 =	ssub.s32 $0x2, s0;
	s18 =	sadd.s32 s7, s5;
	[dreg:$0x6] =	wrdreg s17  }
0xc: {  	s20 =	sor.u32 $0x1800, s1;
	s19 =	sadd.s32 s8, s5;
	[dreg:$0x8] =	wrdreg s18  }
0xd: {  	s9 =	sshrl.u32 s0, $0x1;
	s21 =	sadd.s32 s7, s20;
	[dreg:$0x9] =	wrdreg s19  }
0xe: {  	s23 =	sor.u32 $0x2000, s1;
	s22 =	sadd.s32 s8, s20;
	[dreg:$0xa] =	wrdreg s21  }
0xf: {  	s26 =	sor.u32 $0x2800, s1;
	s24 =	sadd.s32 s7, s23;
	[dreg:$0xb] =	wrdreg s22  }
0x10: {  	s0 =	ssub.s32 s0, s9;
	s25 =	sadd.s32 s8, s23;
	[dreg:$0xc] =	wrdreg s24  }
0x11: {  	s29 =	sor.u32 $0x3000, s1;
	s28 =	sadd.s32 s7, s26;
	[dreg:$0xd] =	wrdreg s25  }
0x12: {  	s1 =	sor.u32 $0x3800, s1;
	s5 =	sadd.s32 s8, s26;
	[dreg:$0xe] =	wrdreg s28  }
0x13: {  	s30 =	sadd.s32 s7, s29;
	s9 =	sadd.s32 s8, s29;
	[dreg:$0xf] =	wrdreg s5  }
0x14: {  	s7 =	sadd.s32 s7, s1;
	s1 =	sadd.s32 s8, s1;
	[dreg:$0x10] =	wrdreg s30  }
0x15: {  	s23 =	simm.s32 $0x800;
	s26 =	simm.s32 $0x4800;
	[dreg:$0x11] =	wrdreg s9  }
0x16: {  	s20 =	simm.s32 $0x2;
	s4 =	sadd.s32 s8, s16;
	[dreg:$0x12] =	wrdreg s7  }
0x17: {  	v2 =	vlaneseq.u32;
	s3 =	sadd.s32 $0x142600, s6;
	s5 =	sadd.s32 $0x142800, s6;
	[dreg:$0x13] =	wrdreg s1  }
0x18: {  	vm0 =	vmmov $0xffff;
	v1 =	vshrl.u32 v2, $0x3;
	s7 =	smax.u32 s0, $0x1;
	s17 =	simm.s32 $0x8800;
	s25 =	simm.s32 $0x1  }
0x19: {  	v0 =	vand.u32 $0x7, v2;
	v2 =	vor.u32 $0x8, v2;
	v1 =	vmul.u32 $0x8, v1;
	[dreg:$0x7] =	wrdreg s4;
	s4 =	sadd.s32 $0x142700, s6;
	s6 =	sadd.s32 $0x142900, s6  }
.LBB2_1:
0x1a: {  	s21 =	rddreg [dreg:$0x2];
	s0 =	simm.s32 $0x3  }
0x1b: {  	[tilespmem:s2], [sflag:$0x3] =	stream.linear.gather [hbm4b:s21+s2], $0x400, $0x38;
	[tilespmem:$0x10800] =	vst v63  }
0x1c: {  	_ =	swait.ge [sflag:s0], $0x400  }
0x1d: {  	s28 =	rddreg [dreg:$0x3];
	[sflag:s0] =	ssyncset.done $0x0  }
0x1e: {  	s22 =	rddreg [dreg:$0x14];
	[sflag:s0] =	ssyncadd.s32 $0xFFFFFC00  }
0x1f: {  	[tilespmem:s22], [sflag:$0x3] =	stream.linear.gather [hbm4b:s28+s2], $0x400, $0x38;
	[tilespmem:$0x10800] =	vst v63  }
0x20: {  	_ =	swait.ge [sflag:s0], $0x400  }
0x21: {  	[sflag:s0] =	ssyncset.done $0x0  }
0x22: {  	[sflag:s0] =	ssyncadd.s32 $0xFFFFFC00  }
0x23: {  	v3 =	vld [tilespmem:$0x0];
	_ =	sdelay $0x4  }
0x24: {  	v4 =	vshll.u32 v3, $0x3  }
0x25: {  	v3 =	vand.u32 $0x7, v3;
	v4 =	vand.u32 $0xFFFFFFC0, v4  }
0x26: {  	v3 =	vor.u32 v3, v4  }
0x27: {  	v4 =	vperm.xlane v3, v0;
	_ =	sdelay $0x1  }
0x28: {  	v4 =	vadd.s32 v1, v4;
	_ =	sdelay $0x4  }
0x29: {  	[tilespmem:s23], [sflag:$0x1] =	stream.indirect_vreg.gather [hbm4b:s3+s2], $0x80, v4, vm0, $0xb8;
	[tilespmem:$0x10800] =	vst v63  }
0x2a: {  	s29 =	simm.s32 $0x1000;
	v3 =	vperm.xlane v3, v2  }
0x2b: {  	[tilespmem:s29], [sflag:$0x1] =	stream.indirect_vreg.gather [hbm4b:s4+s2], $0x80, v4, vm0, $0xb8;
	[tilespmem:$0x10800] =	vst v63  }
0x2c: {  	s30 =	simm.s32 $0x1800;
	v3 =	vadd.s32 v1, v3  }
0x2d: {  	[tilespmem:s30], [sflag:$0x1] =	stream.indirect_vreg.gather [hbm4b:s5+s2], $0x80, v4, vm0, $0xb8;
	[tilespmem:$0x10800] =	vst v63  }
0x2e: {  	s31 =	simm.s32 $0x2000  }
0x2f: {  	[tilespmem:s31], [sflag:$0x1] =	stream.indirect_vreg.gather [hbm4b:s6+s2], $0x80, v4, vm0, $0xb8;
	[tilespmem:$0x10800] =	vst v63  }
0x30: {  	s1 =	simm.s32 $0x2800  }
0x31: {  	[tilespmem:s1], [sflag:$0x1] =	stream.indirect_vreg.gather [hbm4b:s3+s2], $0x80, v3, vm0, $0xb8;
	[tilespmem:$0x10800] =	vst v63  }
0x32: {  	s9 =	simm.s32 $0x3000  }
0x33: {  	[tilespmem:s9], [sflag:$0x1] =	stream.indirect_vreg.gather [hbm4b:s4+s2], $0x80, v3, vm0, $0xb8;
	[tilespmem:$0x10800] =	vst v63  }
0x34: {  	s12 =	simm.s32 $0x3800  }
0x35: {  	[tilespmem:s12], [sflag:$0x1] =	stream.indirect_vreg.gather [hbm4b:s5+s2], $0x80, v3, vm0, $0xb8;
	[tilespmem:$0x10800] =	vst v63  }
0x36: {  	s13 =	simm.s32 $0x4000  }
0x37: {  	[tilespmem:s13], [sflag:$0x1] =	stream.indirect_vreg.gather [hbm4b:s6+s2], $0x80, v3, vm0, $0xb8;
	[tilespmem:$0x10800] =	vst v63  }
0x38: {  	v3 =	vld [tilespmem:$0x400];
	_ =	sdelay $0x4  }
0x39: {  	v49 =	vshll.u32 v3, $0x3  }
0x3a: {  	v3 =	vand.u32 $0x7, v3;
	v4 =	vand.u32 $0xFFFFFFC0, v49  }
0x3b: {  	v3 =	vor.u32 v3, v4  }
0x3c: {  	v4 =	vperm.xlane v3, v0;
	_ =	sdelay $0x1  }
0x3d: {  	v4 =	vadd.s32 v1, v4;
	_ =	sdelay $0x4  }
0x3e: {  	[tilespmem:s17], [sflag:$0x1] =	stream.indirect_vreg.gather [hbm4b:s3+s2], $0x80, v4, vm0, $0xb8;
	[tilespmem:$0x10800] =	vst v63  }
0x3f: {  	s14 =	simm.s32 $0x9000;
	v3 =	vperm.xlane v3, v2  }
0x40: {  	[tilespmem:s14], [sflag:$0x1] =	stream.indirect_vreg.gather [hbm4b:s4+s2], $0x80, v4, vm0, $0xb8;
	[tilespmem:$0x10800] =	vst v63  }
0x41: {  	s15 =	simm.s32 $0x9800;
	v3 =	vadd.s32 v1, v3  }
0x42: {  	[tilespmem:s15], [sflag:$0x1] =	stream.indirect_vreg.gather [hbm4b:s5+s2], $0x80, v4, vm0, $0xb8;
	[tilespmem:$0x10800] =	vst v63  }
0x43: {  	s21 =	simm.s32 $0xA000  }
0x44: {  	[tilespmem:s21], [sflag:$0x1] =	stream.indirect_vreg.gather [hbm4b:s6+s2], $0x80, v4, vm0, $0xb8;
	[tilespmem:$0x10800] =	vst v63  }
0x45: {  	s22 =	simm.s32 $0xA800  }
0x46: {  	[tilespmem:s22], [sflag:$0x1] =	stream.indirect_vreg.gather [hbm4b:s3+s2], $0x80, v3, vm0, $0xb8;
	[tilespmem:$0x10800] =	vst v63  }
0x47: {  	s24 =	simm.s32 $0xB000  }
0x48: {  	[tilespmem:s24], [sflag:$0x1] =	stream.indirect_vreg.gather [hbm4b:s4+s2], $0x80, v3, vm0, $0xb8;
	[tilespmem:$0x10800] =	vst v63  }
0x49: {  	s28 =	simm.s32 $0xB800  }
0x4a: {  	[tilespmem:s28], [sflag:$0x1] =	stream.indirect_vreg.gather [hbm4b:s5+s2], $0x80, v3, vm0, $0xb8;
	[tilespmem:$0x10800] =	vst v63  }
0x4b: {  	s29 =	simm.s32 $0xC000  }
0x4c: {  	[tilespmem:s29], [sflag:$0x1] =	stream.indirect_vreg.gather [hbm4b:s6+s2], $0x80, v3, vm0, $0xb8;
	[tilespmem:$0x10800] =	vst v63  }
0x4d: {  	_ =	swait.ge [sflag:s25], $0x4000  }
0x4e: {  	[sflag:s25] =	ssyncset.done $0x0  }
0x4f: {  	[sflag:s25] =	ssyncadd.s32 $0xFFFFC000  }
0x50: {  	_ =	swait.ge [sflag:s25], $0x4000  }
0x51: {  	[sflag:s25] =	ssyncset.done $0x0  }
0x52: {  	[sflag:s25] =	ssyncadd.s32 $0xFFFFC000  }
0x53: {  	v3 =	vld [tilespmem:$0x80];
	_ =	sdelay $0x4  }
0x54: {  	v50 =	vshll.u32 v3, $0x3  }
0x55: {  	v3 =	vand.u32 $0x7, v3;
	v4 =	vand.u32 $0xFFFFFFC0, v50  }
0x56: {  	v3 =	vor.u32 v3, v4  }
0x57: {  	v4 =	vperm.xlane v3, v0;
	_ =	sdelay $0x1  }
0x58: {  	v4 =	vadd.s32 v1, v4;
	_ =	sdelay $0x4  }
0x59: {  	[tilespmem:s26], [sflag:$0x1] =	stream.indirect_vreg.gather [hbm4b:s3+s2], $0x80, v4, vm0, $0xb8;
	[tilespmem:$0x10800] =	vst v63  }
0x5a: {  	s31 =	simm.s32 $0x5000;
	v3 =	vperm.xlane v3, v2  }
0x5b: {  	[tilespmem:s31], [sflag:$0x1] =	stream.indirect_vreg.gather [hbm4b:s4+s2], $0x80, v4, vm0, $0xb8;
	[tilespmem:$0x10800] =	vst v63  }
0x5c: {  	s9 =	simm.s32 $0x5800;
	v3 =	vadd.s32 v1, v3  }
0x5d: {  	[tilespmem:s9], [sflag:$0x1] =	stream.indirect_vreg.gather [hbm4b:s5+s2], $0x80, v4, vm0, $0xb8;
	[tilespmem:$0x10800] =	vst v63  }
0x5e: {  	s12 =	simm.s32 $0x6000  }
0x5f: {  	[tilespmem:s12], [sflag:$0x1] =	stream.indirect_vreg.gather [hbm4b:s6+s2], $0x80, v4, vm0, $0xb8;
	[tilespmem:$0x10800] =	vst v63  }
0x60: {  	s13 =	simm.s32 $0x6800  }
0x61: {  	[tilespmem:s13], [sflag:$0x1] =	stream.indirect_vreg.gather [hbm4b:s3+s2], $0x80, v3, vm0, $0xb8;
	[tilespmem:$0x10800] =	vst v63  }
0x62: {  	s14 =	simm.s32 $0x7000  }
0x63: {  	[tilespmem:s14], [sflag:$0x1] =	stream.indirect_vreg.gather [hbm4b:s4+s2], $0x80, v3, vm0, $0xb8;
	[tilespmem:$0x10800] =	vst v63  }
0x64: {  	s15 =	simm.s32 $0x7800  }
0x65: {  	[tilespmem:s15], [sflag:$0x1] =	stream.indirect_vreg.gather [hbm4b:s5+s2], $0x80, v3, vm0, $0xb8;
	[tilespmem:$0x10800] =	vst v63  }
0x66: {  	s22 =	simm.s32 $0x8000  }
0x67: {  	[tilespmem:s22], [sflag:$0x1] =	stream.indirect_vreg.gather [hbm4b:s6+s2], $0x80, v3, vm0, $0xb8;
	[tilespmem:$0x10800] =	vst v63  }
0x68: {  	v3 =	vld [tilespmem:$0x480];
	_ =	sdelay $0x4  }
0x69: {  	v51 =	vshll.u32 v3, $0x3  }
0x6a: {  	v3 =	vand.u32 $0x7, v3;
	v4 =	vand.u32 $0xFFFFFFC0, v51  }
0x6b: {  	v3 =	vor.u32 v3, v4  }
0x6c: {  	v4 =	vperm.xlane v3, v0;
	_ =	sdelay $0x1  }
0x6d: {  	v4 =	vadd.s32 v1, v4;
	_ =	sdelay $0x4  }
0x6e: {  	[tilespmem:s11], [sflag:$0x1] =	stream.indirect_vreg.gather [hbm4b:s3+s2], $0x80, v4, vm0, $0xb8;
	[tilespmem:$0x10800] =	vst v63  }
0x6f: {  	s29 =	simm.s32 $0xD000;
	v3 =	vperm.xlane v3, v2  }
0x70: {  	[tilespmem:s29], [sflag:$0x1] =	stream.indirect_vreg.gather [hbm4b:s4+s2], $0x80, v4, vm0, $0xb8;
	[tilespmem:$0x10800] =	vst v63  }
0x71: {  	s0 =	simm.s32 $0xD800;
	v3 =	vadd.s32 v1, v3  }
0x72: {  	[tilespmem:s0], [sflag:$0x1] =	stream.indirect_vreg.gather [hbm4b:s5+s2], $0x80, v4, vm0, $0xb8;
	[tilespmem:$0x10800] =	vst v63  }
0x73: {  	s9 =	simm.s32 $0xE000  }
0x74: {  	[tilespmem:s9], [sflag:$0x1] =	stream.indirect_vreg.gather [hbm4b:s6+s2], $0x80, v4, vm0, $0xb8;
	[tilespmem:$0x10800] =	vst v63  }
0x75: {  	s12 =	simm.s32 $0xE800  }
0x76: {  	[tilespmem:s12], [sflag:$0x1] =	stream.indirect_vreg.gather [hbm4b:s3+s2], $0x80, v3, vm0, $0xb8;
	[tilespmem:$0x10800] =	vst v63  }
0x77: {  	s15 =	simm.s32 $0xF000  }
0x78: {  	[tilespmem:s15], [sflag:$0x1] =	stream.indirect_vreg.gather [hbm4b:s4+s2], $0x80, v3, vm0, $0xb8;
	[tilespmem:$0x10800] =	vst v63  }
0x79: {  	s22 =	simm.s32 $0xF800  }
0x7a: {  	[tilespmem:s22], [sflag:$0x1] =	stream.indirect_vreg.gather [hbm4b:s5+s2], $0x80, v3, vm0, $0xb8;
	[tilespmem:$0x10800] =	vst v63  }
0x7b: {  	s0 =	simm.s32 $0x10000  }
0x7c: {  	[tilespmem:s0], [sflag:$0x1] =	stream.indirect_vreg.gather [hbm4b:s6+s2], $0x80, v3, vm0, $0xb8;
	[tilespmem:$0x10800] =	vst v63  }
0x7d: {  	s29 =	rddreg [dreg:$0x4]  }
0x7e: {  	[hbm4b:s29+s2] =	stream.linear.scatter [tilespmem:s23], [sflag:$0x2], $0x4000, $0x38;
	[tilespmem:$0x10800] =	vst v63  }
0x7f: {  	s9 =	rddreg [dreg:$0x5]  }
0x80: {  	[hbm4b:s9+s2] =	stream.linear.scatter [tilespmem:s17], [sflag:$0x2], $0x4000, $0x38;
	[tilespmem:$0x10800] =	vst v63  }
0x81: {  	_ =	swait.ge [sflag:s25], $0x4000  }
0x82: {  	[sflag:s25] =	ssyncset.done $0x0  }
0x83: {  	[sflag:s25] =	ssyncadd.s32 $0xFFFFC000  }
0x84: {  	_ =	swait.ge [sflag:s25], $0x4000  }
0x85: {  	[sflag:s25] =	ssyncset.done $0x0  }
0x86: {  	[sflag:s25] =	ssyncadd.s32 $0xFFFFC000  }
0x87: {  	_ =	swait.ge [sflag:s20], $0x4000  }
0x88: {  	[sflag:s20] =	ssyncset.done $0x0  }
0x89: {  	[sflag:s20] =	ssyncadd.s32 $0xFFFFC000  }
0x8a: {  	_ =	swait.ge [sflag:s20], $0x4000  }
0x8b: {  	[sflag:s20] =	ssyncset.done $0x0  }
0x8c: {  	[sflag:s20] =	ssyncadd.s32 $0xFFFFC000  }
0x8d: {  	v3 =	vld [tilespmem:$0x100];
	_ =	sdelay $0x4  }
0x8e: {  	v52 =	vshll.u32 v3, $0x3  }
0x8f: {  	v3 =	vand.u32 $0x7, v3;
	v4 =	vand.u32 $0xFFFFFFC0, v52  }
0x90: {  	v3 =	vor.u32 v3, v4  }
0x91: {  	v4 =	vperm.xlane v3, v0;
	_ =	sdelay $0x1  }
0x92: {  	v4 =	vadd.s32 v1, v4;
	_ =	sdelay $0x4  }
0x93: {  	[tilespmem:s23], [sflag:$0x1] =	stream.indirect_vreg.gather [hbm4b:s3+s2], $0x80, v4, vm0, $0xb8;
	[tilespmem:$0x10800] =	vst v63  }
0x94: {  	s8 =	simm.s32 $0x1000;
	v3 =	vperm.xlane v3, v2  }
0x95: {  	[tilespmem:s8], [sflag:$0x1] =	stream.indirect_vreg.gather [hbm4b:s4+s2], $0x80, v4, vm0, $0xb8;
	[tilespmem:$0x10800] =	vst v63  }
0x96: {  	v3 =	vadd.s32 v1, v3;
	s8 =	simm.s32 $0x1800  }
0x97: {  	[tilespmem:s8], [sflag:$0x1] =	stream.indirect_vreg.gather [hbm4b:s5+s2], $0x80, v4, vm0, $0xb8;
	[tilespmem:$0x10800] =	vst v63  }
0x98: {  	s9 =	simm.s32 $0x2000  }
0x99: {  	[tilespmem:s9], [sflag:$0x1] =	stream.indirect_vreg.gather [hbm4b:s6+s2], $0x80, v4, vm0, $0xb8;
	[tilespmem:$0x10800] =	vst v63  }
0x9a: {  	s10 =	simm.s32 $0x2800  }
0x9b: {  	[tilespmem:s10], [sflag:$0x1] =	stream.indirect_vreg.gather [hbm4b:s3+s2], $0x80, v3, vm0, $0xb8;
	[tilespmem:$0x10800] =	vst v63  }
0x9c: {  	s16 =	simm.s32 $0x3000  }
0x9d: {  	[tilespmem:s16], [sflag:$0x1] =	stream.indirect_vreg.gather [hbm4b:s4+s2], $0x80, v3, vm0, $0xb8;
	[tilespmem:$0x10800] =	vst v63  }
0x9e: {  	s18 =	simm.s32 $0x3800  }
0x9f: {  	[tilespmem:s18], [sflag:$0x1] =	stream.indirect_vreg.gather [hbm4b:s5+s2], $0x80, v3, vm0, $0xb8;
	[tilespmem:$0x10800] =	vst v63  }
0xa0: {  	s19 =	simm.s32 $0x4000  }
0xa1: {  	[tilespmem:s19], [sflag:$0x1] =	stream.indirect_vreg.gather [hbm4b:s6+s2], $0x80, v3, vm0, $0xb8;
	[tilespmem:$0x10800] =	vst v63  }
0xa2: {  	v3 =	vld [tilespmem:$0x500];
	_ =	sdelay $0x4  }
0xa3: {  	v53 =	vshll.u32 v3, $0x3  }
0xa4: {  	v3 =	vand.u32 $0x7, v3;
	v4 =	vand.u32 $0xFFFFFFC0, v53  }
0xa5: {  	v3 =	vor.u32 v3, v4  }
0xa6: {  	v4 =	vperm.xlane v3, v0;
	_ =	sdelay $0x1  }
0xa7: {  	v4 =	vadd.s32 v1, v4;
	_ =	sdelay $0x4  }
0xa8: {  	[tilespmem:s17], [sflag:$0x1] =	stream.indirect_vreg.gather [hbm4b:s3+s2], $0x80, v4, vm0, $0xb8;
	[tilespmem:$0x10800] =	vst v63  }
0xa9: {  	s30 =	simm.s32 $0x9000;
	v3 =	vperm.xlane v3, v2  }
0xaa: {  	[tilespmem:s30], [sflag:$0x1] =	stream.indirect_vreg.gather [hbm4b:s4+s2], $0x80, v4, vm0, $0xb8;
	[tilespmem:$0x10800] =	vst v63  }
0xab: {  	s10 =	simm.s32 $0x9800;
	v3 =	vadd.s32 v1, v3  }
0xac: {  	[tilespmem:s10], [sflag:$0x1] =	stream.indirect_vreg.gather [hbm4b:s5+s2], $0x80, v4, vm0, $0xb8;
	[tilespmem:$0x10800] =	vst v63  }
0xad: {  	s30 =	simm.s32 $0xA000  }
0xae: {  	[tilespmem:s30], [sflag:$0x1] =	stream.indirect_vreg.gather [hbm4b:s6+s2], $0x80, v4, vm0, $0xb8;
	[tilespmem:$0x10800] =	vst v63  }
0xaf: {  	s16 =	simm.s32 $0xA800  }
0xb0: {  	[tilespmem:s16], [sflag:$0x1] =	stream.indirect_vreg.gather [hbm4b:s3+s2], $0x80, v3, vm0, $0xb8;
	[tilespmem:$0x10800] =	vst v63  }
0xb1: {  	s18 =	simm.s32 $0xB000  }
0xb2: {  	[tilespmem:s18], [sflag:$0x1] =	stream.indirect_vreg.gather [hbm4b:s4+s2], $0x80, v3, vm0, $0xb8;
	[tilespmem:$0x10800] =	vst v63  }
0xb3: {  	s19 =	simm.s32 $0xB800  }
0xb4: {  	[tilespmem:s19], [sflag:$0x1] =	stream.indirect_vreg.gather [hbm4b:s5+s2], $0x80, v3, vm0, $0xb8;
	[tilespmem:$0x10800] =	vst v63  }
0xb5: {  	s1 =	simm.s32 $0xC000  }
0xb6: {  	[tilespmem:s1], [sflag:$0x1] =	stream.indirect_vreg.gather [hbm4b:s6+s2], $0x80, v3, vm0, $0xb8;
	[tilespmem:$0x10800] =	vst v63  }
0xb7: {  	s22 =	rddreg [dreg:$0x6]  }
0xb8: {  	[hbm4b:s22+s2] =	stream.linear.scatter [tilespmem:s26], [sflag:$0x2], $0x4000, $0x38;
	[tilespmem:$0x10800] =	vst v63  }
0xb9: {  	s29 =	rddreg [dreg:$0x7]  }
0xba: {  	[hbm4b:s29+s2] =	stream.linear.scatter [tilespmem:s11], [sflag:$0x2], $0x4000, $0x38;
	[tilespmem:$0x10800] =	vst v63  }
0xbb: {  	_ =	swait.ge [sflag:s25], $0x4000  }
0xbc: {  	[sflag:s25] =	ssyncset.done $0x0  }
0xbd: {  	[sflag:s25] =	ssyncadd.s32 $0xFFFFC000  }
0xbe: {  	_ =	swait.ge [sflag:s25], $0x4000  }
0xbf: {  	[sflag:s25] =	ssyncset.done $0x0  }
0xc0: {  	[sflag:s25] =	ssyncadd.s32 $0xFFFFC000  }
0xc1: {  	_ =	swait.ge [sflag:s20], $0x4000  }
0xc2: {  	[sflag:s20] =	ssyncset.done $0x0  }
0xc3: {  	[sflag:s20] =	ssyncadd.s32 $0xFFFFC000  }
0xc4: {  	_ =	swait.ge [sflag:s20], $0x4000  }
0xc5: {  	[sflag:s20] =	ssyncset.done $0x0  }
0xc6: {  	[sflag:s20] =	ssyncadd.s32 $0xFFFFC000  }
0xc7: {  	v3 =	vld [tilespmem:$0x180];
	_ =	sdelay $0x4  }
0xc8: {  	v54 =	vshll.u32 v3, $0x3  }
0xc9: {  	v3 =	vand.u32 $0x7, v3;
	v4 =	vand.u32 $0xFFFFFFC0, v54  }
0xca: {  	v3 =	vor.u32 v3, v4  }
0xcb: {  	v4 =	vperm.xlane v3, v0;
	_ =	sdelay $0x1  }
0xcc: {  	v4 =	vadd.s32 v1, v4;
	_ =	sdelay $0x4  }
0xcd: {  	[tilespmem:s26], [sflag:$0x1] =	stream.indirect_vreg.gather [hbm4b:s3+s2], $0x80, v4, vm0, $0xb8;
	[tilespmem:$0x10800] =	vst v63  }
0xce: {  	s1 =	simm.s32 $0x5000;
	v3 =	vperm.xlane v3, v2  }
0xcf: {  	[tilespmem:s1], [sflag:$0x1] =	stream.indirect_vreg.gather [hbm4b:s4+s2], $0x80, v4, vm0, $0xb8;
	[tilespmem:$0x10800] =	vst v63  }
0xd0: {  	s0 =	simm.s32 $0x5800;
	v3 =	vadd.s32 v1, v3  }
0xd1: {  	[tilespmem:s0], [sflag:$0x1] =	stream.indirect_vreg.gather [hbm4b:s5+s2], $0x80, v4, vm0, $0xb8;
	[tilespmem:$0x10800] =	vst v63  }
0xd2: {  	s31 =	simm.s32 $0x6000  }
0xd3: {  	[tilespmem:s31], [sflag:$0x1] =	stream.indirect_vreg.gather [hbm4b:s6+s2], $0x80, v4, vm0, $0xb8;
	[tilespmem:$0x10800] =	vst v63  }
0xd4: {  	s24 =	simm.s32 $0x6800  }
0xd5: {  	[tilespmem:s24], [sflag:$0x1] =	stream.indirect_vreg.gather [hbm4b:s3+s2], $0x80, v3, vm0, $0xb8;
	[tilespmem:$0x10800] =	vst v63  }
0xd6: {  	s28 =	simm.s32 $0x7000  }
0xd7: {  	[tilespmem:s28], [sflag:$0x1] =	stream.indirect_vreg.gather [hbm4b:s4+s2], $0x80, v3, vm0, $0xb8;
	[tilespmem:$0x10800] =	vst v63  }
0xd8: {  	s31 =	simm.s32 $0x7800  }
0xd9: {  	[tilespmem:s31], [sflag:$0x1] =	stream.indirect_vreg.gather [hbm4b:s5+s2], $0x80, v3, vm0, $0xb8;
	[tilespmem:$0x10800] =	vst v63  }
0xda: {  	s13 =	simm.s32 $0x8000  }
0xdb: {  	[tilespmem:s13], [sflag:$0x1] =	stream.indirect_vreg.gather [hbm4b:s6+s2], $0x80, v3, vm0, $0xb8;
	[tilespmem:$0x10800] =	vst v63  }
0xdc: {  	v3 =	vld [tilespmem:$0x580];
	_ =	sdelay $0x4  }
0xdd: {  	v55 =	vshll.u32 v3, $0x3  }
0xde: {  	v3 =	vand.u32 $0x7, v3;
	v4 =	vand.u32 $0xFFFFFFC0, v55  }
0xdf: {  	v3 =	vor.u32 v3, v4  }
0xe0: {  	v4 =	vperm.xlane v3, v0;
	_ =	sdelay $0x1  }
0xe1: {  	v4 =	vadd.s32 v1, v4;
	_ =	sdelay $0x4  }
0xe2: {  	[tilespmem:s11], [sflag:$0x1] =	stream.indirect_vreg.gather [hbm4b:s3+s2], $0x80, v4, vm0, $0xb8;
	[tilespmem:$0x10800] =	vst v63  }
0xe3: {  	s14 =	simm.s32 $0xD000;
	v3 =	vperm.xlane v3, v2  }
0xe4: {  	[tilespmem:s14], [sflag:$0x1] =	stream.indirect_vreg.gather [hbm4b:s4+s2], $0x80, v4, vm0, $0xb8;
	[tilespmem:$0x10800] =	vst v63  }
0xe5: {  	v3 =	vadd.s32 v1, v3;
	s14 =	simm.s32 $0xD800  }
0xe6: {  	[tilespmem:s14], [sflag:$0x1] =	stream.indirect_vreg.gather [hbm4b:s5+s2], $0x80, v4, vm0, $0xb8;
	[tilespmem:$0x10800] =	vst v63  }
0xe7: {  	s21 =	simm.s32 $0xE000  }
0xe8: {  	[tilespmem:s21], [sflag:$0x1] =	stream.indirect_vreg.gather [hbm4b:s6+s2], $0x80, v4, vm0, $0xb8;
	[tilespmem:$0x10800] =	vst v63  }
0xe9: {  	s22 =	simm.s32 $0xE800  }
0xea: {  	[tilespmem:s22], [sflag:$0x1] =	stream.indirect_vreg.gather [hbm4b:s3+s2], $0x80, v3, vm0, $0xb8;
	[tilespmem:$0x10800] =	vst v63  }
0xeb: {  	s22 =	simm.s32 $0xF000  }
0xec: {  	[tilespmem:s22], [sflag:$0x1] =	stream.indirect_vreg.gather [hbm4b:s4+s2], $0x80, v3, vm0, $0xb8;
	[tilespmem:$0x10800] =	vst v63  }
0xed: {  	s15 =	simm.s32 $0xF800  }
0xee: {  	[tilespmem:s15], [sflag:$0x1] =	stream.indirect_vreg.gather [hbm4b:s5+s2], $0x80, v3, vm0, $0xb8;
	[tilespmem:$0x10800] =	vst v63  }
0xef: {  	s12 =	simm.s32 $0x10000  }
0xf0: {  	[tilespmem:s12], [sflag:$0x1] =	stream.indirect_vreg.gather [hbm4b:s6+s2], $0x80, v3, vm0, $0xb8;
	[tilespmem:$0x10800] =	vst v63  }
0xf1: {  	s22 =	rddreg [dreg:$0x8]  }
0xf2: {  	[hbm4b:s22+s2] =	stream.linear.scatter [tilespmem:s23], [sflag:$0x2], $0x4000, $0x38;
	[tilespmem:$0x10800] =	vst v63  }
0xf3: {  	s15 =	rddreg [dreg:$0x9]  }
0xf4: {  	[hbm4b:s15+s2] =	stream.linear.scatter [tilespmem:s17], [sflag:$0x2], $0x4000, $0x38;
	[tilespmem:$0x10800] =	vst v63  }
0xf5: {  	_ =	swait.ge [sflag:s25], $0x4000  }
0xf6: {  	[sflag:s25] =	ssyncset.done $0x0  }
0xf7: {  	[sflag:s25] =	ssyncadd.s32 $0xFFFFC000  }
0xf8: {  	_ =	swait.ge [sflag:s25], $0x4000  }
0xf9: {  	[sflag:s25] =	ssyncset.done $0x0  }
0xfa: {  	[sflag:s25] =	ssyncadd.s32 $0xFFFFC000  }
0xfb: {  	_ =	swait.ge [sflag:s20], $0x4000  }
0xfc: {  	[sflag:s20] =	ssyncset.done $0x0  }
0xfd: {  	[sflag:s20] =	ssyncadd.s32 $0xFFFFC000  }
0xfe: {  	_ =	swait.ge [sflag:s20], $0x4000  }
0xff: {  	[sflag:s20] =	ssyncset.done $0x0  }
0x100: {  	[sflag:s20] =	ssyncadd.s32 $0xFFFFC000  }
0x101: {  	v3 =	vld [tilespmem:$0x200];
	_ =	sdelay $0x4  }
0x102: {  	v56 =	vshll.u32 v3, $0x3  }
0x103: {  	v3 =	vand.u32 $0x7, v3;
	v4 =	vand.u32 $0xFFFFFFC0, v56  }
0x104: {  	v3 =	vor.u32 v3, v4  }
0x105: {  	v4 =	vperm.xlane v3, v0;
	_ =	sdelay $0x1  }
0x106: {  	v4 =	vadd.s32 v1, v4;
	_ =	sdelay $0x4  }
0x107: {  	[tilespmem:s23], [sflag:$0x1] =	stream.indirect_vreg.gather [hbm4b:s3+s2], $0x80, v4, vm0, $0xb8;
	[tilespmem:$0x10800] =	vst v63  }
0x108: {  	s22 =	simm.s32 $0x1000;
	v3 =	vperm.xlane v3, v2  }
0x109: {  	[tilespmem:s22], [sflag:$0x1] =	stream.indirect_vreg.gather [hbm4b:s4+s2], $0x80, v4, vm0, $0xb8;
	[tilespmem:$0x10800] =	vst v63  }
0x10a: {  	v3 =	vadd.s32 v1, v3  }
0x10b: {  	[tilespmem:s8], [sflag:$0x1] =	stream.indirect_vreg.gather [hbm4b:s5+s2], $0x80, v4, vm0, $0xb8;
	[tilespmem:$0x10800] =	vst v63  }
0x10c: {  	_ = 	snop  }
0x10d: {  	[tilespmem:s9], [sflag:$0x1] =	stream.indirect_vreg.gather [hbm4b:s6+s2], $0x80, v4, vm0, $0xb8;
	[tilespmem:$0x10800] =	vst v63  }
0x10e: {  	s15 =	simm.s32 $0x2800  }
0x10f: {  	[tilespmem:s15], [sflag:$0x1] =	stream.indirect_vreg.gather [hbm4b:s3+s2], $0x80, v3, vm0, $0xb8;
	[tilespmem:$0x10800] =	vst v63  }
0x110: {  	s21 =	simm.s32 $0x3000  }
0x111: {  	[tilespmem:s21], [sflag:$0x1] =	stream.indirect_vreg.gather [hbm4b:s4+s2], $0x80, v3, vm0, $0xb8;
	[tilespmem:$0x10800] =	vst v63  }
0x112: {  	s22 =	simm.s32 $0x3800  }
0x113: {  	[tilespmem:s22], [sflag:$0x1] =	stream.indirect_vreg.gather [hbm4b:s5+s2], $0x80, v3, vm0, $0xb8;
	[tilespmem:$0x10800] =	vst v63  }
0x114: {  	s15 =	simm.s32 $0x4000  }
0x115: {  	[tilespmem:s15], [sflag:$0x1] =	stream.indirect_vreg.gather [hbm4b:s6+s2], $0x80, v3, vm0, $0xb8;
	[tilespmem:$0x10800] =	vst v63  }
0x116: {  	v3 =	vld [tilespmem:$0x600];
	_ =	sdelay $0x4  }
0x117: {  	v57 =	vshll.u32 v3, $0x3  }
0x118: {  	v3 =	vand.u32 $0x7, v3;
	v4 =	vand.u32 $0xFFFFFFC0, v57  }
0x119: {  	v3 =	vor.u32 v3, v4  }
0x11a: {  	v4 =	vperm.xlane v3, v0;
	_ =	sdelay $0x1  }
0x11b: {  	v4 =	vadd.s32 v1, v4;
	_ =	sdelay $0x4  }
0x11c: {  	[tilespmem:s17], [sflag:$0x1] =	stream.indirect_vreg.gather [hbm4b:s3+s2], $0x80, v4, vm0, $0xb8;
	[tilespmem:$0x10800] =	vst v63  }
0x11d: {  	s21 =	simm.s32 $0x9000;
	v3 =	vperm.xlane v3, v2  }
0x11e: {  	[tilespmem:s21], [sflag:$0x1] =	stream.indirect_vreg.gather [hbm4b:s4+s2], $0x80, v4, vm0, $0xb8;
	[tilespmem:$0x10800] =	vst v63  }
0x11f: {  	v3 =	vadd.s32 v1, v3  }
0x120: {  	[tilespmem:s10], [sflag:$0x1] =	stream.indirect_vreg.gather [hbm4b:s5+s2], $0x80, v4, vm0, $0xb8;
	[tilespmem:$0x10800] =	vst v63  }
0x121: {  	_ = 	snop  }
0x122: {  	[tilespmem:s30], [sflag:$0x1] =	stream.indirect_vreg.gather [hbm4b:s6+s2], $0x80, v4, vm0, $0xb8;
	[tilespmem:$0x10800] =	vst v63  }
0x123: {  	_ = 	snop  }
0x124: {  	[tilespmem:s16], [sflag:$0x1] =	stream.indirect_vreg.gather [hbm4b:s3+s2], $0x80, v3, vm0, $0xb8;
	[tilespmem:$0x10800] =	vst v63  }
0x125: {  	_ = 	snop  }
0x126: {  	[tilespmem:s18], [sflag:$0x1] =	stream.indirect_vreg.gather [hbm4b:s4+s2], $0x80, v3, vm0, $0xb8;
	[tilespmem:$0x10800] =	vst v63  }
0x127: {  	_ = 	snop  }
0x128: {  	[tilespmem:s19], [sflag:$0x1] =	stream.indirect_vreg.gather [hbm4b:s5+s2], $0x80, v3, vm0, $0xb8;
	[tilespmem:$0x10800] =	vst v63  }
0x129: {  	s30 =	simm.s32 $0xC000  }
0x12a: {  	[tilespmem:s30], [sflag:$0x1] =	stream.indirect_vreg.gather [hbm4b:s6+s2], $0x80, v3, vm0, $0xb8;
	[tilespmem:$0x10800] =	vst v63  }
0x12b: {  	s22 =	rddreg [dreg:$0xa]  }
0x12c: {  	[hbm4b:s22+s2] =	stream.linear.scatter [tilespmem:s26], [sflag:$0x2], $0x4000, $0x38;
	[tilespmem:$0x10800] =	vst v63  }
0x12d: {  	s12 =	rddreg [dreg:$0xb]  }
0x12e: {  	[hbm4b:s12+s2] =	stream.linear.scatter [tilespmem:s11], [sflag:$0x2], $0x4000, $0x38;
	[tilespmem:$0x10800] =	vst v63  }
0x12f: {  	_ =	swait.ge [sflag:s25], $0x4000  }
0x130: {  	[sflag:s25] =	ssyncset.done $0x0  }
0x131: {  	[sflag:s25] =	ssyncadd.s32 $0xFFFFC000  }
0x132: {  	_ =	swait.ge [sflag:s25], $0x4000  }
0x133: {  	[sflag:s25] =	ssyncset.done $0x0  }
0x134: {  	[sflag:s25] =	ssyncadd.s32 $0xFFFFC000  }
0x135: {  	_ =	swait.ge [sflag:s20], $0x4000  }
0x136: {  	[sflag:s20] =	ssyncset.done $0x0  }
0x137: {  	[sflag:s20] =	ssyncadd.s32 $0xFFFFC000  }
0x138: {  	_ =	swait.ge [sflag:s20], $0x4000  }
0x139: {  	[sflag:s20] =	ssyncset.done $0x0  }
0x13a: {  	[sflag:s20] =	ssyncadd.s32 $0xFFFFC000  }
0x13b: {  	v3 =	vld [tilespmem:$0x280];
	_ =	sdelay $0x4  }
0x13c: {  	v58 =	vshll.u32 v3, $0x3  }
0x13d: {  	v3 =	vand.u32 $0x7, v3;
	v4 =	vand.u32 $0xFFFFFFC0, v58  }
0x13e: {  	v3 =	vor.u32 v3, v4  }
0x13f: {  	v4 =	vperm.xlane v3, v0;
	_ =	sdelay $0x1  }
0x140: {  	v4 =	vadd.s32 v1, v4;
	_ =	sdelay $0x4  }
0x141: {  	[tilespmem:s26], [sflag:$0x1] =	stream.indirect_vreg.gather [hbm4b:s3+s2], $0x80, v4, vm0, $0xb8;
	[tilespmem:$0x10800] =	vst v63  }
0x142: {  	v3 =	vperm.xlane v3, v2  }
0x143: {  	[tilespmem:s1], [sflag:$0x1] =	stream.indirect_vreg.gather [hbm4b:s4+s2], $0x80, v4, vm0, $0xb8;
	[tilespmem:$0x10800] =	vst v63  }
0x144: {  	v3 =	vadd.s32 v1, v3  }
0x145: {  	[tilespmem:s0], [sflag:$0x1] =	stream.indirect_vreg.gather [hbm4b:s5+s2], $0x80, v4, vm0, $0xb8;
	[tilespmem:$0x10800] =	vst v63  }
0x146: {  	s29 =	simm.s32 $0x6000  }
0x147: {  	[tilespmem:s29], [sflag:$0x1] =	stream.indirect_vreg.gather [hbm4b:s6+s2], $0x80, v4, vm0, $0xb8;
	[tilespmem:$0x10800] =	vst v63  }
0x148: {  	s24 =	simm.s32 $0x6800  }
0x149: {  	[tilespmem:s24], [sflag:$0x1] =	stream.indirect_vreg.gather [hbm4b:s3+s2], $0x80, v3, vm0, $0xb8;
	[tilespmem:$0x10800] =	vst v63  }
0x14a: {  	s28 =	simm.s32 $0x7000  }
0x14b: {  	[tilespmem:s28], [sflag:$0x1] =	stream.indirect_vreg.gather [hbm4b:s4+s2], $0x80, v3, vm0, $0xb8;
	[tilespmem:$0x10800] =	vst v63  }
0x14c: {  	s31 =	simm.s32 $0x7800  }
0x14d: {  	[tilespmem:s31], [sflag:$0x1] =	stream.indirect_vreg.gather [hbm4b:s5+s2], $0x80, v3, vm0, $0xb8;
	[tilespmem:$0x10800] =	vst v63  }
0x14e: {  	s30 =	simm.s32 $0x8000  }
0x14f: {  	[tilespmem:s30], [sflag:$0x1] =	stream.indirect_vreg.gather [hbm4b:s6+s2], $0x80, v3, vm0, $0xb8;
	[tilespmem:$0x10800] =	vst v63  }
0x150: {  	v3 =	vld [tilespmem:$0x680];
	_ =	sdelay $0x4  }
0x151: {  	v59 =	vshll.u32 v3, $0x3  }
0x152: {  	v3 =	vand.u32 $0x7, v3;
	v4 =	vand.u32 $0xFFFFFFC0, v59  }
0x153: {  	v3 =	vor.u32 v3, v4  }
0x154: {  	v4 =	vperm.xlane v3, v0;
	_ =	sdelay $0x1  }
0x155: {  	v4 =	vadd.s32 v1, v4;
	_ =	sdelay $0x4  }
0x156: {  	[tilespmem:s11], [sflag:$0x1] =	stream.indirect_vreg.gather [hbm4b:s3+s2], $0x80, v4, vm0, $0xb8;
	[tilespmem:$0x10800] =	vst v63  }
0x157: {  	s31 =	simm.s32 $0xD000;
	v3 =	vperm.xlane v3, v2  }
0x158: {  	[tilespmem:s31], [sflag:$0x1] =	stream.indirect_vreg.gather [hbm4b:s4+s2], $0x80, v4, vm0, $0xb8;
	[tilespmem:$0x10800] =	vst v63  }
0x159: {  	s13 =	simm.s32 $0xD800;
	v3 =	vadd.s32 v1, v3  }
0x15a: {  	[tilespmem:s13], [sflag:$0x1] =	stream.indirect_vreg.gather [hbm4b:s5+s2], $0x80, v4, vm0, $0xb8;
	[tilespmem:$0x10800] =	vst v63  }
0x15b: {  	s14 =	simm.s32 $0xE000  }
0x15c: {  	[tilespmem:s14], [sflag:$0x1] =	stream.indirect_vreg.gather [hbm4b:s6+s2], $0x80, v4, vm0, $0xb8;
	[tilespmem:$0x10800] =	vst v63  }
0x15d: {  	s22 =	simm.s32 $0xE800  }
0x15e: {  	[tilespmem:s22], [sflag:$0x1] =	stream.indirect_vreg.gather [hbm4b:s3+s2], $0x80, v3, vm0, $0xb8;
	[tilespmem:$0x10800] =	vst v63  }
0x15f: {  	s31 =	simm.s32 $0xF000  }
0x160: {  	[tilespmem:s31], [sflag:$0x1] =	stream.indirect_vreg.gather [hbm4b:s4+s2], $0x80, v3, vm0, $0xb8;
	[tilespmem:$0x10800] =	vst v63  }
0x161: {  	s22 =	simm.s32 $0xF800  }
0x162: {  	[tilespmem:s22], [sflag:$0x1] =	stream.indirect_vreg.gather [hbm4b:s5+s2], $0x80, v3, vm0, $0xb8;
	[tilespmem:$0x10800] =	vst v63  }
0x163: {  	s22 =	simm.s32 $0x10000  }
0x164: {  	[tilespmem:s22], [sflag:$0x1] =	stream.indirect_vreg.gather [hbm4b:s6+s2], $0x80, v3, vm0, $0xb8;
	[tilespmem:$0x10800] =	vst v63  }
0x165: {  	s21 =	rddreg [dreg:$0xc]  }
0x166: {  	[hbm4b:s21+s2] =	stream.linear.scatter [tilespmem:s23], [sflag:$0x2], $0x4000, $0x38;
	[tilespmem:$0x10800] =	vst v63  }
0x167: {  	s22 =	rddreg [dreg:$0xd]  }
0x168: {  	[hbm4b:s22+s2] =	stream.linear.scatter [tilespmem:s17], [sflag:$0x2], $0x4000, $0x38;
	[tilespmem:$0x10800] =	vst v63  }
0x169: {  	_ =	swait.ge [sflag:s25], $0x4000  }
0x16a: {  	[sflag:s25] =	ssyncset.done $0x0  }
0x16b: {  	[sflag:s25] =	ssyncadd.s32 $0xFFFFC000  }
0x16c: {  	_ =	swait.ge [sflag:s25], $0x4000  }
0x16d: {  	[sflag:s25] =	ssyncset.done $0x0  }
0x16e: {  	[sflag:s25] =	ssyncadd.s32 $0xFFFFC000  }
0x16f: {  	_ =	swait.ge [sflag:s20], $0x4000  }
0x170: {  	[sflag:s20] =	ssyncset.done $0x0  }
0x171: {  	[sflag:s20] =	ssyncadd.s32 $0xFFFFC000  }
0x172: {  	_ =	swait.ge [sflag:s20], $0x4000  }
0x173: {  	[sflag:s20] =	ssyncset.done $0x0  }
0x174: {  	[sflag:s20] =	ssyncadd.s32 $0xFFFFC000  }
0x175: {  	v3 =	vld [tilespmem:$0x300];
	_ =	sdelay $0x4  }
0x176: {  	v60 =	vshll.u32 v3, $0x3  }
0x177: {  	v3 =	vand.u32 $0x7, v3;
	v4 =	vand.u32 $0xFFFFFFC0, v60  }
0x178: {  	v3 =	vor.u32 v3, v4  }
0x179: {  	v4 =	vperm.xlane v3, v0;
	_ =	sdelay $0x1  }
0x17a: {  	v4 =	vadd.s32 v1, v4;
	_ =	sdelay $0x4  }
0x17b: {  	[tilespmem:s23], [sflag:$0x1] =	stream.indirect_vreg.gather [hbm4b:s3+s2], $0x80, v4, vm0, $0xb8;
	[tilespmem:$0x10800] =	vst v63  }
0x17c: {  	s22 =	simm.s32 $0x1000;
	v3 =	vperm.xlane v3, v2  }
0x17d: {  	[tilespmem:s22], [sflag:$0x1] =	stream.indirect_vreg.gather [hbm4b:s4+s2], $0x80, v4, vm0, $0xb8;
	[tilespmem:$0x10800] =	vst v63  }
0x17e: {  	s8 =	simm.s32 $0x1800;
	v3 =	vadd.s32 v1, v3  }
0x17f: {  	[tilespmem:s8], [sflag:$0x1] =	stream.indirect_vreg.gather [hbm4b:s5+s2], $0x80, v4, vm0, $0xb8;
	[tilespmem:$0x10800] =	vst v63  }
0x180: {  	s9 =	simm.s32 $0x2000  }
0x181: {  	[tilespmem:s9], [sflag:$0x1] =	stream.indirect_vreg.gather [hbm4b:s6+s2], $0x80, v4, vm0, $0xb8;
	[tilespmem:$0x10800] =	vst v63  }
0x182: {  	s22 =	simm.s32 $0x2800  }
0x183: {  	[tilespmem:s22], [sflag:$0x1] =	stream.indirect_vreg.gather [hbm4b:s3+s2], $0x80, v3, vm0, $0xb8;
	[tilespmem:$0x10800] =	vst v63  }
0x184: {  	s9 =	simm.s32 $0x3000  }
0x185: {  	[tilespmem:s9], [sflag:$0x1] =	stream.indirect_vreg.gather [hbm4b:s4+s2], $0x80, v3, vm0, $0xb8;
	[tilespmem:$0x10800] =	vst v63  }
0x186: {  	s21 =	simm.s32 $0x3800  }
0x187: {  	[tilespmem:s21], [sflag:$0x1] =	stream.indirect_vreg.gather [hbm4b:s5+s2], $0x80, v3, vm0, $0xb8;
	[tilespmem:$0x10800] =	vst v63  }
0x188: {  	s22 =	simm.s32 $0x4000  }
0x189: {  	[tilespmem:s22], [sflag:$0x1] =	stream.indirect_vreg.gather [hbm4b:s6+s2], $0x80, v3, vm0, $0xb8;
	[tilespmem:$0x10800] =	vst v63  }
0x18a: {  	v3 =	vld [tilespmem:$0x700];
	_ =	sdelay $0x4  }
0x18b: {  	v61 =	vshll.u32 v3, $0x3  }
0x18c: {  	v3 =	vand.u32 $0x7, v3;
	v4 =	vand.u32 $0xFFFFFFC0, v61  }
0x18d: {  	v3 =	vor.u32 v3, v4  }
0x18e: {  	v4 =	vperm.xlane v3, v0;
	_ =	sdelay $0x1  }
0x18f: {  	v4 =	vadd.s32 v1, v4;
	_ =	sdelay $0x4  }
0x190: {  	[tilespmem:s17], [sflag:$0x1] =	stream.indirect_vreg.gather [hbm4b:s3+s2], $0x80, v4, vm0, $0xb8;
	[tilespmem:$0x10800] =	vst v63  }
0x191: {  	s9 =	simm.s32 $0x9000;
	v3 =	vperm.xlane v3, v2  }
0x192: {  	[tilespmem:s9], [sflag:$0x1] =	stream.indirect_vreg.gather [hbm4b:s4+s2], $0x80, v4, vm0, $0xb8;
	[tilespmem:$0x10800] =	vst v63  }
0x193: {  	s10 =	simm.s32 $0x9800;
	v3 =	vadd.s32 v1, v3  }
0x194: {  	[tilespmem:s10], [sflag:$0x1] =	stream.indirect_vreg.gather [hbm4b:s5+s2], $0x80, v4, vm0, $0xb8;
	[tilespmem:$0x10800] =	vst v63  }
0x195: {  	s15 =	simm.s32 $0xA000  }
0x196: {  	[tilespmem:s15], [sflag:$0x1] =	stream.indirect_vreg.gather [hbm4b:s6+s2], $0x80, v4, vm0, $0xb8;
	[tilespmem:$0x10800] =	vst v63  }
0x197: {  	s16 =	simm.s32 $0xA800  }
0x198: {  	[tilespmem:s16], [sflag:$0x1] =	stream.indirect_vreg.gather [hbm4b:s3+s2], $0x80, v3, vm0, $0xb8;
	[tilespmem:$0x10800] =	vst v63  }
0x199: {  	s18 =	simm.s32 $0xB000  }
0x19a: {  	[tilespmem:s18], [sflag:$0x1] =	stream.indirect_vreg.gather [hbm4b:s4+s2], $0x80, v3, vm0, $0xb8;
	[tilespmem:$0x10800] =	vst v63  }
0x19b: {  	s19 =	simm.s32 $0xB800  }
0x19c: {  	[tilespmem:s19], [sflag:$0x1] =	stream.indirect_vreg.gather [hbm4b:s5+s2], $0x80, v3, vm0, $0xb8;
	[tilespmem:$0x10800] =	vst v63  }
0x19d: {  	s16 =	simm.s32 $0xC000  }
0x19e: {  	[tilespmem:s16], [sflag:$0x1] =	stream.indirect_vreg.gather [hbm4b:s6+s2], $0x80, v3, vm0, $0xb8;
	[tilespmem:$0x10800] =	vst v63  }
0x19f: {  	s15 =	rddreg [dreg:$0xe]  }
0x1a0: {  	[hbm4b:s15+s2] =	stream.linear.scatter [tilespmem:s26], [sflag:$0x2], $0x4000, $0x38;
	[tilespmem:$0x10800] =	vst v63  }
0x1a1: {  	s18 =	rddreg [dreg:$0xf]  }
0x1a2: {  	[hbm4b:s18+s2] =	stream.linear.scatter [tilespmem:s11], [sflag:$0x2], $0x4000, $0x38;
	[tilespmem:$0x10800] =	vst v63  }
0x1a3: {  	_ =	swait.ge [sflag:s25], $0x4000  }
0x1a4: {  	[sflag:s25] =	ssyncset.done $0x0  }
0x1a5: {  	[sflag:s25] =	ssyncadd.s32 $0xFFFFC000  }
0x1a6: {  	_ =	swait.ge [sflag:s25], $0x4000  }
0x1a7: {  	[sflag:s25] =	ssyncset.done $0x0  }
0x1a8: {  	[sflag:s25] =	ssyncadd.s32 $0xFFFFC000  }
0x1a9: {  	_ =	swait.ge [sflag:s20], $0x4000  }
0x1aa: {  	[sflag:s20] =	ssyncset.done $0x0  }
0x1ab: {  	[sflag:s20] =	ssyncadd.s32 $0xFFFFC000  }
0x1ac: {  	_ =	swait.ge [sflag:s20], $0x4000  }
0x1ad: {  	[sflag:s20] =	ssyncset.done $0x0  }
0x1ae: {  	[sflag:s20] =	ssyncadd.s32 $0xFFFFC000  }
0x1af: {  	v3 =	vld [tilespmem:$0x380];
	_ =	sdelay $0x4  }
0x1b0: {  	v62 =	vshll.u32 v3, $0x3  }
0x1b1: {  	v3 =	vand.u32 $0x7, v3;
	v4 =	vand.u32 $0xFFFFFFC0, v62  }
0x1b2: {  	v3 =	vor.u32 v3, v4  }
0x1b3: {  	v4 =	vperm.xlane v3, v0;
	_ =	sdelay $0x1  }
0x1b4: {  	v4 =	vadd.s32 v1, v4;
	_ =	sdelay $0x4  }
0x1b5: {  	[tilespmem:s26], [sflag:$0x1] =	stream.indirect_vreg.gather [hbm4b:s3+s2], $0x80, v4, vm0, $0xb8;
	[tilespmem:$0x10800] =	vst v63  }
0x1b6: {  	s1 =	simm.s32 $0x5000;
	v3 =	vperm.xlane v3, v2  }
0x1b7: {  	[tilespmem:s1], [sflag:$0x1] =	stream.indirect_vreg.gather [hbm4b:s4+s2], $0x80, v4, vm0, $0xb8;
	[tilespmem:$0x10800] =	vst v63  }
0x1b8: {  	s0 =	simm.s32 $0x5800;
	v3 =	vadd.s32 v1, v3  }
0x1b9: {  	[tilespmem:s0], [sflag:$0x1] =	stream.indirect_vreg.gather [hbm4b:s5+s2], $0x80, v4, vm0, $0xb8;
	[tilespmem:$0x10800] =	vst v63  }
0x1ba: {  	s12 =	simm.s32 $0x6000  }
0x1bb: {  	[tilespmem:s12], [sflag:$0x1] =	stream.indirect_vreg.gather [hbm4b:s6+s2], $0x80, v4, vm0, $0xb8;
	[tilespmem:$0x10800] =	vst v63  }
0x1bc: {  	s29 =	simm.s32 $0x6800  }
0x1bd: {  	[tilespmem:s29], [sflag:$0x1] =	stream.indirect_vreg.gather [hbm4b:s3+s2], $0x80, v3, vm0, $0xb8;
	[tilespmem:$0x10800] =	vst v63  }
0x1be: {  	s24 =	simm.s32 $0x7000  }
0x1bf: {  	[tilespmem:s24], [sflag:$0x1] =	stream.indirect_vreg.gather [hbm4b:s4+s2], $0x80, v3, vm0, $0xb8;
	[tilespmem:$0x10800] =	vst v63  }
0x1c0: {  	s28 =	simm.s32 $0x7800  }
0x1c1: {  	[tilespmem:s28], [sflag:$0x1] =	stream.indirect_vreg.gather [hbm4b:s5+s2], $0x80, v3, vm0, $0xb8;
	[tilespmem:$0x10800] =	vst v63  }
0x1c2: {  	s19 =	simm.s32 $0x8000  }
0x1c3: {  	[tilespmem:s19], [sflag:$0x1] =	stream.indirect_vreg.gather [hbm4b:s6+s2], $0x80, v3, vm0, $0xb8;
	[tilespmem:$0x10800] =	vst v63  }
0x1c4: {  	v3 =	vld [tilespmem:$0x780];
	_ =	sdelay $0x4  }
0x1c5: {  	v63 =	vshll.u32 v3, $0x3  }
0x1c6: {  	v3 =	vand.u32 $0x7, v3;
	v4 =	vand.u32 $0xFFFFFFC0, v63  }
0x1c7: {  	v3 =	vor.u32 v3, v4  }
0x1c8: {  	v4 =	vperm.xlane v3, v0;
	_ =	sdelay $0x1  }
0x1c9: {  	v4 =	vadd.s32 v1, v4;
	_ =	sdelay $0x4  }
0x1ca: {  	[tilespmem:s11], [sflag:$0x1] =	stream.indirect_vreg.gather [hbm4b:s3+s2], $0x80, v4, vm0, $0xb8;
	[tilespmem:$0x10800] =	vst v63  }
0x1cb: {  	s21 =	simm.s32 $0xD000;
	v3 =	vperm.xlane v3, v2  }
0x1cc: {  	[tilespmem:s21], [sflag:$0x1] =	stream.indirect_vreg.gather [hbm4b:s4+s2], $0x80, v4, vm0, $0xb8;
	[tilespmem:$0x10800] =	vst v63  }
0x1cd: {  	s30 =	simm.s32 $0xD800;
	v3 =	vadd.s32 v1, v3  }
0x1ce: {  	[tilespmem:s30], [sflag:$0x1] =	stream.indirect_vreg.gather [hbm4b:s5+s2], $0x80, v4, vm0, $0xb8;
	[tilespmem:$0x10800] =	vst v63  }
0x1cf: {  	s13 =	simm.s32 $0xE000  }
0x1d0: {  	[tilespmem:s13], [sflag:$0x1] =	stream.indirect_vreg.gather [hbm4b:s6+s2], $0x80, v4, vm0, $0xb8;
	[tilespmem:$0x10800] =	vst v63  }
0x1d1: {  	s14 =	simm.s32 $0xE800  }
0x1d2: {  	[tilespmem:s14], [sflag:$0x1] =	stream.indirect_vreg.gather [hbm4b:s3+s2], $0x80, v3, vm0, $0xb8;
	[tilespmem:$0x10800] =	vst v63  }
0x1d3: {  	s31 =	simm.s32 $0xF000  }
0x1d4: {  	[tilespmem:s31], [sflag:$0x1] =	stream.indirect_vreg.gather [hbm4b:s4+s2], $0x80, v3, vm0, $0xb8;
	[tilespmem:$0x10800] =	vst v63  }
0x1d5: {  	s22 =	simm.s32 $0xF800  }
0x1d6: {  	[tilespmem:s22], [sflag:$0x1] =	stream.indirect_vreg.gather [hbm4b:s5+s2], $0x80, v3, vm0, $0xb8;
	[tilespmem:$0x10800] =	vst v63  }
0x1d7: {  	s28 =	simm.s32 $0x10000  }
0x1d8: {  	[tilespmem:s28], [sflag:$0x1] =	stream.indirect_vreg.gather [hbm4b:s6+s2], $0x80, v3, vm0, $0xb8;
	[tilespmem:$0x10800] =	vst v63  }
0x1d9: {  	s24 =	rddreg [dreg:$0x10]  }
0x1da: {  	[hbm4b:s24+s2] =	stream.linear.scatter [tilespmem:s23], [sflag:$0x2], $0x4000, $0x38;
	[tilespmem:$0x10800] =	vst v63  }
0x1db: {  	s29 =	rddreg [dreg:$0x11]  }
0x1dc: {  	[hbm4b:s29+s2] =	stream.linear.scatter [tilespmem:s17], [sflag:$0x2], $0x4000, $0x38;
	[tilespmem:$0x10800] =	vst v63  }
0x1dd: {  	_ =	swait.ge [sflag:s25], $0x4000  }
0x1de: {  	[sflag:s25] =	ssyncset.done $0x0  }
0x1df: {  	[sflag:s25] =	ssyncadd.s32 $0xFFFFC000  }
0x1e0: {  	_ =	swait.ge [sflag:s25], $0x4000  }
0x1e1: {  	[sflag:s25] =	ssyncset.done $0x0  }
0x1e2: {  	[sflag:s25] =	ssyncadd.s32 $0xFFFFC000  }
0x1e3: {  	_ =	swait.ge [sflag:s20], $0x4000  }
0x1e4: {  	[sflag:s20] =	ssyncset.done $0x0  }
0x1e5: {  	[sflag:s20] =	ssyncadd.s32 $0xFFFFC000  }
0x1e6: {  	_ =	swait.ge [sflag:s20], $0x4000  }
0x1e7: {  	[sflag:s20] =	ssyncset.done $0x0  }
0x1e8: {  	s30 =	rddreg [dreg:$0x12];
	[sflag:s20] =	ssyncadd.s32 $0xFFFFC000  }
0x1e9: {  	[hbm4b:s30+s2] =	stream.linear.scatter [tilespmem:s26], [sflag:$0x2], $0x4000, $0x38;
	[tilespmem:$0x10800] =	vst v63  }
0x1ea: {  	s31 =	rddreg [dreg:$0x13]  }
0x1eb: {  	[hbm4b:s31+s2] =	stream.linear.scatter [tilespmem:s11], [sflag:$0x2], $0x4000, $0x38;
	[tilespmem:$0x10800] =	vst v63  }
0x1ec: {  	p0 =	sne.s32 s7, $0x1;
	_ =	swait.ge [sflag:s20], $0x4000  }
.Ltmp0:
0x1ed: {  	[sflag:s20] =	ssyncset.done $0x0;
	(pc) =	sbr.rel @p0 .LBB2_1-.Ltmp0, $4  }
0x1ee: {  	[sflag:s20] =	ssyncadd.s32 $0xFFFFC000  }
0x1ef: {  	_ =	swait.ge [sflag:s20], $0x4000  }
0x1f0: {  	[sflag:s20] =	ssyncset.done $0x0  }
0x1f1: {  	s7 =	sadd.s32 $0xFFFFFFFF, s7;
	[sflag:s20] =	ssyncadd.s32 $0xFFFFC000  }
0x1f2: {  	_ =	sfence.sel $0x180000  }
0x1f3: {  	[bflag:$0x0] =	sbarrier.arrive $0xFFFF  }
0x1f4: {  	_ =	strace $0x9000004A  }
0x1f5: {  	s0 =	stileid.u32;
	[bflag:$0x2] =	sbarrier.arrive $0xFFFF  }
0x1f6: {  	p0 =	sne.s32 s0, $0x0;
	s0 =	rddreg [dreg:$0x1]  }
0x1f7: {  	s0 =	sadd.s32 @!p0 $0x100000, s0  }
0x1f8: {  	[sflag:s0] =	ssyncadd.tile.s32 @!p0 $0x1;
	_ =	shalt  }
.Lfunc_end2:
_tile_overlayer_lowered:
.L_overlay_start_2:
0x1f9: {  	(tag) =	ssettag $0x2  }
0x1fa: {  	s0 =	rddreg [dreg:$0x0];
	s2 =	stileid.u32  }
0x1fb: {  	s1 =	rddreg [dreg:$0x1];
	p0 =	sne.s32 s2, $0x0  }
0x1fc: {  	s3 =	rddreg [dreg:$0x2];
	[bflag:$0x3] =	sbarrier.arrive $0xFFFF;
	s2 =	simm.s32 @!p0 $0x1C03  }
0x1fd: {  	[timem:s3], [sflag:s2] =	dma.local @!p0 [hbm:s0], s1  }
0x1fe: {  	s0 =	simm.s32 @!p0 $0x3  }
0x1ff: {  	_ =	swait.ge @!p0 [sflag:s0], s1  }
0x200: {  	s1 =	ssub.s32 @!p0 $0x0, s1;
	[sflag:s0] =	ssyncset.done @!p0 $0x0  }
0x201: {  	[sflag:s0] =	ssyncadd.s32 @!p0 s1  }
0x202: {  	[bflag:$0x3] =	sbarrier.arrive $0xFFFF  }
0x203: {  	_ =	shalt  }

// kernel: kernel.8.cloned.1.call-start
scs
__scs_entry_jumppad:
0x0: {  	(pc) =	sbr.rel $0x88, $3  }
0x1: {  	(tag) =	ssettag $0x0;
	lr =	simm.s32 $0x1  }
0x2: {  	[smem:$0x3F98] =	sst lr;
	_ =	strace $0xD0000000  }
0x3: {  	_ = 	snop  }
0x4: {  	_ = 	snop  }
0x5: {  	_ = 	snop  }
0x6: {  	_ = 	snop  }
0x7: {  	_ = 	snop  }
__scs_overlays_trampoline_lowered:
0x8: {  	[smem:$0x3FA7] =	sst s0  }
0x9: {  	[smem:$0x3FA8] =	sst s1  }
0xa: {  	[smem:$0x3FA9] =	sst s2  }
0xb: {  	[smem:$0x3FAA] =	sst s3  }
0xc: {  	[smem:$0x3FAB] =	sst s4  }
0xd: {  	[smem:$0x3FAC] =	sst s5  }
0xe: {  	[smem:$0x3FAD] =	sst s6  }
0xf: {  	[smem:$0x3FAE] =	sst s7  }
0x10: {  	[smem:$0x3FAF] =	sst s8  }
0x11: {  	[smem:$0x3FB0] =	sst s9;
	s0 =	simm.s32 @!p0 $0x0  }
0x12: {  	s1 =	sld [smem:$0x3F96];
	s0 =	simm.s32 @p0 $0x1  }
0x13: {  	[smem:$0x3FB1] =	sst s0;
	s0 =	simm.s32 @!p1 $0x0  }
0x14: {  	s2 =	sld [smem:$0x3F95];
	s0 =	simm.s32 @p1 $0x1  }
0x15: {  	[smem:$0x3FB2] =	sst s0;
	s0 =	simm.s32 @!p2 $0x0  }
0x16: {  	s3 =	sld [smem:$0x3FDB];
	s0 =	simm.s32 @p2 $0x1  }
0x17: {  	s4 =	simm.s32 $0x1BF5;
	[smem:$0x3FB4] =	sst s0  }
0x18: {  	s0 =	sld [smem:$0x3F97];
	_ =	swait.ge [sflag:s4], $0x0  }
0x19: {  	s7 =	sld [smem:$0x3F98]  }
0x1a: {  	s8 =	sadd.s32 $0xFFFFE003, lr  }
0x1b: {  	s9 =	sadd.s32 $0xFFFFFEF7, lr;
	s5 =	simm.s32 $0xFFFFFFFF;
	p2 =	slt.u32 s8, $0xFFFFF086  }
0x1c: {  	p1 =	slt.u32 s9, $0xF7A;
	s5 =	simm.s32 @!p2 $0x0  }
0x1d: {  	s5 =	simm.s32 @p1 $0x1;
	p0 =	seq.s32 s7, s2  }
0x1e: {  	s7 =	smul.u32 @!p0 $0xF7A, s2;
	p2 =	seq.s32 @!p0 s5, $0x0  }
0x1f: {  	s9 =	smul.u32 $0xF7A, s1;
	s8 =	simm.s32 @!p0 $0x1BF5;
	p2 =	por !p2, p0  }
0x20: {  	[sflag:s8] =	ssyncset.s32 @!p0 $0xFFFFF086;
	s6 =	sadd.s32 @!p0 s3, s7;
	s7 =	simm.s32 @!p0 $0x108  }
0x21: {  	s3 =	sadd.s32 s3, s9;
	s6 =	sadd.s32 @!p0 $0x88, s6;
	s7 =	simm.s32 @p2 $0x1082  }
0x22: {  	[simem:s7], [sflag:s8] =	dma.local @!p0 [hbm:s6], $0xF7A  }
0x23: {  	s9 =	sor.u32 $0xD0000000, s2;
	s6 =	simm.s32 $0x108;
	_ =	swait.ge @!p0 [sflag:s8], $0x0  }
0x24: {  	s3 =	sadd.s32 $0x88, s3;
	s6 =	simm.s32 @!p1 $0x1082;
	[sflag:s4] =	ssyncset.s32 $0xFFFFF086  }
0x25: {  	[simem:s6], [sflag:s4] =	dma.local [hbm:s3], $0xF7A  }
0x26: {  	[smem:$0x3F98] =	sst s1;
	(tag) =	ssettag s2;
	_ =	strace s9  }
0x27: {  	s1 =	sld [smem:$0x3FA8]  }
0x28: {  	s2 =	sld [smem:$0x3FA9]  }
0x29: {  	s4 =	sld [smem:$0x3FAB]  }
0x2a: {  	p0 =	seq.s32 s5, $0x0;
	s5 =	sld [smem:$0x3FAC]  }
0x2b: {  	s6 =	sld [smem:$0x3FAD]  }
0x2c: {  	s7 =	sld [smem:$0x3FAE]  }
0x2d: {  	s3 =	simm.s32 $0x108;
	s8 =	sld [smem:$0x3FAF]  }
0x2e: {  	s3 =	simm.s32 @!p0 $0x1082;
	s9 =	sld [smem:$0x3FB0]  }
0x2f: {  	lr =	sadd.s32 s0, s3;
	s0 =	sld [smem:$0x3FA7]  }
0x30: {  	s3 =	sld [smem:$0x3FAA]  }
0x31: {  	[smem:$0x3FB3] =	sst s10  }
0x32: {  	s10 =	sld [smem:$0x3FB1];
	_ =	sdelay $0x3  }
0x33: {  	p0 =	seq.s32 s10, $0x1;
	s10 =	sld [smem:$0x3FB3];
	_ =	sdelay $0x3  }
0x34: {  	[smem:$0x3FB3] =	sst s10  }
0x35: {  	s10 =	sld [smem:$0x3FB2];
	_ =	sdelay $0x3  }
0x36: {  	p1 =	seq.s32 s10, $0x1;
	s10 =	sld [smem:$0x3FB3];
	_ =	sdelay $0x3  }
0x37: {  	[smem:$0x3FB3] =	sst s10  }
0x38: {  	s10 =	sld [smem:$0x3FB4]  }
0x39: {  	_ = 	snop;
	(pc) =	sbr.ind lr, $3  }
0x3a: {  	_ = 	snop  }
0x3b: {  	_ = 	snop  }
0x3c: {  	p2 =	seq.s32 s10, $0x1;
	s10 =	sld [smem:$0x3FB3]  }
0x3d: {  	_ =	shalt  }
0x3e: {  	_ =	shalt  }
0x3f: {  	_ =	shalt  }
0x40: {  	_ =	shalt  }
0x41: {  	_ =	shalt  }
0x42: {  	_ =	shalt  }
0x43: {  	_ =	shalt  }
0x44: {  	_ =	shalt  }
0x45: {  	_ =	shalt  }
0x46: {  	_ =	shalt  }
0x47: {  	_ =	shalt  }
0x48: {  	_ =	shalt  }
0x49: {  	_ =	shalt  }
0x4a: {  	_ =	shalt  }
0x4b: {  	_ =	shalt  }
0x4c: {  	_ =	shalt  }
0x4d: {  	_ =	shalt  }
0x4e: {  	_ =	shalt  }
0x4f: {  	_ =	shalt  }
0x50: {  	_ =	shalt  }
0x51: {  	_ =	shalt  }
0x52: {  	_ =	shalt  }
0x53: {  	_ =	shalt  }
0x54: {  	_ =	shalt  }
0x55: {  	_ =	shalt  }
0x56: {  	_ =	shalt  }
0x57: {  	_ =	shalt  }
0x58: {  	_ =	shalt  }
0x59: {  	_ =	shalt  }
0x5a: {  	_ =	shalt  }
0x5b: {  	_ =	shalt  }
0x5c: {  	_ =	shalt  }
0x5d: {  	_ =	shalt  }
0x5e: {  	_ =	shalt  }
0x5f: {  	_ =	shalt  }
0x60: {  	_ =	shalt  }
0x61: {  	_ =	shalt  }
0x62: {  	_ =	shalt  }
0x63: {  	_ =	shalt  }
0x64: {  	_ =	shalt  }
0x65: {  	_ =	shalt  }
0x66: {  	_ =	shalt  }
0x67: {  	_ =	shalt  }
0x68: {  	_ =	shalt  }
0x69: {  	_ =	shalt  }
0x6a: {  	_ =	shalt  }
0x6b: {  	_ =	shalt  }
0x6c: {  	_ =	shalt  }
0x6d: {  	_ =	shalt  }
0x6e: {  	_ =	shalt  }
0x6f: {  	_ =	shalt  }
0x70: {  	_ =	shalt  }
0x71: {  	_ =	shalt  }
0x72: {  	_ =	shalt  }
0x73: {  	_ =	shalt  }
0x74: {  	_ =	shalt  }
0x75: {  	_ =	shalt  }
0x76: {  	_ =	shalt  }
0x77: {  	_ =	shalt  }
0x78: {  	_ =	shalt  }
0x79: {  	_ =	shalt  }
0x7a: {  	_ =	shalt  }
0x7b: {  	_ =	shalt  }
0x7c: {  	_ =	shalt  }
0x7d: {  	_ =	shalt  }
0x7e: {  	_ =	shalt  }
0x7f: {  	_ =	shalt  }
0x80: {  	_ =	shalt  }
0x81: {  	_ =	shalt  }
0x82: {  	_ =	shalt  }
0x83: {  	_ =	shalt  }
0x84: {  	_ =	shalt  }
0x85: {  	_ =	shalt  }
0x86: {  	_ =	shalt  }
0x87: {  	_ =	shalt  }
.Lfunc_end0:
.L_simem_size_0:
called_computation_lowered:
.L_overlay_start_0:
0x88: {  	s2 =	sld [smem:$0x3FD9]  }
0x89: {  	s3 =	sld [smem:$0x3FFE];
	_ =	sdelay $0x1  }
0x8a: {  	s1 =	srdreg.scid  }
0x8b: {  	s0 =	sand.u32 $0x1, s1  }
0x8c: {  	s17 =	sshll.u32 s0, $0xA;
	s2 =	sadd.s32 s3, s2  }
0x8d: {  	s2 =	sadd.s32 s2, s17  }
0x8e: {  	[smem:$0x3FBF] =	sst s2  }
0x8f: {  	_ = 	snop  }
0x90: {  	s2 =	sld [smem:$0x3FC9];
	(tm) =	ssettm $0x1  }
0x91: {  	s18 =	sld [smem:$0x3FFB];
	_ =	sdelay $0x3  }
0x92: {  	_ =	strace s18  }
0x93: {  	s3 =	sld [smem:$0x3FFC];
	_ =	sdelay $0x3  }
0x94: {  	_ =	strace s3  }
0x95: {  	s3 =	sld [smem:$0x3FFD];
	_ =	sdelay $0x3  }
0x96: {  	_ =	strace s3  }
0x97: {  	_ =	strace $0x8FFFFFFF  }
0x98: {  	s19 =	sld [smem:$0x3FDB];
	_ =	sdelay $0x1  }
0x99: {  	s4 =	simm.s32 $_scs_section_size  }
0x9a: {  	s5 =	simm.s32 $_size__tile_overlayer_lowered;
	s6 =	simm.s32 $_tile_overlayer_lowered  }
0x9b: {  	s22 =	simm.s32 $0x1BFF;
	s21 =	sshll.u32 s6, $0x1;
	s3 =	sadd.s32 s4, s19  }
0x9c: {  	s7 =	simm.s32 $0x0;
	s20 =	sshll.u32 s5, $0x1;
	s5 =	sadd.s32 s21, s3  }
0x9d: {  	[timem:s7], [sflag:s22] =	dma.local [hbm:s5], s20  }
0x9e: {  	_ =	swait.ge [sflag:s22], s20  }
0x9f: {  	s4 =	ssub.s32 $0x0, s20;
	[sflag:s22] =	ssyncset.done $0x0  }
0xa0: {  	[sflag:s22] =	ssyncadd.s32 s4;
	_ =	sdelay $0x1  }
0xa1: {  	s23 =	simm.s32 $0x1B8B  }
0xa2: {  	_ =	swait.ge [sflag:s23], $0x1  }
0xa3: {  	[sflag:s23] =	ssyncset.done $0x0  }
0xa4: {  	s25 =	simm.s32 $0x1B8E;
	s24 =	sld [smem:$0x3FFE];
	[sflag:s23] =	ssyncadd.s32 $0xFFFFFFFF  }
0xa5: {  	s26 =	simm.s32 $execute0_lowered;
	[smem:$0x3FD2] =	sst s25  }
0xa6: {  	s5 =	sshll.u32 s26, $0x1;
	_ =	strace $0x80000046;
	[dreg:$0x1] =	wrdreg $0xFFFFFFFF  }
0xa7: {  	s28 =	simm.s32 $_size_execute0_lowered;
	s3 =	sadd.s32 s3, s5;
	[dreg:$0x0] =	wrdreg $0x0  }
0xa8: {  	s5 =	sshll.u32 s28, $0x1;
	[dreg:$0x2] =	wrdreg s3  }
0xa9: {  	[dreg:$0x3] =	wrdreg s5  }
0xaa: {  	[dreg:$0x4] =	wrdreg $0xC0  }
0xab: {  	_ =	task [dreg:s7], $0x5FFFF  }
0xac: {  	[dreg:$0x1] =	wrdreg $0xFFFFFFFF  }
0xad: {  	[dreg:$0x0] =	wrdreg $0x60  }
0xae: {  	[dreg:$0x2] =	wrdreg s2  }
0xaf: {  	[dreg:$0x3] =	wrdreg s24  }
0xb0: {  	[dreg:$0x4] =	wrdreg $0x9  }
0xb1: {  	_ =	task.clear_ibuf [dreg:s7], $0x5FFFF;
	_ =	strace $0x90000046  }
0xb2: {  	s29 =	simm.s32 $0x9;
	_ =	strace $0x80000048  }
0xb3: {  	_ =	swait.ge [sflag:s29], $0x1  }
0xb4: {  	[sflag:s29] =	ssyncadd.s32 $0xFFFFFFFF  }
0xb5: {  	_ =	strace $0x90000048  }
0xb6: {  	_ =	sfence  }
0xb7: {  	s30 =	sld [smem:$0x0];
	_ =	sdelay $0x2  }
0xb8: {  	s31 =	sshll.u32 s1, $0xD;
	s1 =	sshrl.u32 s1, $0x2  }
0xb9: {  	s3 =	sand.u32 $0x4000, s31;
	s1 =	sadd.s32 s1, s30  }
0xba: {  	s0 =	sor.u32 s3, s0;
	s1 =	sshll.u32 s1, $0x11  }
0xbb: {  	s0 =	sor.u32 s1, s0  }
0xbc: {  	s0 =	sadd.s32 $0x8F2B, s0  }
0xbd: {  	[sflag:s0] =	ssyncadd.remote.s32 $0x1  }
0xbe: {  	_ =	sfence.sel $0xFFFF  }
0xbf: {  	[dreg:$0x0] =	wrdreg $0xFFFFFFFF;
	(pc) =	sbr.abs _section_cstart, $3  }
0xc0: {  	[dreg:$0x1] =	wrdreg $0xFFFFFFFF  }
0xc1: {  	_ =	task.clear_ibuf [dreg:s7], $0x2FFFF;
	_ =	strace $0x9FFFFFFF  }
0xc2: {  	(tm) =	ssettm $0x7FFFFFFF  }
0xc3: {  	_ =	shalt  }
tec
execute0_lowered:
.L_overlay_start_1:
0x0: {  	(tag) =	ssettag $0x1  }
0x1: {  	s1 =	rddreg [dreg:$0x0]  }
0x2: {  	s2 =	srdreg.scid;
	s0 =	stileid.u32  }
0x3: {  	s7 =	rddreg [dreg:$0x1];
	s12 =	simm.s32 $0x3;
	s13 =	simm.s32 $0x400  }
0x4: {  	s14 =	simm.s32 $0x800;
	s15 =	simm.s32 $0x1;
	s16 =	simm.s32 $0x4800  }
0x5: {  	s17 =	simm.s32 $0x1000;
	s18 =	simm.s32 $0x1800;
	s19 =	simm.s32 $0x2000  }
0x6: {  	s20 =	simm.s32 $0x2800;
	s28 =	simm.s32 $0x6000;
	s29 =	simm.s32 $0x6800  }
0x7: {  	s30 =	simm.s32 $0x7000;
	s5 =	sand.u32 $0x1, s2;
	s3 =	sshll.u32 s0, $0x1  }
0x8: {  	s31 =	simm.s32 $0x7800;
	s2 =	simm.s32 $0x0;
	s4 =	sor.u32 s5, s3  }
0x9: {  	[smem:$0x7FF] =	sst s2;
	s21 =	ssub.s32 $0x2, s5;
	s5 =	sadd.s32 $0x2700, s7  }
0xa: {  	s3 =	sshll.u32 s4, $0x7;
	_ =	strace $0x80000047;
	s4 =	sshll.u32 s4, $0xE  }
0xb: {  	s23 =	sshrl.u32 s21, $0x1;
	s6 =	sadd.s32 s3, s7;
	s3 =	sadd.s32 $0x2600, s7  }
0xc: {  	s4 =	sadd.s32 s1, s4;
	s1 =	ssub.s32 s21, s23;
	s21 =	simm.s32 $0x3000  }
0xd: {  	s23 =	simm.s32 $0x4000;
	s8 =	sadd.s32 $0x600, s6;
	s6 =	sadd.s32 $0x1600, s6  }
0xe: {  	s22 =	sadd.s32 $0x800, s4;
	s24 =	sadd.s32 $0x1000, s4;
	[dreg:$0x3] =	wrdreg s8  }
0xf: {  	s25 =	sadd.s32 $0x1800, s4;
	s26 =	sadd.s32 $0x2000, s4;
	[dreg:$0x4] =	wrdreg s6  }
0x10: {  	s9 =	sadd.s32 $0x3000, s4;
	s10 =	sadd.s32 $0x3800, s4;
	[dreg:$0x5] =	wrdreg s22  }
0x11: {  	s11 =	smax.u32 s1, $0x1;
	s1 =	simm.s32 $0x8000;
	[dreg:$0x6] =	wrdreg s24  }
0x12: {  	v2 =	vlaneseq.u32;
	[dreg:$0x7] =	wrdreg s25;
	s6 =	sadd.s32 $0x2800, s7;
	s7 =	sadd.s32 $0x2900, s7  }
0x13: {  	vm0 =	vmmov $0xffff;
	v1 =	vshrl.u32 v2, $0x3;
	[dreg:$0x8] =	wrdreg s26;
	s8 =	sadd.s32 $0x2800, s4;
	s22 =	simm.s32 $0x3800  }
0x14: {  	v0 =	vand.u32 $0x7, v2;
	v2 =	vor.u32 $0x8, v2;
	v1 =	vmul.u32 $0x8, v1;
	s24 =	simm.s32 $0x2;
	s25 =	simm.s32 $0x5000;
	s26 =	simm.s32 $0x5800  }
.LBB2_1:
0x15: {  	s0 =	rddreg [dreg:$0x3]  }
0x16: {  	[tilespmem:s2], [sflag:$0x3] =	stream.linear.gather [hbm4b:s0+s2], $0x400, $0x38;
	[tilespmem:$0x8800] =	vst v63  }
0x17: {  	_ =	swait.ge [sflag:s12], $0x400  }
0x18: {  	[sflag:s12] =	ssyncset.done $0x0  }
0x19: {  	s0 =	rddreg [dreg:$0x4];
	[sflag:s12] =	ssyncadd.s32 $0xFFFFFC00  }
0x1a: {  	[tilespmem:s13], [sflag:$0x3] =	stream.linear.gather [hbm4b:s0+s2], $0x400, $0x38;
	[tilespmem:$0x8800] =	vst v63  }
0x1b: {  	_ =	swait.ge [sflag:s12], $0x400  }
0x1c: {  	[sflag:s12] =	ssyncset.done $0x0  }
0x1d: {  	[sflag:s12] =	ssyncadd.s32 $0xFFFFFC00  }
0x1e: {  	[tilespmem:s14], [sflag:$0x1] =	stream.linear.gather [hbm4b:s4+s2], $0x4000, $0x38;
	[tilespmem:$0x8800] =	vst v63  }
0x1f: {  	_ =	swait.ge [sflag:s15], $0x4000  }
0x20: {  	[sflag:s15] =	ssyncset.done $0x0  }
0x21: {  	s0 =	rddreg [dreg:$0x5];
	[sflag:s15] =	ssyncadd.s32 $0xFFFFC000  }
0x22: {  	[tilespmem:s16], [sflag:$0x1] =	stream.linear.gather [hbm4b:s0+s2], $0x4000, $0x38;
	[tilespmem:$0x8800] =	vst v63  }
0x23: {  	v3 =	vld [tilespmem:$0x0];
	_ =	sdelay $0x4  }
0x24: {  	v4 =	vshll.u32 v3, $0x3  }
0x25: {  	v3 =	vand.u32 $0x7, v3;
	v4 =	vand.u32 $0xFFFFFFC0, v4  }
0x26: {  	v3 =	vor.u32 v3, v4  }
0x27: {  	v4 =	vperm.xlane v3, v0;
	_ =	sdelay $0x1  }
0x28: {  	v4 =	vadd.s32 v1, v4;
	_ =	sdelay $0x4  }
0x29: {  	[hbm4b:s3+s2] =	stream.indirect_vreg.scatter [tilespmem:s14], [sflag:$0x2], $0x80, v4, vm0, $0xb8;
	[tilespmem:$0x8800] =	vst v63  }
0x2a: {  	v3 =	vperm.xlane v3, v2  }
0x2b: {  	[hbm4b:s5+s2] =	stream.indirect_vreg.scatter [tilespmem:s17], [sflag:$0x2], $0x80, v4, vm0, $0xb8;
	[tilespmem:$0x8800] =	vst v63  }
0x2c: {  	v3 =	vadd.s32 v1, v3  }
0x2d: {  	[hbm4b:s6+s2] =	stream.indirect_vreg.scatter [tilespmem:s18], [sflag:$0x2], $0x80, v4, vm0, $0xb8;
	[tilespmem:$0x8800] =	vst v63  }
0x2e: {  	_ = 	snop  }
0x2f: {  	[hbm4b:s7+s2] =	stream.indirect_vreg.scatter [tilespmem:s19], [sflag:$0x2], $0x80, v4, vm0, $0xb8;
	[tilespmem:$0x8800] =	vst v63  }
0x30: {  	_ = 	snop  }
0x31: {  	[hbm4b:s3+s2] =	stream.indirect_vreg.scatter [tilespmem:s20], [sflag:$0x2], $0x80, v3, vm0, $0xb8;
	[tilespmem:$0x8800] =	vst v63  }
0x32: {  	_ = 	snop  }
0x33: {  	[hbm4b:s5+s2] =	stream.indirect_vreg.scatter [tilespmem:s21], [sflag:$0x2], $0x80, v3, vm0, $0xb8;
	[tilespmem:$0x8800] =	vst v63  }
0x34: {  	_ = 	snop  }
0x35: {  	[hbm4b:s6+s2] =	stream.indirect_vreg.scatter [tilespmem:s22], [sflag:$0x2], $0x80, v3, vm0, $0xb8;
	[tilespmem:$0x8800] =	vst v63  }
0x36: {  	_ = 	snop  }
0x37: {  	[hbm4b:s7+s2] =	stream.indirect_vreg.scatter [tilespmem:s23], [sflag:$0x2], $0x80, v3, vm0, $0xb8;
	[tilespmem:$0x8800] =	vst v63  }
0x38: {  	v3 =	vld [tilespmem:$0x400];
	_ =	sdelay $0x4  }
0x39: {  	v49 =	vshll.u32 v3, $0x3  }
0x3a: {  	v3 =	vand.u32 $0x7, v3;
	v4 =	vand.u32 $0xFFFFFFC0, v49  }
0x3b: {  	v3 =	vor.u32 v3, v4  }
0x3c: {  	v4 =	vperm.xlane v3, v0;
	_ =	sdelay $0x1  }
0x3d: {  	v4 =	vadd.s32 v1, v4;
	_ =	sdelay $0x4  }
0x3e: {  	[hbm4b:s3+s2] =	stream.indirect_vreg.scatter [tilespmem:s14], [sflag:$0x2], $0x80, v4, vm0, $0xb8;
	[tilespmem:$0x8800] =	vst v63  }
0x3f: {  	v3 =	vperm.xlane v3, v2  }
0x40: {  	[hbm4b:s5+s2] =	stream.indirect_vreg.scatter [tilespmem:s17], [sflag:$0x2], $0x80, v4, vm0, $0xb8;
	[tilespmem:$0x8800] =	vst v63  }
0x41: {  	v3 =	vadd.s32 v1, v3  }
0x42: {  	[hbm4b:s6+s2] =	stream.indirect_vreg.scatter [tilespmem:s18], [sflag:$0x2], $0x80, v4, vm0, $0xb8;
	[tilespmem:$0x8800] =	vst v63  }
0x43: {  	_ = 	snop  }
0x44: {  	[hbm4b:s7+s2] =	stream.indirect_vreg.scatter [tilespmem:s19], [sflag:$0x2], $0x80, v4, vm0, $0xb8;
	[tilespmem:$0x8800] =	vst v63  }
0x45: {  	_ = 	snop  }
0x46: {  	[hbm4b:s3+s2] =	stream.indirect_vreg.scatter [tilespmem:s20], [sflag:$0x2], $0x80, v3, vm0, $0xb8;
	[tilespmem:$0x8800] =	vst v63  }
0x47: {  	_ = 	snop  }
0x48: {  	[hbm4b:s5+s2] =	stream.indirect_vreg.scatter [tilespmem:s21], [sflag:$0x2], $0x80, v3, vm0, $0xb8;
	[tilespmem:$0x8800] =	vst v63  }
0x49: {  	_ = 	snop  }
0x4a: {  	[hbm4b:s6+s2] =	stream.indirect_vreg.scatter [tilespmem:s22], [sflag:$0x2], $0x80, v3, vm0, $0xb8;
	[tilespmem:$0x8800] =	vst v63  }
0x4b: {  	_ = 	snop  }
0x4c: {  	[hbm4b:s7+s2] =	stream.indirect_vreg.scatter [tilespmem:s23], [sflag:$0x2], $0x80, v3, vm0, $0xb8;
	[tilespmem:$0x8800] =	vst v63  }
0x4d: {  	_ =	swait.ge [sflag:s15], $0x4000  }
0x4e: {  	[sflag:s15] =	ssyncset.done $0x0  }
0x4f: {  	[sflag:s15] =	ssyncadd.s32 $0xFFFFC000  }
0x50: {  	_ =	swait.ge [sflag:s24], $0x4000  }
0x51: {  	[sflag:s24] =	ssyncset.done $0x0  }
0x52: {  	[sflag:s24] =	ssyncadd.s32 $0xFFFFC000  }
0x53: {  	_ =	swait.ge [sflag:s24], $0x4000  }
0x54: {  	[sflag:s24] =	ssyncset.done $0x0  }
0x55: {  	s0 =	rddreg [dreg:$0x6];
	[sflag:s24] =	ssyncadd.s32 $0xFFFFC000  }
0x56: {  	[tilespmem:s14], [sflag:$0x1] =	stream.linear.gather [hbm4b:s0+s2], $0x4000, $0x38;
	[tilespmem:$0x8800] =	vst v63  }
0x57: {  	v3 =	vld [tilespmem:$0x80];
	_ =	sdelay $0x4  }
0x58: {  	v50 =	vshll.u32 v3, $0x3  }
0x59: {  	v3 =	vand.u32 $0x7, v3;
	v4 =	vand.u32 $0xFFFFFFC0, v50  }
0x5a: {  	v3 =	vor.u32 v3, v4  }
0x5b: {  	v4 =	vperm.xlane v3, v0;
	_ =	sdelay $0x1  }
0x5c: {  	v4 =	vadd.s32 v1, v4;
	_ =	sdelay $0x4  }
0x5d: {  	[hbm4b:s3+s2] =	stream.indirect_vreg.scatter [tilespmem:s16], [sflag:$0x2], $0x80, v4, vm0, $0xb8;
	[tilespmem:$0x8800] =	vst v63  }
0x5e: {  	v3 =	vperm.xlane v3, v2  }
0x5f: {  	[hbm4b:s5+s2] =	stream.indirect_vreg.scatter [tilespmem:s25], [sflag:$0x2], $0x80, v4, vm0, $0xb8;
	[tilespmem:$0x8800] =	vst v63  }
0x60: {  	v3 =	vadd.s32 v1, v3  }
0x61: {  	[hbm4b:s6+s2] =	stream.indirect_vreg.scatter [tilespmem:s26], [sflag:$0x2], $0x80, v4, vm0, $0xb8;
	[tilespmem:$0x8800] =	vst v63  }
0x62: {  	_ = 	snop  }
0x63: {  	[hbm4b:s7+s2] =	stream.indirect_vreg.scatter [tilespmem:s28], [sflag:$0x2], $0x80, v4, vm0, $0xb8;
	[tilespmem:$0x8800] =	vst v63  }
0x64: {  	_ = 	snop  }
0x65: {  	[hbm4b:s3+s2] =	stream.indirect_vreg.scatter [tilespmem:s29], [sflag:$0x2], $0x80, v3, vm0, $0xb8;
	[tilespmem:$0x8800] =	vst v63  }
0x66: {  	_ = 	snop  }
0x67: {  	[hbm4b:s5+s2] =	stream.indirect_vreg.scatter [tilespmem:s30], [sflag:$0x2], $0x80, v3, vm0, $0xb8;
	[tilespmem:$0x8800] =	vst v63  }
0x68: {  	_ = 	snop  }
0x69: {  	[hbm4b:s6+s2] =	stream.indirect_vreg.scatter [tilespmem:s31], [sflag:$0x2], $0x80, v3, vm0, $0xb8;
	[tilespmem:$0x8800] =	vst v63  }
0x6a: {  	_ = 	snop  }
0x6b: {  	[hbm4b:s7+s2] =	stream.indirect_vreg.scatter [tilespmem:s1], [sflag:$0x2], $0x80, v3, vm0, $0xb8;
	[tilespmem:$0x8800] =	vst v63  }
0x6c: {  	v3 =	vld [tilespmem:$0x480];
	_ =	sdelay $0x4  }
0x6d: {  	v51 =	vshll.u32 v3, $0x3  }
0x6e: {  	v3 =	vand.u32 $0x7, v3;
	v4 =	vand.u32 $0xFFFFFFC0, v51  }
0x6f: {  	v3 =	vor.u32 v3, v4  }
0x70: {  	v4 =	vperm.xlane v3, v0;
	_ =	sdelay $0x1  }
0x71: {  	v4 =	vadd.s32 v1, v4;
	_ =	sdelay $0x4  }
0x72: {  	[hbm4b:s3+s2] =	stream.indirect_vreg.scatter [tilespmem:s16], [sflag:$0x2], $0x80, v4, vm0, $0xb8;
	[tilespmem:$0x8800] =	vst v63  }
0x73: {  	v3 =	vperm.xlane v3, v2  }
0x74: {  	[hbm4b:s5+s2] =	stream.indirect_vreg.scatter [tilespmem:s25], [sflag:$0x2], $0x80, v4, vm0, $0xb8;
	[tilespmem:$0x8800] =	vst v63  }
0x75: {  	v3 =	vadd.s32 v1, v3  }
0x76: {  	[hbm4b:s6+s2] =	stream.indirect_vreg.scatter [tilespmem:s26], [sflag:$0x2], $0x80, v4, vm0, $0xb8;
	[tilespmem:$0x8800] =	vst v63  }
0x77: {  	_ = 	snop  }
0x78: {  	[hbm4b:s7+s2] =	stream.indirect_vreg.scatter [tilespmem:s28], [sflag:$0x2], $0x80, v4, vm0, $0xb8;
	[tilespmem:$0x8800] =	vst v63  }
0x79: {  	_ = 	snop  }
0x7a: {  	[hbm4b:s3+s2] =	stream.indirect_vreg.scatter [tilespmem:s29], [sflag:$0x2], $0x80, v3, vm0, $0xb8;
	[tilespmem:$0x8800] =	vst v63  }
0x7b: {  	_ = 	snop  }
0x7c: {  	[hbm4b:s5+s2] =	stream.indirect_vreg.scatter [tilespmem:s30], [sflag:$0x2], $0x80, v3, vm0, $0xb8;
	[tilespmem:$0x8800] =	vst v63  }
0x7d: {  	_ = 	snop  }
0x7e: {  	[hbm4b:s6+s2] =	stream.indirect_vreg.scatter [tilespmem:s31], [sflag:$0x2], $0x80, v3, vm0, $0xb8;
	[tilespmem:$0x8800] =	vst v63  }
0x7f: {  	_ = 	snop  }
0x80: {  	[hbm4b:s7+s2] =	stream.indirect_vreg.scatter [tilespmem:s1], [sflag:$0x2], $0x80, v3, vm0, $0xb8;
	[tilespmem:$0x8800] =	vst v63  }
0x81: {  	_ =	swait.ge [sflag:s15], $0x4000  }
0x82: {  	[sflag:s15] =	ssyncset.done $0x0  }
0x83: {  	[sflag:s15] =	ssyncadd.s32 $0xFFFFC000  }
0x84: {  	_ =	swait.ge [sflag:s24], $0x4000  }
0x85: {  	[sflag:s24] =	ssyncset.done $0x0  }
0x86: {  	[sflag:s24] =	ssyncadd.s32 $0xFFFFC000  }
0x87: {  	_ =	swait.ge [sflag:s24], $0x4000  }
0x88: {  	[sflag:s24] =	ssyncset.done $0x0  }
0x89: {  	s0 =	rddreg [dreg:$0x7];
	[sflag:s24] =	ssyncadd.s32 $0xFFFFC000  }
0x8a: {  	[tilespmem:s16], [sflag:$0x1] =	stream.linear.gather [hbm4b:s0+s2], $0x4000, $0x38;
	[tilespmem:$0x8800] =	vst v63  }
0x8b: {  	v3 =	vld [tilespmem:$0x100];
	_ =	sdelay $0x4  }
0x8c: {  	v52 =	vshll.u32 v3, $0x3  }
0x8d: {  	v3 =	vand.u32 $0x7, v3;
	v4 =	vand.u32 $0xFFFFFFC0, v52  }
0x8e: {  	v3 =	vor.u32 v3, v4  }
0x8f: {  	v4 =	vperm.xlane v3, v0;
	_ =	sdelay $0x1  }
0x90: {  	v4 =	vadd.s32 v1, v4;
	_ =	sdelay $0x4  }
0x91: {  	[hbm4b:s3+s2] =	stream.indirect_vreg.scatter [tilespmem:s14], [sflag:$0x2], $0x80, v4, vm0, $0xb8;
	[tilespmem:$0x8800] =	vst v63  }
0x92: {  	v3 =	vperm.xlane v3, v2  }
0x93: {  	[hbm4b:s5+s2] =	stream.indirect_vreg.scatter [tilespmem:s17], [sflag:$0x2], $0x80, v4, vm0, $0xb8;
	[tilespmem:$0x8800] =	vst v63  }
0x94: {  	v3 =	vadd.s32 v1, v3  }
0x95: {  	[hbm4b:s6+s2] =	stream.indirect_vreg.scatter [tilespmem:s18], [sflag:$0x2], $0x80, v4, vm0, $0xb8;
	[tilespmem:$0x8800] =	vst v63  }
0x96: {  	_ = 	snop  }
0x97: {  	[hbm4b:s7+s2] =	stream.indirect_vreg.scatter [tilespmem:s19], [sflag:$0x2], $0x80, v4, vm0, $0xb8;
	[tilespmem:$0x8800] =	vst v63  }
0x98: {  	_ = 	snop  }
0x99: {  	[hbm4b:s3+s2] =	stream.indirect_vreg.scatter [tilespmem:s20], [sflag:$0x2], $0x80, v3, vm0, $0xb8;
	[tilespmem:$0x8800] =	vst v63  }
0x9a: {  	_ = 	snop  }
0x9b: {  	[hbm4b:s5+s2] =	stream.indirect_vreg.scatter [tilespmem:s21], [sflag:$0x2], $0x80, v3, vm0, $0xb8;
	[tilespmem:$0x8800] =	vst v63  }
0x9c: {  	_ = 	snop  }
0x9d: {  	[hbm4b:s6+s2] =	stream.indirect_vreg.scatter [tilespmem:s22], [sflag:$0x2], $0x80, v3, vm0, $0xb8;
	[tilespmem:$0x8800] =	vst v63  }
0x9e: {  	_ = 	snop  }
0x9f: {  	[hbm4b:s7+s2] =	stream.indirect_vreg.scatter [tilespmem:s23], [sflag:$0x2], $0x80, v3, vm0, $0xb8;
	[tilespmem:$0x8800] =	vst v63  }
0xa0: {  	v3 =	vld [tilespmem:$0x500];
	_ =	sdelay $0x4  }
0xa1: {  	v53 =	vshll.u32 v3, $0x3  }
0xa2: {  	v3 =	vand.u32 $0x7, v3;
	v4 =	vand.u32 $0xFFFFFFC0, v53  }
0xa3: {  	v3 =	vor.u32 v3, v4  }
0xa4: {  	v4 =	vperm.xlane v3, v0;
	_ =	sdelay $0x1  }
0xa5: {  	v4 =	vadd.s32 v1, v4;
	_ =	sdelay $0x4  }
0xa6: {  	[hbm4b:s3+s2] =	stream.indirect_vreg.scatter [tilespmem:s14], [sflag:$0x2], $0x80, v4, vm0, $0xb8;
	[tilespmem:$0x8800] =	vst v63  }
0xa7: {  	v3 =	vperm.xlane v3, v2  }
0xa8: {  	[hbm4b:s5+s2] =	stream.indirect_vreg.scatter [tilespmem:s17], [sflag:$0x2], $0x80, v4, vm0, $0xb8;
	[tilespmem:$0x8800] =	vst v63  }
0xa9: {  	v3 =	vadd.s32 v1, v3  }
0xaa: {  	[hbm4b:s6+s2] =	stream.indirect_vreg.scatter [tilespmem:s18], [sflag:$0x2], $0x80, v4, vm0, $0xb8;
	[tilespmem:$0x8800] =	vst v63  }
0xab: {  	_ = 	snop  }
0xac: {  	[hbm4b:s7+s2] =	stream.indirect_vreg.scatter [tilespmem:s19], [sflag:$0x2], $0x80, v4, vm0, $0xb8;
	[tilespmem:$0x8800] =	vst v63  }
0xad: {  	_ = 	snop  }
0xae: {  	[hbm4b:s3+s2] =	stream.indirect_vreg.scatter [tilespmem:s20], [sflag:$0x2], $0x80, v3, vm0, $0xb8;
	[tilespmem:$0x8800] =	vst v63  }
0xaf: {  	_ = 	snop  }
0xb0: {  	[hbm4b:s5+s2] =	stream.indirect_vreg.scatter [tilespmem:s21], [sflag:$0x2], $0x80, v3, vm0, $0xb8;
	[tilespmem:$0x8800] =	vst v63  }
0xb1: {  	_ = 	snop  }
0xb2: {  	[hbm4b:s6+s2] =	stream.indirect_vreg.scatter [tilespmem:s22], [sflag:$0x2], $0x80, v3, vm0, $0xb8;
	[tilespmem:$0x8800] =	vst v63  }
0xb3: {  	_ = 	snop  }
0xb4: {  	[hbm4b:s7+s2] =	stream.indirect_vreg.scatter [tilespmem:s23], [sflag:$0x2], $0x80, v3, vm0, $0xb8;
	[tilespmem:$0x8800] =	vst v63  }
0xb5: {  	_ =	swait.ge [sflag:s15], $0x4000  }
0xb6: {  	[sflag:s15] =	ssyncset.done $0x0  }
0xb7: {  	[sflag:s15] =	ssyncadd.s32 $0xFFFFC000  }
0xb8: {  	_ =	swait.ge [sflag:s24], $0x4000  }
0xb9: {  	[sflag:s24] =	ssyncset.done $0x0  }
0xba: {  	[sflag:s24] =	ssyncadd.s32 $0xFFFFC000  }
0xbb: {  	_ =	swait.ge [sflag:s24], $0x4000  }
0xbc: {  	[sflag:s24] =	ssyncset.done $0x0  }
0xbd: {  	s0 =	rddreg [dreg:$0x8];
	[sflag:s24] =	ssyncadd.s32 $0xFFFFC000  }
0xbe: {  	[tilespmem:s14], [sflag:$0x1] =	stream.linear.gather [hbm4b:s0+s2], $0x4000, $0x38;
	[tilespmem:$0x8800] =	vst v63  }
0xbf: {  	v3 =	vld [tilespmem:$0x180];
	_ =	sdelay $0x4  }
0xc0: {  	v54 =	vshll.u32 v3, $0x3  }
0xc1: {  	v3 =	vand.u32 $0x7, v3;
	v4 =	vand.u32 $0xFFFFFFC0, v54  }
0xc2: {  	v3 =	vor.u32 v3, v4  }
0xc3: {  	v4 =	vperm.xlane v3, v0;
	_ =	sdelay $0x1  }
0xc4: {  	v4 =	vadd.s32 v1, v4;
	_ =	sdelay $0x4  }
0xc5: {  	[hbm4b:s3+s2] =	stream.indirect_vreg.scatter [tilespmem:s16], [sflag:$0x2], $0x80, v4, vm0, $0xb8;
	[tilespmem:$0x8800] =	vst v63  }
0xc6: {  	v3 =	vperm.xlane v3, v2  }
0xc7: {  	[hbm4b:s5+s2] =	stream.indirect_vreg.scatter [tilespmem:s25], [sflag:$0x2], $0x80, v4, vm0, $0xb8;
	[tilespmem:$0x8800] =	vst v63  }
0xc8: {  	v3 =	vadd.s32 v1, v3  }
0xc9: {  	[hbm4b:s6+s2] =	stream.indirect_vreg.scatter [tilespmem:s26], [sflag:$0x2], $0x80, v4, vm0, $0xb8;
	[tilespmem:$0x8800] =	vst v63  }
0xca: {  	_ = 	snop  }
0xcb: {  	[hbm4b:s7+s2] =	stream.indirect_vreg.scatter [tilespmem:s28], [sflag:$0x2], $0x80, v4, vm0, $0xb8;
	[tilespmem:$0x8800] =	vst v63  }
0xcc: {  	_ = 	snop  }
0xcd: {  	[hbm4b:s3+s2] =	stream.indirect_vreg.scatter [tilespmem:s29], [sflag:$0x2], $0x80, v3, vm0, $0xb8;
	[tilespmem:$0x8800] =	vst v63  }
0xce: {  	_ = 	snop  }
0xcf: {  	[hbm4b:s5+s2] =	stream.indirect_vreg.scatter [tilespmem:s30], [sflag:$0x2], $0x80, v3, vm0, $0xb8;
	[tilespmem:$0x8800] =	vst v63  }
0xd0: {  	_ = 	snop  }
0xd1: {  	[hbm4b:s6+s2] =	stream.indirect_vreg.scatter [tilespmem:s31], [sflag:$0x2], $0x80, v3, vm0, $0xb8;
	[tilespmem:$0x8800] =	vst v63  }
0xd2: {  	_ = 	snop  }
0xd3: {  	[hbm4b:s7+s2] =	stream.indirect_vreg.scatter [tilespmem:s1], [sflag:$0x2], $0x80, v3, vm0, $0xb8;
	[tilespmem:$0x8800] =	vst v63  }
0xd4: {  	v3 =	vld [tilespmem:$0x580];
	_ =	sdelay $0x4  }
0xd5: {  	v55 =	vshll.u32 v3, $0x3  }
0xd6: {  	v3 =	vand.u32 $0x7, v3;
	v4 =	vand.u32 $0xFFFFFFC0, v55  }
0xd7: {  	v3 =	vor.u32 v3, v4  }
0xd8: {  	v4 =	vperm.xlane v3, v0;
	_ =	sdelay $0x1  }
0xd9: {  	v4 =	vadd.s32 v1, v4;
	_ =	sdelay $0x4  }
0xda: {  	[hbm4b:s3+s2] =	stream.indirect_vreg.scatter [tilespmem:s16], [sflag:$0x2], $0x80, v4, vm0, $0xb8;
	[tilespmem:$0x8800] =	vst v63  }
0xdb: {  	v3 =	vperm.xlane v3, v2  }
0xdc: {  	[hbm4b:s5+s2] =	stream.indirect_vreg.scatter [tilespmem:s25], [sflag:$0x2], $0x80, v4, vm0, $0xb8;
	[tilespmem:$0x8800] =	vst v63  }
0xdd: {  	v3 =	vadd.s32 v1, v3  }
0xde: {  	[hbm4b:s6+s2] =	stream.indirect_vreg.scatter [tilespmem:s26], [sflag:$0x2], $0x80, v4, vm0, $0xb8;
	[tilespmem:$0x8800] =	vst v63  }
0xdf: {  	_ = 	snop  }
0xe0: {  	[hbm4b:s7+s2] =	stream.indirect_vreg.scatter [tilespmem:s28], [sflag:$0x2], $0x80, v4, vm0, $0xb8;
	[tilespmem:$0x8800] =	vst v63  }
0xe1: {  	_ = 	snop  }
0xe2: {  	[hbm4b:s3+s2] =	stream.indirect_vreg.scatter [tilespmem:s29], [sflag:$0x2], $0x80, v3, vm0, $0xb8;
	[tilespmem:$0x8800] =	vst v63  }
0xe3: {  	_ = 	snop  }
0xe4: {  	[hbm4b:s5+s2] =	stream.indirect_vreg.scatter [tilespmem:s30], [sflag:$0x2], $0x80, v3, vm0, $0xb8;
	[tilespmem:$0x8800] =	vst v63  }
0xe5: {  	_ = 	snop  }
0xe6: {  	[hbm4b:s6+s2] =	stream.indirect_vreg.scatter [tilespmem:s31], [sflag:$0x2], $0x80, v3, vm0, $0xb8;
	[tilespmem:$0x8800] =	vst v63  }
0xe7: {  	_ = 	snop  }
0xe8: {  	[hbm4b:s7+s2] =	stream.indirect_vreg.scatter [tilespmem:s1], [sflag:$0x2], $0x80, v3, vm0, $0xb8;
	[tilespmem:$0x8800] =	vst v63  }
0xe9: {  	_ =	swait.ge [sflag:s15], $0x4000  }
0xea: {  	[sflag:s15] =	ssyncset.done $0x0  }
0xeb: {  	[sflag:s15] =	ssyncadd.s32 $0xFFFFC000  }
0xec: {  	_ =	swait.ge [sflag:s24], $0x4000  }
0xed: {  	[sflag:s24] =	ssyncset.done $0x0  }
0xee: {  	[sflag:s24] =	ssyncadd.s32 $0xFFFFC000  }
0xef: {  	_ =	swait.ge [sflag:s24], $0x4000  }
0xf0: {  	[sflag:s24] =	ssyncset.done $0x0  }
0xf1: {  	[sflag:s24] =	ssyncadd.s32 $0xFFFFC000  }
0xf2: {  	[tilespmem:s16], [sflag:$0x1] =	stream.linear.gather [hbm4b:s8+s2], $0x4000, $0x38;
	[tilespmem:$0x8800] =	vst v63  }
0xf3: {  	v3 =	vld [tilespmem:$0x200];
	_ =	sdelay $0x4  }
0xf4: {  	v56 =	vshll.u32 v3, $0x3  }
0xf5: {  	v3 =	vand.u32 $0x7, v3;
	v4 =	vand.u32 $0xFFFFFFC0, v56  }
0xf6: {  	v3 =	vor.u32 v3, v4  }
0xf7: {  	v4 =	vperm.xlane v3, v0;
	_ =	sdelay $0x1  }
0xf8: {  	v4 =	vadd.s32 v1, v4;
	_ =	sdelay $0x4  }
0xf9: {  	[hbm4b:s3+s2] =	stream.indirect_vreg.scatter [tilespmem:s14], [sflag:$0x2], $0x80, v4, vm0, $0xb8;
	[tilespmem:$0x8800] =	vst v63  }
0xfa: {  	v3 =	vperm.xlane v3, v2  }
0xfb: {  	[hbm4b:s5+s2] =	stream.indirect_vreg.scatter [tilespmem:s17], [sflag:$0x2], $0x80, v4, vm0, $0xb8;
	[tilespmem:$0x8800] =	vst v63  }
0xfc: {  	v3 =	vadd.s32 v1, v3  }
0xfd: {  	[hbm4b:s6+s2] =	stream.indirect_vreg.scatter [tilespmem:s18], [sflag:$0x2], $0x80, v4, vm0, $0xb8;
	[tilespmem:$0x8800] =	vst v63  }
0xfe: {  	_ = 	snop  }
0xff: {  	[hbm4b:s7+s2] =	stream.indirect_vreg.scatter [tilespmem:s19], [sflag:$0x2], $0x80, v4, vm0, $0xb8;
	[tilespmem:$0x8800] =	vst v63  }
0x100: {  	_ = 	snop  }
0x101: {  	[hbm4b:s3+s2] =	stream.indirect_vreg.scatter [tilespmem:s20], [sflag:$0x2], $0x80, v3, vm0, $0xb8;
	[tilespmem:$0x8800] =	vst v63  }
0x102: {  	_ = 	snop  }
0x103: {  	[hbm4b:s5+s2] =	stream.indirect_vreg.scatter [tilespmem:s21], [sflag:$0x2], $0x80, v3, vm0, $0xb8;
	[tilespmem:$0x8800] =	vst v63  }
0x104: {  	_ = 	snop  }
0x105: {  	[hbm4b:s6+s2] =	stream.indirect_vreg.scatter [tilespmem:s22], [sflag:$0x2], $0x80, v3, vm0, $0xb8;
	[tilespmem:$0x8800] =	vst v63  }
0x106: {  	_ = 	snop  }
0x107: {  	[hbm4b:s7+s2] =	stream.indirect_vreg.scatter [tilespmem:s23], [sflag:$0x2], $0x80, v3, vm0, $0xb8;
	[tilespmem:$0x8800] =	vst v63  }
0x108: {  	v3 =	vld [tilespmem:$0x600];
	_ =	sdelay $0x4  }
0x109: {  	v57 =	vshll.u32 v3, $0x3  }
0x10a: {  	v3 =	vand.u32 $0x7, v3;
	v4 =	vand.u32 $0xFFFFFFC0, v57  }
0x10b: {  	v3 =	vor.u32 v3, v4  }
0x10c: {  	v4 =	vperm.xlane v3, v0;
	_ =	sdelay $0x1  }
0x10d: {  	v4 =	vadd.s32 v1, v4;
	_ =	sdelay $0x4  }
0x10e: {  	[hbm4b:s3+s2] =	stream.indirect_vreg.scatter [tilespmem:s14], [sflag:$0x2], $0x80, v4, vm0, $0xb8;
	[tilespmem:$0x8800] =	vst v63  }
0x10f: {  	v3 =	vperm.xlane v3, v2  }
0x110: {  	[hbm4b:s5+s2] =	stream.indirect_vreg.scatter [tilespmem:s17], [sflag:$0x2], $0x80, v4, vm0, $0xb8;
	[tilespmem:$0x8800] =	vst v63  }
0x111: {  	v3 =	vadd.s32 v1, v3  }
0x112: {  	[hbm4b:s6+s2] =	stream.indirect_vreg.scatter [tilespmem:s18], [sflag:$0x2], $0x80, v4, vm0, $0xb8;
	[tilespmem:$0x8800] =	vst v63  }
0x113: {  	_ = 	snop  }
0x114: {  	[hbm4b:s7+s2] =	stream.indirect_vreg.scatter [tilespmem:s19], [sflag:$0x2], $0x80, v4, vm0, $0xb8;
	[tilespmem:$0x8800] =	vst v63  }
0x115: {  	_ = 	snop  }
0x116: {  	[hbm4b:s3+s2] =	stream.indirect_vreg.scatter [tilespmem:s20], [sflag:$0x2], $0x80, v3, vm0, $0xb8;
	[tilespmem:$0x8800] =	vst v63  }
0x117: {  	_ = 	snop  }
0x118: {  	[hbm4b:s5+s2] =	stream.indirect_vreg.scatter [tilespmem:s21], [sflag:$0x2], $0x80, v3, vm0, $0xb8;
	[tilespmem:$0x8800] =	vst v63  }
0x119: {  	_ = 	snop  }
0x11a: {  	[hbm4b:s6+s2] =	stream.indirect_vreg.scatter [tilespmem:s22], [sflag:$0x2], $0x80, v3, vm0, $0xb8;
	[tilespmem:$0x8800] =	vst v63  }
0x11b: {  	_ = 	snop  }
0x11c: {  	[hbm4b:s7+s2] =	stream.indirect_vreg.scatter [tilespmem:s23], [sflag:$0x2], $0x80, v3, vm0, $0xb8;
	[tilespmem:$0x8800] =	vst v63  }
0x11d: {  	_ =	swait.ge [sflag:s15], $0x4000  }
0x11e: {  	[sflag:s15] =	ssyncset.done $0x0  }
0x11f: {  	[sflag:s15] =	ssyncadd.s32 $0xFFFFC000  }
0x120: {  	_ =	swait.ge [sflag:s24], $0x4000  }
0x121: {  	[sflag:s24] =	ssyncset.done $0x0  }
0x122: {  	[sflag:s24] =	ssyncadd.s32 $0xFFFFC000  }
0x123: {  	_ =	swait.ge [sflag:s24], $0x4000  }
0x124: {  	[sflag:s24] =	ssyncset.done $0x0  }
0x125: {  	[sflag:s24] =	ssyncadd.s32 $0xFFFFC000  }
0x126: {  	[tilespmem:s14], [sflag:$0x1] =	stream.linear.gather [hbm4b:s9+s2], $0x4000, $0x38;
	[tilespmem:$0x8800] =	vst v63  }
0x127: {  	v3 =	vld [tilespmem:$0x280];
	_ =	sdelay $0x4  }
0x128: {  	v58 =	vshll.u32 v3, $0x3  }
0x129: {  	v3 =	vand.u32 $0x7, v3;
	v4 =	vand.u32 $0xFFFFFFC0, v58  }
0x12a: {  	v3 =	vor.u32 v3, v4  }
0x12b: {  	v4 =	vperm.xlane v3, v0;
	_ =	sdelay $0x1  }
0x12c: {  	v4 =	vadd.s32 v1, v4;
	_ =	sdelay $0x4  }
0x12d: {  	[hbm4b:s3+s2] =	stream.indirect_vreg.scatter [tilespmem:s16], [sflag:$0x2], $0x80, v4, vm0, $0xb8;
	[tilespmem:$0x8800] =	vst v63  }
0x12e: {  	v3 =	vperm.xlane v3, v2  }
0x12f: {  	[hbm4b:s5+s2] =	stream.indirect_vreg.scatter [tilespmem:s25], [sflag:$0x2], $0x80, v4, vm0, $0xb8;
	[tilespmem:$0x8800] =	vst v63  }
0x130: {  	v3 =	vadd.s32 v1, v3  }
0x131: {  	[hbm4b:s6+s2] =	stream.indirect_vreg.scatter [tilespmem:s26], [sflag:$0x2], $0x80, v4, vm0, $0xb8;
	[tilespmem:$0x8800] =	vst v63  }
0x132: {  	_ = 	snop  }
0x133: {  	[hbm4b:s7+s2] =	stream.indirect_vreg.scatter [tilespmem:s28], [sflag:$0x2], $0x80, v4, vm0, $0xb8;
	[tilespmem:$0x8800] =	vst v63  }
0x134: {  	_ = 	snop  }
0x135: {  	[hbm4b:s3+s2] =	stream.indirect_vreg.scatter [tilespmem:s29], [sflag:$0x2], $0x80, v3, vm0, $0xb8;
	[tilespmem:$0x8800] =	vst v63  }
0x136: {  	_ = 	snop  }
0x137: {  	[hbm4b:s5+s2] =	stream.indirect_vreg.scatter [tilespmem:s30], [sflag:$0x2], $0x80, v3, vm0, $0xb8;
	[tilespmem:$0x8800] =	vst v63  }
0x138: {  	_ = 	snop  }
0x139: {  	[hbm4b:s6+s2] =	stream.indirect_vreg.scatter [tilespmem:s31], [sflag:$0x2], $0x80, v3, vm0, $0xb8;
	[tilespmem:$0x8800] =	vst v63  }
0x13a: {  	_ = 	snop  }
0x13b: {  	[hbm4b:s7+s2] =	stream.indirect_vreg.scatter [tilespmem:s1], [sflag:$0x2], $0x80, v3, vm0, $0xb8;
	[tilespmem:$0x8800] =	vst v63  }
0x13c: {  	v3 =	vld [tilespmem:$0x680];
	_ =	sdelay $0x4  }
0x13d: {  	v59 =	vshll.u32 v3, $0x3  }
0x13e: {  	v3 =	vand.u32 $0x7, v3;
	v4 =	vand.u32 $0xFFFFFFC0, v59  }
0x13f: {  	v3 =	vor.u32 v3, v4  }
0x140: {  	v4 =	vperm.xlane v3, v0;
	_ =	sdelay $0x1  }
0x141: {  	v4 =	vadd.s32 v1, v4;
	_ =	sdelay $0x4  }
0x142: {  	[hbm4b:s3+s2] =	stream.indirect_vreg.scatter [tilespmem:s16], [sflag:$0x2], $0x80, v4, vm0, $0xb8;
	[tilespmem:$0x8800] =	vst v63  }
0x143: {  	v3 =	vperm.xlane v3, v2  }
0x144: {  	[hbm4b:s5+s2] =	stream.indirect_vreg.scatter [tilespmem:s25], [sflag:$0x2], $0x80, v4, vm0, $0xb8;
	[tilespmem:$0x8800] =	vst v63  }
0x145: {  	v3 =	vadd.s32 v1, v3  }
0x146: {  	[hbm4b:s6+s2] =	stream.indirect_vreg.scatter [tilespmem:s26], [sflag:$0x2], $0x80, v4, vm0, $0xb8;
	[tilespmem:$0x8800] =	vst v63  }
0x147: {  	_ = 	snop  }
0x148: {  	[hbm4b:s7+s2] =	stream.indirect_vreg.scatter [tilespmem:s28], [sflag:$0x2], $0x80, v4, vm0, $0xb8;
	[tilespmem:$0x8800] =	vst v63  }
0x149: {  	_ = 	snop  }
0x14a: {  	[hbm4b:s3+s2] =	stream.indirect_vreg.scatter [tilespmem:s29], [sflag:$0x2], $0x80, v3, vm0, $0xb8;
	[tilespmem:$0x8800] =	vst v63  }
0x14b: {  	_ = 	snop  }
0x14c: {  	[hbm4b:s5+s2] =	stream.indirect_vreg.scatter [tilespmem:s30], [sflag:$0x2], $0x80, v3, vm0, $0xb8;
	[tilespmem:$0x8800] =	vst v63  }
0x14d: {  	_ = 	snop  }
0x14e: {  	[hbm4b:s6+s2] =	stream.indirect_vreg.scatter [tilespmem:s31], [sflag:$0x2], $0x80, v3, vm0, $0xb8;
	[tilespmem:$0x8800] =	vst v63  }
0x14f: {  	_ = 	snop  }
0x150: {  	[hbm4b:s7+s2] =	stream.indirect_vreg.scatter [tilespmem:s1], [sflag:$0x2], $0x80, v3, vm0, $0xb8;
	[tilespmem:$0x8800] =	vst v63  }
0x151: {  	_ =	swait.ge [sflag:s15], $0x4000  }
0x152: {  	[sflag:s15] =	ssyncset.done $0x0  }
0x153: {  	[sflag:s15] =	ssyncadd.s32 $0xFFFFC000  }
0x154: {  	_ =	swait.ge [sflag:s24], $0x4000  }
0x155: {  	[sflag:s24] =	ssyncset.done $0x0  }
0x156: {  	[sflag:s24] =	ssyncadd.s32 $0xFFFFC000  }
0x157: {  	_ =	swait.ge [sflag:s24], $0x4000  }
0x158: {  	[sflag:s24] =	ssyncset.done $0x0  }
0x159: {  	[sflag:s24] =	ssyncadd.s32 $0xFFFFC000  }
0x15a: {  	[tilespmem:s16], [sflag:$0x1] =	stream.linear.gather [hbm4b:s10+s2], $0x4000, $0x38;
	[tilespmem:$0x8800] =	vst v63  }
0x15b: {  	v3 =	vld [tilespmem:$0x300];
	_ =	sdelay $0x4  }
0x15c: {  	v60 =	vshll.u32 v3, $0x3  }
0x15d: {  	v3 =	vand.u32 $0x7, v3;
	v4 =	vand.u32 $0xFFFFFFC0, v60  }
0x15e: {  	v3 =	vor.u32 v3, v4  }
0x15f: {  	v4 =	vperm.xlane v3, v0;
	_ =	sdelay $0x1  }
0x160: {  	v4 =	vadd.s32 v1, v4;
	_ =	sdelay $0x4  }
0x161: {  	[hbm4b:s3+s2] =	stream.indirect_vreg.scatter [tilespmem:s14], [sflag:$0x2], $0x80, v4, vm0, $0xb8;
	[tilespmem:$0x8800] =	vst v63  }
0x162: {  	v3 =	vperm.xlane v3, v2  }
0x163: {  	[hbm4b:s5+s2] =	stream.indirect_vreg.scatter [tilespmem:s17], [sflag:$0x2], $0x80, v4, vm0, $0xb8;
	[tilespmem:$0x8800] =	vst v63  }
0x164: {  	v3 =	vadd.s32 v1, v3  }
0x165: {  	[hbm4b:s6+s2] =	stream.indirect_vreg.scatter [tilespmem:s18], [sflag:$0x2], $0x80, v4, vm0, $0xb8;
	[tilespmem:$0x8800] =	vst v63  }
0x166: {  	_ = 	snop  }
0x167: {  	[hbm4b:s7+s2] =	stream.indirect_vreg.scatter [tilespmem:s19], [sflag:$0x2], $0x80, v4, vm0, $0xb8;
	[tilespmem:$0x8800] =	vst v63  }
0x168: {  	_ = 	snop  }
0x169: {  	[hbm4b:s3+s2] =	stream.indirect_vreg.scatter [tilespmem:s20], [sflag:$0x2], $0x80, v3, vm0, $0xb8;
	[tilespmem:$0x8800] =	vst v63  }
0x16a: {  	_ = 	snop  }
0x16b: {  	[hbm4b:s5+s2] =	stream.indirect_vreg.scatter [tilespmem:s21], [sflag:$0x2], $0x80, v3, vm0, $0xb8;
	[tilespmem:$0x8800] =	vst v63  }
0x16c: {  	_ = 	snop  }
0x16d: {  	[hbm4b:s6+s2] =	stream.indirect_vreg.scatter [tilespmem:s22], [sflag:$0x2], $0x80, v3, vm0, $0xb8;
	[tilespmem:$0x8800] =	vst v63  }
0x16e: {  	_ = 	snop  }
0x16f: {  	[hbm4b:s7+s2] =	stream.indirect_vreg.scatter [tilespmem:s23], [sflag:$0x2], $0x80, v3, vm0, $0xb8;
	[tilespmem:$0x8800] =	vst v63  }
0x170: {  	v3 =	vld [tilespmem:$0x700];
	_ =	sdelay $0x4  }
0x171: {  	v61 =	vshll.u32 v3, $0x3  }
0x172: {  	v3 =	vand.u32 $0x7, v3;
	v4 =	vand.u32 $0xFFFFFFC0, v61  }
0x173: {  	v3 =	vor.u32 v3, v4  }
0x174: {  	v4 =	vperm.xlane v3, v0;
	_ =	sdelay $0x1  }
0x175: {  	v4 =	vadd.s32 v1, v4;
	_ =	sdelay $0x4  }
0x176: {  	[hbm4b:s3+s2] =	stream.indirect_vreg.scatter [tilespmem:s14], [sflag:$0x2], $0x80, v4, vm0, $0xb8;
	[tilespmem:$0x8800] =	vst v63  }
0x177: {  	v3 =	vperm.xlane v3, v2  }
0x178: {  	[hbm4b:s5+s2] =	stream.indirect_vreg.scatter [tilespmem:s17], [sflag:$0x2], $0x80, v4, vm0, $0xb8;
	[tilespmem:$0x8800] =	vst v63  }
0x179: {  	v3 =	vadd.s32 v1, v3  }
0x17a: {  	[hbm4b:s6+s2] =	stream.indirect_vreg.scatter [tilespmem:s18], [sflag:$0x2], $0x80, v4, vm0, $0xb8;
	[tilespmem:$0x8800] =	vst v63  }
0x17b: {  	_ = 	snop  }
0x17c: {  	[hbm4b:s7+s2] =	stream.indirect_vreg.scatter [tilespmem:s19], [sflag:$0x2], $0x80, v4, vm0, $0xb8;
	[tilespmem:$0x8800] =	vst v63  }
0x17d: {  	_ = 	snop  }
0x17e: {  	[hbm4b:s3+s2] =	stream.indirect_vreg.scatter [tilespmem:s20], [sflag:$0x2], $0x80, v3, vm0, $0xb8;
	[tilespmem:$0x8800] =	vst v63  }
0x17f: {  	_ = 	snop  }
0x180: {  	[hbm4b:s5+s2] =	stream.indirect_vreg.scatter [tilespmem:s21], [sflag:$0x2], $0x80, v3, vm0, $0xb8;
	[tilespmem:$0x8800] =	vst v63  }
0x181: {  	_ = 	snop  }
0x182: {  	[hbm4b:s6+s2] =	stream.indirect_vreg.scatter [tilespmem:s22], [sflag:$0x2], $0x80, v3, vm0, $0xb8;
	[tilespmem:$0x8800] =	vst v63  }
0x183: {  	_ = 	snop  }
0x184: {  	[hbm4b:s7+s2] =	stream.indirect_vreg.scatter [tilespmem:s23], [sflag:$0x2], $0x80, v3, vm0, $0xb8;
	[tilespmem:$0x8800] =	vst v63  }
0x185: {  	_ =	swait.ge [sflag:s15], $0x4000  }
0x186: {  	[sflag:s15] =	ssyncset.done $0x0  }
0x187: {  	[sflag:s15] =	ssyncadd.s32 $0xFFFFC000  }
0x188: {  	_ =	swait.ge [sflag:s24], $0x4000  }
0x189: {  	[sflag:s24] =	ssyncset.done $0x0  }
0x18a: {  	[sflag:s24] =	ssyncadd.s32 $0xFFFFC000  }
0x18b: {  	_ =	swait.ge [sflag:s24], $0x4000  }
0x18c: {  	[sflag:s24] =	ssyncset.done $0x0  }
0x18d: {  	[sflag:s24] =	ssyncadd.s32 $0xFFFFC000  }
0x18e: {  	v3 =	vld [tilespmem:$0x380];
	_ =	sdelay $0x4  }
0x18f: {  	v62 =	vshll.u32 v3, $0x3  }
0x190: {  	v3 =	vand.u32 $0x7, v3;
	v4 =	vand.u32 $0xFFFFFFC0, v62  }
0x191: {  	v3 =	vor.u32 v3, v4  }
0x192: {  	v4 =	vperm.xlane v3, v0;
	_ =	sdelay $0x1  }
0x193: {  	v4 =	vadd.s32 v1, v4;
	_ =	sdelay $0x4  }
0x194: {  	[hbm4b:s3+s2] =	stream.indirect_vreg.scatter [tilespmem:s16], [sflag:$0x2], $0x80, v4, vm0, $0xb8;
	[tilespmem:$0x8800] =	vst v63  }
0x195: {  	v3 =	vperm.xlane v3, v2  }
0x196: {  	[hbm4b:s5+s2] =	stream.indirect_vreg.scatter [tilespmem:s25], [sflag:$0x2], $0x80, v4, vm0, $0xb8;
	[tilespmem:$0x8800] =	vst v63  }
0x197: {  	v3 =	vadd.s32 v1, v3  }
0x198: {  	[hbm4b:s6+s2] =	stream.indirect_vreg.scatter [tilespmem:s26], [sflag:$0x2], $0x80, v4, vm0, $0xb8;
	[tilespmem:$0x8800] =	vst v63  }
0x199: {  	_ = 	snop  }
0x19a: {  	[hbm4b:s7+s2] =	stream.indirect_vreg.scatter [tilespmem:s28], [sflag:$0x2], $0x80, v4, vm0, $0xb8;
	[tilespmem:$0x8800] =	vst v63  }
0x19b: {  	_ = 	snop  }
0x19c: {  	[hbm4b:s3+s2] =	stream.indirect_vreg.scatter [tilespmem:s29], [sflag:$0x2], $0x80, v3, vm0, $0xb8;
	[tilespmem:$0x8800] =	vst v63  }
0x19d: {  	_ = 	snop  }
0x19e: {  	[hbm4b:s5+s2] =	stream.indirect_vreg.scatter [tilespmem:s30], [sflag:$0x2], $0x80, v3, vm0, $0xb8;
	[tilespmem:$0x8800] =	vst v63  }
0x19f: {  	_ = 	snop  }
0x1a0: {  	[hbm4b:s6+s2] =	stream.indirect_vreg.scatter [tilespmem:s31], [sflag:$0x2], $0x80, v3, vm0, $0xb8;
	[tilespmem:$0x8800] =	vst v63  }
0x1a1: {  	_ = 	snop  }
0x1a2: {  	[hbm4b:s7+s2] =	stream.indirect_vreg.scatter [tilespmem:s1], [sflag:$0x2], $0x80, v3, vm0, $0xb8;
	[tilespmem:$0x8800] =	vst v63  }
0x1a3: {  	v3 =	vld [tilespmem:$0x780];
	_ =	sdelay $0x4  }
0x1a4: {  	v63 =	vshll.u32 v3, $0x3  }
0x1a5: {  	v3 =	vand.u32 $0x7, v3;
	v4 =	vand.u32 $0xFFFFFFC0, v63  }
0x1a6: {  	v3 =	vor.u32 v3, v4  }
0x1a7: {  	v4 =	vperm.xlane v3, v0;
	_ =	sdelay $0x1  }
0x1a8: {  	v4 =	vadd.s32 v1, v4;
	_ =	sdelay $0x4  }
0x1a9: {  	[hbm4b:s3+s2] =	stream.indirect_vreg.scatter [tilespmem:s16], [sflag:$0x2], $0x80, v4, vm0, $0xb8;
	[tilespmem:$0x8800] =	vst v63  }
0x1aa: {  	v3 =	vperm.xlane v3, v2  }
0x1ab: {  	[hbm4b:s5+s2] =	stream.indirect_vreg.scatter [tilespmem:s25], [sflag:$0x2], $0x80, v4, vm0, $0xb8;
	[tilespmem:$0x8800] =	vst v63  }
0x1ac: {  	v3 =	vadd.s32 v1, v3  }
0x1ad: {  	[hbm4b:s6+s2] =	stream.indirect_vreg.scatter [tilespmem:s26], [sflag:$0x2], $0x80, v4, vm0, $0xb8;
	[tilespmem:$0x8800] =	vst v63  }
0x1ae: {  	_ = 	snop  }
0x1af: {  	[hbm4b:s7+s2] =	stream.indirect_vreg.scatter [tilespmem:s28], [sflag:$0x2], $0x80, v4, vm0, $0xb8;
	[tilespmem:$0x8800] =	vst v63  }
0x1b0: {  	_ = 	snop  }
0x1b1: {  	[hbm4b:s3+s2] =	stream.indirect_vreg.scatter [tilespmem:s29], [sflag:$0x2], $0x80, v3, vm0, $0xb8;
	[tilespmem:$0x8800] =	vst v63  }
0x1b2: {  	_ = 	snop  }
0x1b3: {  	[hbm4b:s5+s2] =	stream.indirect_vreg.scatter [tilespmem:s30], [sflag:$0x2], $0x80, v3, vm0, $0xb8;
	[tilespmem:$0x8800] =	vst v63  }
0x1b4: {  	_ = 	snop  }
0x1b5: {  	[hbm4b:s6+s2] =	stream.indirect_vreg.scatter [tilespmem:s31], [sflag:$0x2], $0x80, v3, vm0, $0xb8;
	[tilespmem:$0x8800] =	vst v63  }
0x1b6: {  	_ = 	snop  }
0x1b7: {  	[hbm4b:s7+s2] =	stream.indirect_vreg.scatter [tilespmem:s1], [sflag:$0x2], $0x80, v3, vm0, $0xb8;
	[tilespmem:$0x8800] =	vst v63  }
0x1b8: {  	p0 =	sne.s32 s11, $0x1;
	_ =	swait.ge [sflag:s24], $0x4000  }
.Ltmp0:
0x1b9: {  	[sflag:s24] =	ssyncset.done $0x0;
	(pc) =	sbr.rel @p0 .LBB2_1-.Ltmp0, $4  }
0x1ba: {  	[sflag:s24] =	ssyncadd.s32 $0xFFFFC000  }
0x1bb: {  	_ =	swait.ge [sflag:s24], $0x4000  }
0x1bc: {  	[sflag:s24] =	ssyncset.done $0x0  }
0x1bd: {  	s11 =	sadd.s32 $0xFFFFFFFF, s11;
	[sflag:s24] =	ssyncadd.s32 $0xFFFFC000  }
0x1be: {  	_ =	sfence.sel $0x180000  }
0x1bf: {  	[bflag:$0x0] =	sbarrier.arrive $0xFFFF  }
0x1c0: {  	_ =	strace $0x90000047  }
0x1c1: {  	s0 =	stileid.u32;
	[bflag:$0x2] =	sbarrier.arrive $0xFFFF  }
0x1c2: {  	p0 =	sne.s32 s0, $0x0;
	s0 =	rddreg [dreg:$0x2]  }
0x1c3: {  	s0 =	sadd.s32 @!p0 $0x100000, s0  }
0x1c4: {  	[sflag:s0] =	ssyncadd.tile.s32 @!p0 $0x1;
	_ =	shalt  }
.Lfunc_end2:
_tile_overlayer_lowered:
.L_overlay_start_2:
0x1c5: {  	(tag) =	ssettag $0x2  }
0x1c6: {  	s0 =	rddreg [dreg:$0x0];
	s2 =	stileid.u32  }
0x1c7: {  	s1 =	rddreg [dreg:$0x1];
	p0 =	sne.s32 s2, $0x0  }
0x1c8: {  	s3 =	rddreg [dreg:$0x2];
	[bflag:$0x3] =	sbarrier.arrive $0xFFFF;
	s2 =	simm.s32 @!p0 $0x1C03  }
0x1c9: {  	[timem:s3], [sflag:s2] =	dma.local @!p0 [hbm:s0], s1  }
0x1ca: {  	s0 =	simm.s32 @!p0 $0x3  }
0x1cb: {  	_ =	swait.ge @!p0 [sflag:s0], s1  }
0x1cc: {  	s1 =	ssub.s32 @!p0 $0x0, s1;
	[sflag:s0] =	ssyncset.done @!p0 $0x0  }
0x1cd: {  	[sflag:s0] =	ssyncadd.s32 @!p0 s1  }
0x1ce: {  	[bflag:$0x3] =	sbarrier.arrive $0xFFFF  }
0x1cf: {  	_ =	shalt  }

</sc_bundles>
